<compile_context>
chip_gen: v7x
topology: tpu7x:2x2x1
jax: 0.10.2.dev20260603
libtpu: 0.0.44.dev20260713+nightly
codegen_flags: <defaults>
</compile_context>

<pallas_src>
import functools

import jax
import jax.numpy as jnp
from jax import lax
from jax.experimental import pallas as pl
from jax.experimental.pallas import tpu as pltpu
from jax.experimental.pallas import tpu_sc as plsc

_D = 64
_BATCH = 4096
_HIST = 50
_NW = 32
_C = 128
_NBUF = 5

_mesh = plsc.VectorSubcoreMesh(core_axis_name="c", subcore_axis_name="s")


@functools.partial(
    pl.kernel,
    mesh=_mesh,
    out_type=jax.ShapeDtypeStruct(
        (_HIST, _D // 8, _NW, 8, _C), jnp.float32
    ),
    scratch_types=[
        pltpu.VMEM((_HIST, _C), jnp.int32),
        pltpu.VMEM((_NBUF, _C, _D), jnp.float32),
        pltpu.VMEM((_NBUF, _D // 8, 8, _C + 1), jnp.float32),
        pltpu.SemaphoreType.DMA((_NBUF,)),
        pltpu.SemaphoreType.DMA((_NBUF,)),
    ],
    compiler_params=pltpu.CompilerParams(
        use_tc_tiling_on_sc=False,
        needs_layout_passes=False,
        disable_bounds_checks=True,
    ),
)
def _embed(table_hbm, x_hbm, out_hbm, idx_v, rows_v, blk_v, gsem, wsem):
    wid = lax.axis_index("s") * 2 + lax.axis_index("c")
    lanes = lax.broadcasted_iota(jnp.int32, (16,), 0)
    evecs = [lanes + (c * 16) for c in range(4)]
    trvecs = [lax.shift_right_logical(ev, 3) for ev in evecs]
    rvecs = [lax.bitwise_and(ev, jnp.full((16,), 7, jnp.int32)) for ev in evecs]

    pltpu.sync_copy(x_hbm.at[:, pl.ds(wid * _C, _C)], idx_v)

    def fire(h, b):
        pltpu.async_copy(table_hbm.at[idx_v.at[h]], rows_v.at[b], gsem.at[b])

    for b in range(_NBUF - 1):
        fire(b, b)

    def outer(t, carry):
        for b in range(_NBUF):
            h = _NBUF * t + b

            @pl.when(h + _NBUF - 1 < _HIST)
            def _():
                fire(h + _NBUF - 1, (b + _NBUF - 1) % _NBUF)

            pltpu.make_async_copy(
                table_hbm.at[idx_v.at[0]], rows_v.at[b], gsem.at[b]
            ).wait()

            @pl.when(h >= _NBUF)
            def _():
                pltpu.make_async_copy(
                    blk_v.at[b, :, :, pl.ds(0, _C)], out_hbm.at[0, :, 0],
                    wsem.at[b],
                ).wait()

            rows_ref = rows_v.at[b]
            blk_ref = blk_v.at[b]

            one = jnp.ones((16,), jnp.int32)

            @plsc.parallel_loop(
                0, _C, step=1, unroll=8, carry=jnp.zeros((16,), jnp.int32)
            )
            def _transpose(l, lv):
                for c in range(4):
                    v = rows_ref[l, pl.ds(c * 16, 16)]
                    plsc.store_scatter(
                        blk_ref, [trvecs[c], rvecs[c], lv], v
                    )
                return lv + one

            pltpu.async_copy(
                blk_v.at[b, :, :, pl.ds(0, _C)], out_hbm.at[h, :, wid],
                wsem.at[b],
            )
        return carry

    lax.fori_loop(0, _HIST // _NBUF, outer, 0)

    for b in range(_NBUF):
        pltpu.make_async_copy(
            blk_v.at[b, :, :, pl.ds(0, _C)], out_hbm.at[0, :, 0], wsem.at[b]
        ).wait()


def kernel(x, table):
    xw = x.T.astype(jnp.int32)
    out5 = _embed(table, xw)
    out = out5.transpose(2, 4, 0, 1, 3).reshape(_BATCH, _HIST, _D)
    return out

# --- scband reference (transcript-rebuilt; emitter-appended) ---
"""Pipeline reference for scband-embedder-69174743269991 (READ-ONLY COPY).

The authoritative reference and input builder live on the scoring server;
editing this copy changes nothing except your own understanding.
"""

import jax, jax.numpy as jnp
import numpy as np

VOCAB = 100000
EMBED_DIM = 64
BATCH = 4096
HIST = 50

def setup_inputs(seed: int = 0) -> dict:
    key = jax.random.key(seed)
    k1, k2 = jax.random.split(key)
    x = jax.random.randint(k1, (BATCH, HIST), 0, VOCAB, dtype=jnp.int64 if jax.config.jax_enable_x64 else jnp.int32)
    table = jax.random.normal(k2, (VOCAB, EMBED_DIM), dtype=jnp.float32) * 0.05
    return {"x": x, "table": table}

def reference(x, table):
    # Keras Embedding(mask_zero=True): output values are a plain gather;
    # mask_zero only attaches a mask for downstream layers, values unchanged.
    return jnp.take(table, x, axis=0)

if __name__ == "__main__":
    import jax
    _d = setup_inputs()
    print(jax.jit(kernel)(*tuple(_d.values())))

</pallas_src>

<mosaic_0001>
#map = affine_map<(d0, d1) -> (0, 0)>
#map1 = affine_map<(d0, d1) -> (0, 0, 0, 0, 0)>
module attributes {stable_mosaic.version = 14 : i64} {
  func.func @_embed(%arg0: i32, %arg1: i32, %arg2: memref<100000x64xf32, #tpu.memory_space<hbm>>, %arg3: memref<50x4096xi32, #tpu.memory_space<hbm>>, %arg4: memref<50x8x32x8x128xf32, #tpu.memory_space<hbm>>, %arg5: memref<50x128xi32, #tpu.memory_space<vmem>>, %arg6: memref<5x128x64xf32, #tpu.memory_space<vmem>>, %arg7: memref<5x8x8x129xf32, #tpu.memory_space<vmem>>, %arg8: memref<5x!tpu.dma_semaphore, #tpu.memory_space<semaphore_mem>>, %arg9: memref<5x!tpu.dma_semaphore, #tpu.memory_space<semaphore_mem>>) attributes {dimension_semantics = [#tpu.dimension_semantics<core_parallel>, #tpu.dimension_semantics<subcore_parallel>], iteration_bounds = array<i64: 2, 16>, scalar_prefetch = 0 : i64, scratch_operands = 5 : i64, tpu.core_type = #tpu.core_type<sc_vector_subcore>, window_params = [{transform_indices = #map}, {transform_indices = #map}, {transform_indices = #map1}]} {
    %mul3A = arith.constant 2 : i32
    %mul3A_0 = arith.muli %arg1, %mul3A : i32
    %add3A = arith.addi %mul3A_0, %arg0 : i32
    %iota3A = tpu.iota {dimensions = array<i32: 0>} : vector<16xi32>
    %add3A_1 = arith.constant 0 : i32
    %add3A_2 = vector.broadcast %add3A_1 : i32 to vector<16xi32>
    %add3A_3 = arith.addi %iota3A, %add3A_2 : vector<16xi32>
    %add3A_4 = arith.constant 16 : i32
    %add3A_5 = vector.broadcast %add3A_4 : i32 to vector<16xi32>
    %add3A_6 = arith.addi %iota3A, %add3A_5 : vector<16xi32>
    %add3A_7 = arith.constant 32 : i32
    %add3A_8 = vector.broadcast %add3A_7 : i32 to vector<16xi32>
    %add3A_9 = arith.addi %iota3A, %add3A_8 : vector<16xi32>
    %add3A_10 = arith.constant 48 : i32
    %add3A_11 = vector.broadcast %add3A_10 : i32 to vector<16xi32>
    %add3A_12 = arith.addi %iota3A, %add3A_11 : vector<16xi32>
    %shift_right_logical3A = arith.constant 3 : i32
    %shift_right_logical3A_13 = vector.broadcast %shift_right_logical3A : i32 to vector<16xi32>
    %shift_right_logical3A_14 = arith.shrui %add3A_3, %shift_right_logical3A_13 : vector<16xi32>
    %shift_right_logical3A_15 = arith.constant 3 : i32
    %shift_right_logical3A_16 = vector.broadcast %shift_right_logical3A_15 : i32 to vector<16xi32>
    %shift_right_logical3A_17 = arith.shrui %add3A_6, %shift_right_logical3A_16 : vector<16xi32>
    %shift_right_logical3A_18 = arith.constant 3 : i32
    %shift_right_logical3A_19 = vector.broadcast %shift_right_logical3A_18 : i32 to vector<16xi32>
    %shift_right_logical3A_20 = arith.shrui %add3A_9, %shift_right_logical3A_19 : vector<16xi32>
    %shift_right_logical3A_21 = arith.constant 3 : i32
    %shift_right_logical3A_22 = vector.broadcast %shift_right_logical3A_21 : i32 to vector<16xi32>
    %shift_right_logical3A_23 = arith.shrui %add3A_12, %shift_right_logical3A_22 : vector<16xi32>
    %broadcast_in_dim3A = arith.constant 7 : i32
    %broadcast_in_dim3A_24 = vector.broadcast %broadcast_in_dim3A : i32 to vector<16xi32>
    %and3A = arith.andi %add3A_3, %broadcast_in_dim3A_24 : vector<16xi32>
    %broadcast_in_dim3A_25 = arith.constant 7 : i32
    %broadcast_in_dim3A_26 = vector.broadcast %broadcast_in_dim3A_25 : i32 to vector<16xi32>
    %and3A_27 = arith.andi %add3A_6, %broadcast_in_dim3A_26 : vector<16xi32>
    %broadcast_in_dim3A_28 = arith.constant 7 : i32
    %broadcast_in_dim3A_29 = vector.broadcast %broadcast_in_dim3A_28 : i32 to vector<16xi32>
    %and3A_30 = arith.andi %add3A_9, %broadcast_in_dim3A_29 : vector<16xi32>
    %broadcast_in_dim3A_31 = arith.constant 7 : i32
    %broadcast_in_dim3A_32 = vector.broadcast %broadcast_in_dim3A_31 : i32 to vector<16xi32>
    %and3A_33 = arith.andi %add3A_12, %broadcast_in_dim3A_32 : vector<16xi32>
    %mul3A_34 = arith.constant 128 : i32
    %mul3A_35 = arith.muli %add3A, %mul3A_34 : i32
    "tpu.region"() ({
      %run_scoped3A = tpu.sem_alloc : memref<!tpu.dma_semaphore, #tpu.memory_space<semaphore_mem>>
      %dma_start3A_229 = arith.constant 0 : i32
      %dma_start3A_230 = tpu.memref_slice %arg3[%dma_start3A_229, %mul3A_35] : memref<50x4096xi32, #tpu.memory_space<hbm>> -> memref<50x128xi32, #tpu.memory_space<hbm>>
      %dma_start3A_231 = arith.constant 0 : i32
      %dma_start3A_232 = tpu.memref_slice %arg3[%dma_start3A_231, %mul3A_35] : memref<50x4096xi32, #tpu.memory_space<hbm>> -> memref<50x128xi32, #tpu.memory_space<hbm>>
      tpu.enqueue_dma source(%dma_start3A_232 : memref<50x128xi32, #tpu.memory_space<hbm>>) target(%arg5 : memref<50x128xi32, #tpu.memory_space<vmem>>) target_semaphore(%run_scoped3A : memref<!tpu.dma_semaphore, #tpu.memory_space<semaphore_mem>>)
      %dma_wait3A_233 = arith.constant 0 : i32
      %dma_wait3A_234 = tpu.memref_slice %arg3[%dma_wait3A_233, %mul3A_35] : memref<50x4096xi32, #tpu.memory_space<hbm>> -> memref<50x128xi32, #tpu.memory_space<hbm>>
      %dma_wait3A_235 = arith.constant 0 : i32
      %dma_wait3A_236 = tpu.memref_slice %arg3[%dma_wait3A_235, %mul3A_35] : memref<50x4096xi32, #tpu.memory_space<hbm>> -> memref<50x128xi32, #tpu.memory_space<hbm>>
      tpu.wait_dma2 semaphore(%run_scoped3A : memref<!tpu.dma_semaphore, #tpu.memory_space<semaphore_mem>>) src(%dma_wait3A_236 : memref<50x128xi32, #tpu.memory_space<hbm>>) dst(%arg5 : memref<50x128xi32, #tpu.memory_space<vmem>>)
      tpu.yield
    }) : () -> ()
    %dma_start3A = arith.constant 0 : i32
    %dma_start3A_36 = arith.constant 0 : i32
    %dma_start3A_37 = arith.constant 0 : i32
    %dma_start3A_38 = arith.constant 0 : i32
    %dma_start3A_39 = arith.constant 0 : i32
    %dma_start3A_40 = tpu.memref_slice %arg6[%dma_start3A_36, %dma_start3A_38, %dma_start3A_39] : memref<5x128x64xf32, #tpu.memory_space<vmem>> -> memref<1x128x64xf32, #tpu.memory_space<vmem>>
    %dma_start3A_41 = tpu.memref_squeeze %dma_start3A_40 : memref<1x128x64xf32, #tpu.memory_space<vmem>> -> memref<128x64xf32, #tpu.memory_space<vmem>>
    %dma_start3A_42 = arith.constant 0 : i32
    %dma_start3A_43 = tpu.memref_slice %arg5[%dma_start3A, %dma_start3A_42] : memref<50x128xi32, #tpu.memory_space<vmem>> -> memref<1x128xi32, #tpu.memory_space<vmem>>
    %dma_start3A_44 = tpu.memref_squeeze %dma_start3A_43 : memref<1x128xi32, #tpu.memory_space<vmem>> -> memref<128xi32, #tpu.memory_space<vmem>>
    %dma_start3A_45 = arith.constant 0 : i32
    %dma_start3A_46 = arith.constant 0 : i32
    %dma_start3A_47 = tpu.memref_slice %arg2[%dma_start3A_45, %dma_start3A_46] : memref<100000x64xf32, #tpu.memory_space<hbm>> -> memref<100000x64xf32, #tpu.memory_space<hbm>>
    %dma_start3A_48 = tpu.memref_slice %arg8[%dma_start3A_37] : memref<5x!tpu.dma_semaphore, #tpu.memory_space<semaphore_mem>> -> memref<1x!tpu.dma_semaphore, #tpu.memory_space<semaphore_mem>>
    %dma_start3A_49 = tpu.memref_squeeze %dma_start3A_48 : memref<1x!tpu.dma_semaphore, #tpu.memory_space<semaphore_mem>> -> memref<!tpu.dma_semaphore, #tpu.memory_space<semaphore_mem>>
    tpu.enqueue_indirect_dma source(%dma_start3A_47 : memref<100000x64xf32, #tpu.memory_space<hbm>>) target(%dma_start3A_41 : memref<128x64xf32, #tpu.memory_space<vmem>>) offsets(%dma_start3A_44 : memref<128xi32, #tpu.memory_space<vmem>>) semaphore(%dma_start3A_49 : memref<!tpu.dma_semaphore, #tpu.memory_space<semaphore_mem>>)
    %dma_start3A_50 = arith.constant 1 : i32
    %dma_start3A_51 = arith.constant 1 : i32
    %dma_start3A_52 = arith.constant 1 : i32
    %dma_start3A_53 = arith.constant 0 : i32
    %dma_start3A_54 = arith.constant 0 : i32
    %dma_start3A_55 = tpu.memref_slice %arg6[%dma_start3A_51, %dma_start3A_53, %dma_start3A_54] : memref<5x128x64xf32, #tpu.memory_space<vmem>> -> memref<1x128x64xf32, #tpu.memory_space<vmem>>
    %dma_start3A_56 = tpu.memref_squeeze %dma_start3A_55 : memref<1x128x64xf32, #tpu.memory_space<vmem>> -> memref<128x64xf32, #tpu.memory_space<vmem>>
    %dma_start3A_57 = arith.constant 0 : i32
    %dma_start3A_58 = tpu.memref_slice %arg5[%dma_start3A_50, %dma_start3A_57] : memref<50x128xi32, #tpu.memory_space<vmem>> -> memref<1x128xi32, #tpu.memory_space<vmem>>
    %dma_start3A_59 = tpu.memref_squeeze %dma_start3A_58 : memref<1x128xi32, #tpu.memory_space<vmem>> -> memref<128xi32, #tpu.memory_space<vmem>>
    %dma_start3A_60 = arith.constant 0 : i32
    %dma_start3A_61 = arith.constant 0 : i32
    %dma_start3A_62 = tpu.memref_slice %arg2[%dma_start3A_60, %dma_start3A_61] : memref<100000x64xf32, #tpu.memory_space<hbm>> -> memref<100000x64xf32, #tpu.memory_space<hbm>>
    %dma_start3A_63 = tpu.memref_slice %arg8[%dma_start3A_52] : memref<5x!tpu.dma_semaphore, #tpu.memory_space<semaphore_mem>> -> memref<1x!tpu.dma_semaphore, #tpu.memory_space<semaphore_mem>>
    %dma_start3A_64 = tpu.memref_squeeze %dma_start3A_63 : memref<1x!tpu.dma_semaphore, #tpu.memory_space<semaphore_mem>> -> memref<!tpu.dma_semaphore, #tpu.memory_space<semaphore_mem>>
    tpu.enqueue_indirect_dma source(%dma_start3A_62 : memref<100000x64xf32, #tpu.memory_space<hbm>>) target(%dma_start3A_56 : memref<128x64xf32, #tpu.memory_space<vmem>>) offsets(%dma_start3A_59 : memref<128xi32, #tpu.memory_space<vmem>>) semaphore(%dma_start3A_64 : memref<!tpu.dma_semaphore, #tpu.memory_space<semaphore_mem>>)
    %dma_start3A_65 = arith.constant 2 : i32
    %dma_start3A_66 = arith.constant 2 : i32
    %dma_start3A_67 = arith.constant 2 : i32
    %dma_start3A_68 = arith.constant 0 : i32
    %dma_start3A_69 = arith.constant 0 : i32
    %dma_start3A_70 = tpu.memref_slice %arg6[%dma_start3A_66, %dma_start3A_68, %dma_start3A_69] : memref<5x128x64xf32, #tpu.memory_space<vmem>> -> memref<1x128x64xf32, #tpu.memory_space<vmem>>
    %dma_start3A_71 = tpu.memref_squeeze %dma_start3A_70 : memref<1x128x64xf32, #tpu.memory_space<vmem>> -> memref<128x64xf32, #tpu.memory_space<vmem>>
    %dma_start3A_72 = arith.constant 0 : i32
    %dma_start3A_73 = tpu.memref_slice %arg5[%dma_start3A_65, %dma_start3A_72] : memref<50x128xi32, #tpu.memory_space<vmem>> -> memref<1x128xi32, #tpu.memory_space<vmem>>
    %dma_start3A_74 = tpu.memref_squeeze %dma_start3A_73 : memref<1x128xi32, #tpu.memory_space<vmem>> -> memref<128xi32, #tpu.memory_space<vmem>>
    %dma_start3A_75 = arith.constant 0 : i32
    %dma_start3A_76 = arith.constant 0 : i32
    %dma_start3A_77 = tpu.memref_slice %arg2[%dma_start3A_75, %dma_start3A_76] : memref<100000x64xf32, #tpu.memory_space<hbm>> -> memref<100000x64xf32, #tpu.memory_space<hbm>>
    %dma_start3A_78 = tpu.memref_slice %arg8[%dma_start3A_67] : memref<5x!tpu.dma_semaphore, #tpu.memory_space<semaphore_mem>> -> memref<1x!tpu.dma_semaphore, #tpu.memory_space<semaphore_mem>>
    %dma_start3A_79 = tpu.memref_squeeze %dma_start3A_78 : memref<1x!tpu.dma_semaphore, #tpu.memory_space<semaphore_mem>> -> memref<!tpu.dma_semaphore, #tpu.memory_space<semaphore_mem>>
    tpu.enqueue_indirect_dma source(%dma_start3A_77 : memref<100000x64xf32, #tpu.memory_space<hbm>>) target(%dma_start3A_71 : memref<128x64xf32, #tpu.memory_space<vmem>>) offsets(%dma_start3A_74 : memref<128xi32, #tpu.memory_space<vmem>>) semaphore(%dma_start3A_79 : memref<!tpu.dma_semaphore, #tpu.memory_space<semaphore_mem>>)
    %dma_start3A_80 = arith.constant 3 : i32
    %dma_start3A_81 = arith.constant 3 : i32
    %dma_start3A_82 = arith.constant 3 : i32
    %dma_start3A_83 = arith.constant 0 : i32
    %dma_start3A_84 = arith.constant 0 : i32
    %dma_start3A_85 = tpu.memref_slice %arg6[%dma_start3A_81, %dma_start3A_83, %dma_start3A_84] : memref<5x128x64xf32, #tpu.memory_space<vmem>> -> memref<1x128x64xf32, #tpu.memory_space<vmem>>
    %dma_start3A_86 = tpu.memref_squeeze %dma_start3A_85 : memref<1x128x64xf32, #tpu.memory_space<vmem>> -> memref<128x64xf32, #tpu.memory_space<vmem>>
    %dma_start3A_87 = arith.constant 0 : i32
    %dma_start3A_88 = tpu.memref_slice %arg5[%dma_start3A_80, %dma_start3A_87] : memref<50x128xi32, #tpu.memory_space<vmem>> -> memref<1x128xi32, #tpu.memory_space<vmem>>
    %dma_start3A_89 = tpu.memref_squeeze %dma_start3A_88 : memref<1x128xi32, #tpu.memory_space<vmem>> -> memref<128xi32, #tpu.memory_space<vmem>>
    %dma_start3A_90 = arith.constant 0 : i32
    %dma_start3A_91 = arith.constant 0 : i32
    %dma_start3A_92 = tpu.memref_slice %arg2[%dma_start3A_90, %dma_start3A_91] : memref<100000x64xf32, #tpu.memory_space<hbm>> -> memref<100000x64xf32, #tpu.memory_space<hbm>>
    %dma_start3A_93 = tpu.memref_slice %arg8[%dma_start3A_82] : memref<5x!tpu.dma_semaphore, #tpu.memory_space<semaphore_mem>> -> memref<1x!tpu.dma_semaphore, #tpu.memory_space<semaphore_mem>>
    %dma_start3A_94 = tpu.memref_squeeze %dma_start3A_93 : memref<1x!tpu.dma_semaphore, #tpu.memory_space<semaphore_mem>> -> memref<!tpu.dma_semaphore, #tpu.memory_space<semaphore_mem>>
    tpu.enqueue_indirect_dma source(%dma_start3A_92 : memref<100000x64xf32, #tpu.memory_space<hbm>>) target(%dma_start3A_86 : memref<128x64xf32, #tpu.memory_space<vmem>>) offsets(%dma_start3A_89 : memref<128xi32, #tpu.memory_space<vmem>>) semaphore(%dma_start3A_94 : memref<!tpu.dma_semaphore, #tpu.memory_space<semaphore_mem>>)
    %scan3A = arith.constant 0 : i32
    %scan3A_95 = arith.constant 0 : i32
    %scan3A_96 = arith.constant 10 : i32
    %scan3A_97 = arith.addi %scan3A_95, %scan3A_96 : i32
    %scan3A_98 = arith.constant 1 : i32
    scf.for %scan3A_229 = %scan3A_95 to %scan3A_97 step %scan3A_98  : i32 {
      %mul3A_230 = arith.constant 5 : i32
      %mul3A_231 = arith.muli %mul3A_230, %scan3A_229 : i32
      %add3A_232 = arith.constant 0 : i32
      %add3A_233 = arith.addi %mul3A_231, %add3A_232 : i32
      %add3A_234 = arith.constant 5 : i32
      %add3A_235 = arith.addi %add3A_233, %add3A_234 : i32
      %sub3A = arith.constant 1 : i32
      %sub3A_236 = arith.subi %add3A_235, %sub3A : i32
      %lt3A = arith.constant 50 : i32
      %lt3A_237 = arith.cmpi slt, %sub3A_236, %lt3A : i32
      %convert_element_type3A = arith.extui %lt3A_237 : i1 to i32
      %cond3A = arith.constant 0 : i32
      %cond3A_238 = arith.cmpi ne, %convert_element_type3A, %cond3A : i32
      scf.if %cond3A_238 {
        %add3A_559 = arith.constant 5 : i32
        %add3A_560 = arith.addi %add3A_233, %add3A_559 : i32
        %sub3A_561 = arith.constant 1 : i32
        %sub3A_562 = arith.subi %add3A_560, %sub3A_561 : i32
        %dma_start3A_563 = arith.constant 4 : i32
        %dma_start3A_564 = arith.constant 4 : i32
        %dma_start3A_565 = arith.constant 0 : i32
        %dma_start3A_566 = arith.constant 0 : i32
        %dma_start3A_567 = tpu.memref_slice %arg6[%dma_start3A_563, %dma_start3A_565, %dma_start3A_566] : memref<5x128x64xf32, #tpu.memory_space<vmem>> -> memref<1x128x64xf32, #tpu.memory_space<vmem>>
        %dma_start3A_568 = tpu.memref_squeeze %dma_start3A_567 : memref<1x128x64xf32, #tpu.memory_space<vmem>> -> memref<128x64xf32, #tpu.memory_space<vmem>>
        %dma_start3A_569 = arith.constant 0 : i32
        %dma_start3A_570 = tpu.memref_slice %arg5[%sub3A_562, %dma_start3A_569] : memref<50x128xi32, #tpu.memory_space<vmem>> -> memref<1x128xi32, #tpu.memory_space<vmem>>
        %dma_start3A_571 = tpu.memref_squeeze %dma_start3A_570 : memref<1x128xi32, #tpu.memory_space<vmem>> -> memref<128xi32, #tpu.memory_space<vmem>>
        %dma_start3A_572 = arith.constant 0 : i32
        %dma_start3A_573 = arith.constant 0 : i32
        %dma_start3A_574 = tpu.memref_slice %arg2[%dma_start3A_572, %dma_start3A_573] : memref<100000x64xf32, #tpu.memory_space<hbm>> -> memref<100000x64xf32, #tpu.memory_space<hbm>>
        %dma_start3A_575 = tpu.memref_slice %arg8[%dma_start3A_564] : memref<5x!tpu.dma_semaphore, #tpu.memory_space<semaphore_mem>> -> memref<1x!tpu.dma_semaphore, #tpu.memory_space<semaphore_mem>>
        %dma_start3A_576 = tpu.memref_squeeze %dma_start3A_575 : memref<1x!tpu.dma_semaphore, #tpu.memory_space<semaphore_mem>> -> memref<!tpu.dma_semaphore, #tpu.memory_space<semaphore_mem>>
        tpu.enqueue_indirect_dma source(%dma_start3A_574 : memref<100000x64xf32, #tpu.memory_space<hbm>>) target(%dma_start3A_568 : memref<128x64xf32, #tpu.memory_space<vmem>>) offsets(%dma_start3A_571 : memref<128xi32, #tpu.memory_space<vmem>>) semaphore(%dma_start3A_576 : memref<!tpu.dma_semaphore, #tpu.memory_space<semaphore_mem>>)
      } else {
      }
      %dma_wait3A_239 = arith.constant 0 : i32
      %dma_wait3A_240 = arith.constant 0 : i32
      %dma_wait3A_241 = arith.constant 0 : i32
      %dma_wait3A_242 = arith.constant 0 : i32
      %dma_wait3A_243 = arith.constant 0 : i32
      %dma_wait3A_244 = tpu.memref_slice %arg6[%dma_wait3A_240, %dma_wait3A_242, %dma_wait3A_243] : memref<5x128x64xf32, #tpu.memory_space<vmem>> -> memref<1x128x64xf32, #tpu.memory_space<vmem>>
      %dma_wait3A_245 = tpu.memref_squeeze %dma_wait3A_244 : memref<1x128x64xf32, #tpu.memory_space<vmem>> -> memref<128x64xf32, #tpu.memory_space<vmem>>
      %dma_wait3A_246 = arith.constant 0 : i32
      %dma_wait3A_247 = tpu.memref_slice %arg5[%dma_wait3A_239, %dma_wait3A_246] : memref<50x128xi32, #tpu.memory_space<vmem>> -> memref<1x128xi32, #tpu.memory_space<vmem>>
      %dma_wait3A_248 = tpu.memref_squeeze %dma_wait3A_247 : memref<1x128xi32, #tpu.memory_space<vmem>> -> memref<128xi32, #tpu.memory_space<vmem>>
      %dma_wait3A_249 = arith.constant 0 : i32
      %dma_wait3A_250 = arith.constant 0 : i32
      %dma_wait3A_251 = tpu.memref_slice %arg2[%dma_wait3A_249, %dma_wait3A_250] : memref<100000x64xf32, #tpu.memory_space<hbm>> -> memref<100000x64xf32, #tpu.memory_space<hbm>>
      %dma_wait3A_252 = tpu.memref_slice %arg8[%dma_wait3A_241] : memref<5x!tpu.dma_semaphore, #tpu.memory_space<semaphore_mem>> -> memref<1x!tpu.dma_semaphore, #tpu.memory_space<semaphore_mem>>
      %dma_wait3A_253 = tpu.memref_squeeze %dma_wait3A_252 : memref<1x!tpu.dma_semaphore, #tpu.memory_space<semaphore_mem>> -> memref<!tpu.dma_semaphore, #tpu.memory_space<semaphore_mem>>
      tpu.wait_indirect_dma semaphore(%dma_wait3A_253 : memref<!tpu.dma_semaphore, #tpu.memory_space<semaphore_mem>>) src(%dma_wait3A_251 : memref<100000x64xf32, #tpu.memory_space<hbm>>) dst(%dma_wait3A_245 : memref<128x64xf32, #tpu.memory_space<vmem>>)
      %ge3A = arith.constant 5 : i32
      %ge3A_254 = arith.cmpi sge, %add3A_233, %ge3A : i32
      %convert_element_type3A_255 = arith.extui %ge3A_254 : i1 to i32
      %cond3A_256 = arith.constant 0 : i32
      %cond3A_257 = arith.cmpi ne, %convert_element_type3A_255, %cond3A_256 : i32
      scf.if %cond3A_257 {
        %dma_wait3A_559 = arith.constant 0 : i32
        %dma_wait3A_560 = arith.constant 0 : i32
        %dma_wait3A_561 = arith.constant 0 : i32
        %dma_wait3A_562 = arith.constant 0 : i32
        %dma_wait3A_563 = arith.constant 0 : i32
        %dma_wait3A_564 = arith.constant 0 : i32
        %dma_wait3A_565 = arith.constant 0 : i32
        %dma_wait3A_566 = tpu.memref_slice %arg7[%dma_wait3A_559, %dma_wait3A_563, %dma_wait3A_564, %dma_wait3A_565] : memref<5x8x8x129xf32, #tpu.memory_space<vmem>> -> memref<1x8x8x128xf32, #tpu.memory_space<vmem>>
        %dma_wait3A_567 = tpu.memref_squeeze %dma_wait3A_566 : memref<1x8x8x128xf32, #tpu.memory_space<vmem>> -> memref<8x8x128xf32, #tpu.memory_space<vmem>>
        %dma_wait3A_568 = arith.constant 0 : i32
        %dma_wait3A_569 = arith.constant 0 : i32
        %dma_wait3A_570 = arith.constant 0 : i32
        %dma_wait3A_571 = tpu.memref_slice %arg4[%dma_wait3A_560, %dma_wait3A_568, %dma_wait3A_561, %dma_wait3A_569, %dma_wait3A_570] : memref<50x8x32x8x128xf32, #tpu.memory_space<hbm>> -> memref<1x8x1x8x128xf32, #tpu.memory_space<hbm>>
        %dma_wait3A_572 = tpu.memref_squeeze %dma_wait3A_571 : memref<1x8x1x8x128xf32, #tpu.memory_space<hbm>> -> memref<8x8x128xf32, #tpu.memory_space<hbm>>
        %dma_wait3A_573 = tpu.memref_slice %arg9[%dma_wait3A_562] : memref<5x!tpu.dma_semaphore, #tpu.memory_space<semaphore_mem>> -> memref<1x!tpu.dma_semaphore, #tpu.memory_space<semaphore_mem>>
        %dma_wait3A_574 = tpu.memref_squeeze %dma_wait3A_573 : memref<1x!tpu.dma_semaphore, #tpu.memory_space<semaphore_mem>> -> memref<!tpu.dma_semaphore, #tpu.memory_space<semaphore_mem>>
        %dma_wait3A_575 = arith.constant 0 : i32
        %dma_wait3A_576 = arith.constant 0 : i32
        %dma_wait3A_577 = arith.constant 0 : i32
        %dma_wait3A_578 = tpu.memref_slice %arg4[%dma_wait3A_560, %dma_wait3A_575, %dma_wait3A_561, %dma_wait3A_576, %dma_wait3A_577] : memref<50x8x32x8x128xf32, #tpu.memory_space<hbm>> -> memref<1x8x1x8x128xf32, #tpu.memory_space<hbm>>
        %dma_wait3A_579 = tpu.memref_squeeze %dma_wait3A_578 : memref<1x8x1x8x128xf32, #tpu.memory_space<hbm>> -> memref<8x8x128xf32, #tpu.memory_space<hbm>>
        %dma_wait3A_580 = arith.constant 0 : i32
        %dma_wait3A_581 = arith.constant 0 : i32
        %dma_wait3A_582 = arith.constant 0 : i32
        %dma_wait3A_583 = tpu.memref_slice %arg7[%dma_wait3A_559, %dma_wait3A_580, %dma_wait3A_581, %dma_wait3A_582] : memref<5x8x8x129xf32, #tpu.memory_space<vmem>> -> memref<1x8x8x128xf32, #tpu.memory_space<vmem>>
        %dma_wait3A_584 = tpu.memref_squeeze %dma_wait3A_583 : memref<1x8x8x128xf32, #tpu.memory_space<vmem>> -> memref<8x8x128xf32, #tpu.memory_space<vmem>>
        tpu.wait_dma2 semaphore(%dma_wait3A_574 : memref<!tpu.dma_semaphore, #tpu.memory_space<semaphore_mem>>) src(%dma_wait3A_584 : memref<8x8x128xf32, #tpu.memory_space<vmem>>) dst(%dma_wait3A_579 : memref<8x8x128xf32, #tpu.memory_space<hbm>>)
      } else {
      }
      %broadcast_in_dim3A_258 = arith.constant 1 : i32
      %broadcast_in_dim3A_259 = vector.broadcast %broadcast_in_dim3A_258 : i32 to vector<16xi32>
      %broadcast_in_dim3A_260 = arith.constant 0 : i32
      %broadcast_in_dim3A_261 = vector.broadcast %broadcast_in_dim3A_260 : i32 to vector<16xi32>
      %parallel_loop3A = arith.constant 0 : i32
      %parallel_loop3A_262 = arith.constant 128 : i32
      %parallel_loop3A_263 = arith.constant 1 : i32
      %parallel_loop3A_264 = arith.constant 0 : i32
      %parallel_loop3A_265 = arith.constant 0 : i32
      %parallel_loop3A_266 = scf.for %parallel_loop3A_559 = %parallel_loop3A to %parallel_loop3A_262 step %parallel_loop3A_263 iter_args(%parallel_loop3A_560 = %broadcast_in_dim3A_261) -> (vector<16xi32>)  : i32 {
        %parallel_loop3A_561 = arith.constant 0 : i32
        %parallel_loop3A_562 = arith.constant 0 : i32
        %parallel_loop3A_563 = tpu.memref_slice %arg6[%parallel_loop3A_264, %parallel_loop3A_561, %parallel_loop3A_562] : memref<5x128x64xf32, #tpu.memory_space<vmem>> -> memref<1x128x64xf32, #tpu.memory_space<vmem>>
        %parallel_loop3A_564 = tpu.memref_squeeze %parallel_loop3A_563 : memref<1x128x64xf32, #tpu.memory_space<vmem>> -> memref<128x64xf32, #tpu.memory_space<vmem>>
        %parallel_loop3A_565 = arith.index_cast %parallel_loop3A_559 : i32 to index
        %parallel_loop3A_566 = arith.constant 0 : index
        %parallel_loop3A_567 = tpu.vector_load %parallel_loop3A_564[%parallel_loop3A_565, %parallel_loop3A_566] {strides = array<i32>} : memref<128x64xf32, #tpu.memory_space<vmem>>, vector<16xf32>,
        %parallel_loop3A_568 = arith.constant 0 : i32
        %parallel_loop3A_569 = arith.constant 0 : i32
        %parallel_loop3A_570 = arith.constant 0 : i32
        %parallel_loop3A_571 = tpu.memref_slice %arg7[%parallel_loop3A_265, %parallel_loop3A_568, %parallel_loop3A_569, %parallel_loop3A_570] : memref<5x8x8x129xf32, #tpu.memory_space<vmem>> -> memref<1x8x8x129xf32, #tpu.memory_space<vmem>>
        %parallel_loop3A_572 = tpu.memref_squeeze %parallel_loop3A_571 : memref<1x8x8x129xf32, #tpu.memory_space<vmem>> -> memref<8x8x129xf32, #tpu.memory_space<vmem>>
        tpu.vector_store_idx %parallel_loop3A_572[%shift_right_logical3A_14, %and3A, %parallel_loop3A_560], %parallel_loop3A_567 : memref<8x8x129xf32, #tpu.memory_space<vmem>>[vector<16xi32>, vector<16xi32>, vector<16xi32>], vector<16xf32>,
        %parallel_loop3A_573 = arith.constant 0 : i32
        %parallel_loop3A_574 = arith.constant 0 : i32
        %parallel_loop3A_575 = tpu.memref_slice %arg6[%parallel_loop3A_264, %parallel_loop3A_573, %parallel_loop3A_574] : memref<5x128x64xf32, #tpu.memory_space<vmem>> -> memref<1x128x64xf32, #tpu.memory_space<vmem>>
        %parallel_loop3A_576 = tpu.memref_squeeze %parallel_loop3A_575 : memref<1x128x64xf32, #tpu.memory_space<vmem>> -> memref<128x64xf32, #tpu.memory_space<vmem>>
        %parallel_loop3A_577 = arith.index_cast %parallel_loop3A_559 : i32 to index
        %parallel_loop3A_578 = arith.constant 16 : index
        %parallel_loop3A_579 = tpu.vector_load %parallel_loop3A_576[%parallel_loop3A_577, %parallel_loop3A_578] {strides = array<i32>} : memref<128x64xf32, #tpu.memory_space<vmem>>, vector<16xf32>,
        %parallel_loop3A_580 = arith.constant 0 : i32
        %parallel_loop3A_581 = arith.constant 0 : i32
        %parallel_loop3A_582 = arith.constant 0 : i32
        %parallel_loop3A_583 = tpu.memref_slice %arg7[%parallel_loop3A_265, %parallel_loop3A_580, %parallel_loop3A_581, %parallel_loop3A_582] : memref<5x8x8x129xf32, #tpu.memory_space<vmem>> -> memref<1x8x8x129xf32, #tpu.memory_space<vmem>>
        %parallel_loop3A_584 = tpu.memref_squeeze %parallel_loop3A_583 : memref<1x8x8x129xf32, #tpu.memory_space<vmem>> -> memref<8x8x129xf32, #tpu.memory_space<vmem>>
        tpu.vector_store_idx %parallel_loop3A_584[%shift_right_logical3A_17, %and3A_27, %parallel_loop3A_560], %parallel_loop3A_579 : memref<8x8x129xf32, #tpu.memory_space<vmem>>[vector<16xi32>, vector<16xi32>, vector<16xi32>], vector<16xf32>,
        %parallel_loop3A_585 = arith.constant 0 : i32
        %parallel_loop3A_586 = arith.constant 0 : i32
        %parallel_loop3A_587 = tpu.memref_slice %arg6[%parallel_loop3A_264, %parallel_loop3A_585, %parallel_loop3A_586] : memref<5x128x64xf32, #tpu.memory_space<vmem>> -> memref<1x128x64xf32, #tpu.memory_space<vmem>>
        %parallel_loop3A_588 = tpu.memref_squeeze %parallel_loop3A_587 : memref<1x128x64xf32, #tpu.memory_space<vmem>> -> memref<128x64xf32, #tpu.memory_space<vmem>>
        %parallel_loop3A_589 = arith.index_cast %parallel_loop3A_559 : i32 to index
        %parallel_loop3A_590 = arith.constant 32 : index
        %parallel_loop3A_591 = tpu.vector_load %parallel_loop3A_588[%parallel_loop3A_589, %parallel_loop3A_590] {strides = array<i32>} : memref<128x64xf32, #tpu.memory_space<vmem>>, vector<16xf32>,
        %parallel_loop3A_592 = arith.constant 0 : i32
        %parallel_loop3A_593 = arith.constant 0 : i32
        %parallel_loop3A_594 = arith.constant 0 : i32
        %parallel_loop3A_595 = tpu.memref_slice %arg7[%parallel_loop3A_265, %parallel_loop3A_592, %parallel_loop3A_593, %parallel_loop3A_594] : memref<5x8x8x129xf32, #tpu.memory_space<vmem>> -> memref<1x8x8x129xf32, #tpu.memory_space<vmem>>
        %parallel_loop3A_596 = tpu.memref_squeeze %parallel_loop3A_595 : memref<1x8x8x129xf32, #tpu.memory_space<vmem>> -> memref<8x8x129xf32, #tpu.memory_space<vmem>>
        tpu.vector_store_idx %parallel_loop3A_596[%shift_right_logical3A_20, %and3A_30, %parallel_loop3A_560], %parallel_loop3A_591 : memref<8x8x129xf32, #tpu.memory_space<vmem>>[vector<16xi32>, vector<16xi32>, vector<16xi32>], vector<16xf32>,
        %parallel_loop3A_597 = arith.constant 0 : i32
        %parallel_loop3A_598 = arith.constant 0 : i32
        %parallel_loop3A_599 = tpu.memref_slice %arg6[%parallel_loop3A_264, %parallel_loop3A_597, %parallel_loop3A_598] : memref<5x128x64xf32, #tpu.memory_space<vmem>> -> memref<1x128x64xf32, #tpu.memory_space<vmem>>
        %parallel_loop3A_600 = tpu.memref_squeeze %parallel_loop3A_599 : memref<1x128x64xf32, #tpu.memory_space<vmem>> -> memref<128x64xf32, #tpu.memory_space<vmem>>
        %parallel_loop3A_601 = arith.index_cast %parallel_loop3A_559 : i32 to index
        %parallel_loop3A_602 = arith.constant 48 : index
        %parallel_loop3A_603 = tpu.vector_load %parallel_loop3A_600[%parallel_loop3A_601, %parallel_loop3A_602] {strides = array<i32>} : memref<128x64xf32, #tpu.memory_space<vmem>>, vector<16xf32>,
        %parallel_loop3A_604 = arith.constant 0 : i32
        %parallel_loop3A_605 = arith.constant 0 : i32
        %parallel_loop3A_606 = arith.constant 0 : i32
        %parallel_loop3A_607 = tpu.memref_slice %arg7[%parallel_loop3A_265, %parallel_loop3A_604, %parallel_loop3A_605, %parallel_loop3A_606] : memref<5x8x8x129xf32, #tpu.memory_space<vmem>> -> memref<1x8x8x129xf32, #tpu.memory_space<vmem>>
        %parallel_loop3A_608 = tpu.memref_squeeze %parallel_loop3A_607 : memref<1x8x8x129xf32, #tpu.memory_space<vmem>> -> memref<8x8x129xf32, #tpu.memory_space<vmem>>
        tpu.vector_store_idx %parallel_loop3A_608[%shift_right_logical3A_23, %and3A_33, %parallel_loop3A_560], %parallel_loop3A_603 : memref<8x8x129xf32, #tpu.memory_space<vmem>>[vector<16xi32>, vector<16xi32>, vector<16xi32>], vector<16xf32>,
        %parallel_loop3A_609 = arith.addi %parallel_loop3A_560, %broadcast_in_dim3A_259 : vector<16xi32>
        scf.yield %parallel_loop3A_609 : vector<16xi32>
      } {sc.loop_unroll_factor = 8 : i64, sc.parallel_access}
      %dma_start3A_267 = arith.constant 0 : i32
      %dma_start3A_268 = arith.constant 0 : i32
      %dma_start3A_269 = arith.constant 0 : i32
      %dma_start3A_270 = arith.constant 0 : i32
      %dma_start3A_271 = arith.constant 0 : i32
      %dma_start3A_272 = tpu.memref_slice %arg7[%dma_start3A_267, %dma_start3A_269, %dma_start3A_270, %dma_start3A_271] : memref<5x8x8x129xf32, #tpu.memory_space<vmem>> -> memref<1x8x8x128xf32, #tpu.memory_space<vmem>>
      %dma_start3A_273 = tpu.memref_squeeze %dma_start3A_272 : memref<1x8x8x128xf32, #tpu.memory_space<vmem>> -> memref<8x8x128xf32, #tpu.memory_space<vmem>>
      %dma_start3A_274 = arith.constant 0 : i32
      %dma_start3A_275 = arith.constant 0 : i32
      %dma_start3A_276 = arith.constant 0 : i32
      %dma_start3A_277 = tpu.memref_slice %arg4[%add3A_233, %dma_start3A_274, %add3A, %dma_start3A_275, %dma_start3A_276] : memref<50x8x32x8x128xf32, #tpu.memory_space<hbm>> -> memref<1x8x1x8x128xf32, #tpu.memory_space<hbm>>
      %dma_start3A_278 = tpu.memref_squeeze %dma_start3A_277 : memref<1x8x1x8x128xf32, #tpu.memory_space<hbm>> -> memref<8x8x128xf32, #tpu.memory_space<hbm>>
      %dma_start3A_279 = tpu.memref_slice %arg9[%dma_start3A_268] : memref<5x!tpu.dma_semaphore, #tpu.memory_space<semaphore_mem>> -> memref<1x!tpu.dma_semaphore, #tpu.memory_space<semaphore_mem>>
      %dma_start3A_280 = tpu.memref_squeeze %dma_start3A_279 : memref<1x!tpu.dma_semaphore, #tpu.memory_space<semaphore_mem>> -> memref<!tpu.dma_semaphore, #tpu.memory_space<semaphore_mem>>
      %dma_start3A_281 = arith.constant 0 : i32
      %dma_start3A_282 = arith.constant 0 : i32
      %dma_start3A_283 = arith.constant 0 : i32
      %dma_start3A_284 = tpu.memref_slice %arg4[%add3A_233, %dma_start3A_281, %add3A, %dma_start3A_282, %dma_start3A_283] : memref<50x8x32x8x128xf32, #tpu.memory_space<hbm>> -> memref<1x8x1x8x128xf32, #tpu.memory_space<hbm>>
      %dma_start3A_285 = tpu.memref_squeeze %dma_start3A_284 : memref<1x8x1x8x128xf32, #tpu.memory_space<hbm>> -> memref<8x8x128xf32, #tpu.memory_space<hbm>>
      %dma_start3A_286 = arith.constant 0 : i32
      %dma_start3A_287 = arith.constant 0 : i32
      %dma_start3A_288 = arith.constant 0 : i32
      %dma_start3A_289 = tpu.memref_slice %arg7[%dma_start3A_267, %dma_start3A_286, %dma_start3A_287, %dma_start3A_288] : memref<5x8x8x129xf32, #tpu.memory_space<vmem>> -> memref<1x8x8x128xf32, #tpu.memory_space<vmem>>
      %dma_start3A_290 = tpu.memref_squeeze %dma_start3A_289 : memref<1x8x8x128xf32, #tpu.memory_space<vmem>> -> memref<8x8x128xf32, #tpu.memory_space<vmem>>
      tpu.enqueue_dma source(%dma_start3A_290 : memref<8x8x128xf32, #tpu.memory_space<vmem>>) target(%dma_start3A_285 : memref<8x8x128xf32, #tpu.memory_space<hbm>>) target_semaphore(%dma_start3A_280 : memref<!tpu.dma_semaphore, #tpu.memory_space<semaphore_mem>>)
      %mul3A_291 = arith.constant 5 : i32
      %mul3A_292 = arith.muli %mul3A_291, %scan3A_229 : i32
      %add3A_293 = arith.constant 1 : i32
      %add3A_294 = arith.addi %mul3A_292, %add3A_293 : i32
      %add3A_295 = arith.constant 5 : i32
      %add3A_296 = arith.addi %add3A_294, %add3A_295 : i32
      %sub3A_297 = arith.constant 1 : i32
      %sub3A_298 = arith.subi %add3A_296, %sub3A_297 : i32
      %lt3A_299 = arith.constant 50 : i32
      %lt3A_300 = arith.cmpi slt, %sub3A_298, %lt3A_299 : i32
      %convert_element_type3A_301 = arith.extui %lt3A_300 : i1 to i32
      %cond3A_302 = arith.constant 0 : i32
      %cond3A_303 = arith.cmpi ne, %convert_element_type3A_301, %cond3A_302 : i32
      scf.if %cond3A_303 {
        %add3A_559 = arith.constant 5 : i32
        %add3A_560 = arith.addi %add3A_294, %add3A_559 : i32
        %sub3A_561 = arith.constant 1 : i32
        %sub3A_562 = arith.subi %add3A_560, %sub3A_561 : i32
        %dma_start3A_563 = arith.constant 0 : i32
        %dma_start3A_564 = arith.constant 0 : i32
        %dma_start3A_565 = arith.constant 0 : i32
        %dma_start3A_566 = arith.constant 0 : i32
        %dma_start3A_567 = tpu.memref_slice %arg6[%dma_start3A_563, %dma_start3A_565, %dma_start3A_566] : memref<5x128x64xf32, #tpu.memory_space<vmem>> -> memref<1x128x64xf32, #tpu.memory_space<vmem>>
        %dma_start3A_568 = tpu.memref_squeeze %dma_start3A_567 : memref<1x128x64xf32, #tpu.memory_space<vmem>> -> memref<128x64xf32, #tpu.memory_space<vmem>>
        %dma_start3A_569 = arith.constant 0 : i32
        %dma_start3A_570 = tpu.memref_slice %arg5[%sub3A_562, %dma_start3A_569] : memref<50x128xi32, #tpu.memory_space<vmem>> -> memref<1x128xi32, #tpu.memory_space<vmem>>
        %dma_start3A_571 = tpu.memref_squeeze %dma_start3A_570 : memref<1x128xi32, #tpu.memory_space<vmem>> -> memref<128xi32, #tpu.memory_space<vmem>>
        %dma_start3A_572 = arith.constant 0 : i32
        %dma_start3A_573 = arith.constant 0 : i32
        %dma_start3A_574 = tpu.memref_slice %arg2[%dma_start3A_572, %dma_start3A_573] : memref<100000x64xf32, #tpu.memory_space<hbm>> -> memref<100000x64xf32, #tpu.memory_space<hbm>>
        %dma_start3A_575 = tpu.memref_slice %arg8[%dma_start3A_564] : memref<5x!tpu.dma_semaphore, #tpu.memory_space<semaphore_mem>> -> memref<1x!tpu.dma_semaphore, #tpu.memory_space<semaphore_mem>>
        %dma_start3A_576 = tpu.memref_squeeze %dma_start3A_575 : memref<1x!tpu.dma_semaphore, #tpu.memory_space<semaphore_mem>> -> memref<!tpu.dma_semaphore, #tpu.memory_space<semaphore_mem>>
        tpu.enqueue_indirect_dma source(%dma_start3A_574 : memref<100000x64xf32, #tpu.memory_space<hbm>>) target(%dma_start3A_568 : memref<128x64xf32, #tpu.memory_space<vmem>>) offsets(%dma_start3A_571 : memref<128xi32, #tpu.memory_space<vmem>>) semaphore(%dma_start3A_576 : memref<!tpu.dma_semaphore, #tpu.memory_space<semaphore_mem>>)
      } else {
      }
      %dma_wait3A_304 = arith.constant 0 : i32
      %dma_wait3A_305 = arith.constant 1 : i32
      %dma_wait3A_306 = arith.constant 1 : i32
      %dma_wait3A_307 = arith.constant 0 : i32
      %dma_wait3A_308 = arith.constant 0 : i32
      %dma_wait3A_309 = tpu.memref_slice %arg6[%dma_wait3A_305, %dma_wait3A_307, %dma_wait3A_308] : memref<5x128x64xf32, #tpu.memory_space<vmem>> -> memref<1x128x64xf32, #tpu.memory_space<vmem>>
      %dma_wait3A_310 = tpu.memref_squeeze %dma_wait3A_309 : memref<1x128x64xf32, #tpu.memory_space<vmem>> -> memref<128x64xf32, #tpu.memory_space<vmem>>
      %dma_wait3A_311 = arith.constant 0 : i32
      %dma_wait3A_312 = tpu.memref_slice %arg5[%dma_wait3A_304, %dma_wait3A_311] : memref<50x128xi32, #tpu.memory_space<vmem>> -> memref<1x128xi32, #tpu.memory_space<vmem>>
      %dma_wait3A_313 = tpu.memref_squeeze %dma_wait3A_312 : memref<1x128xi32, #tpu.memory_space<vmem>> -> memref<128xi32, #tpu.memory_space<vmem>>
      %dma_wait3A_314 = arith.constant 0 : i32
      %dma_wait3A_315 = arith.constant 0 : i32
      %dma_wait3A_316 = tpu.memref_slice %arg2[%dma_wait3A_314, %dma_wait3A_315] : memref<100000x64xf32, #tpu.memory_space<hbm>> -> memref<100000x64xf32, #tpu.memory_space<hbm>>
      %dma_wait3A_317 = tpu.memref_slice %arg8[%dma_wait3A_306] : memref<5x!tpu.dma_semaphore, #tpu.memory_space<semaphore_mem>> -> memref<1x!tpu.dma_semaphore, #tpu.memory_space<semaphore_mem>>
      %dma_wait3A_318 = tpu.memref_squeeze %dma_wait3A_317 : memref<1x!tpu.dma_semaphore, #tpu.memory_space<semaphore_mem>> -> memref<!tpu.dma_semaphore, #tpu.memory_space<semaphore_mem>>
      tpu.wait_indirect_dma semaphore(%dma_wait3A_318 : memref<!tpu.dma_semaphore, #tpu.memory_space<semaphore_mem>>) src(%dma_wait3A_316 : memref<100000x64xf32, #tpu.memory_space<hbm>>) dst(%dma_wait3A_310 : memref<128x64xf32, #tpu.memory_space<vmem>>)
      %ge3A_319 = arith.constant 5 : i32
      %ge3A_320 = arith.cmpi sge, %add3A_294, %ge3A_319 : i32
      %convert_element_type3A_321 = arith.extui %ge3A_320 : i1 to i32
      %cond3A_322 = arith.constant 0 : i32
      %cond3A_323 = arith.cmpi ne, %convert_element_type3A_321, %cond3A_322 : i32
      scf.if %cond3A_323 {
        %dma_wait3A_559 = arith.constant 1 : i32
        %dma_wait3A_560 = arith.constant 0 : i32
        %dma_wait3A_561 = arith.constant 0 : i32
        %dma_wait3A_562 = arith.constant 1 : i32
        %dma_wait3A_563 = arith.constant 0 : i32
        %dma_wait3A_564 = arith.constant 0 : i32
        %dma_wait3A_565 = arith.constant 0 : i32
        %dma_wait3A_566 = tpu.memref_slice %arg7[%dma_wait3A_559, %dma_wait3A_563, %dma_wait3A_564, %dma_wait3A_565] : memref<5x8x8x129xf32, #tpu.memory_space<vmem>> -> memref<1x8x8x128xf32, #tpu.memory_space<vmem>>
        %dma_wait3A_567 = tpu.memref_squeeze %dma_wait3A_566 : memref<1x8x8x128xf32, #tpu.memory_space<vmem>> -> memref<8x8x128xf32, #tpu.memory_space<vmem>>
        %dma_wait3A_568 = arith.constant 0 : i32
        %dma_wait3A_569 = arith.constant 0 : i32
        %dma_wait3A_570 = arith.constant 0 : i32
        %dma_wait3A_571 = tpu.memref_slice %arg4[%dma_wait3A_560, %dma_wait3A_568, %dma_wait3A_561, %dma_wait3A_569, %dma_wait3A_570] : memref<50x8x32x8x128xf32, #tpu.memory_space<hbm>> -> memref<1x8x1x8x128xf32, #tpu.memory_space<hbm>>
        %dma_wait3A_572 = tpu.memref_squeeze %dma_wait3A_571 : memref<1x8x1x8x128xf32, #tpu.memory_space<hbm>> -> memref<8x8x128xf32, #tpu.memory_space<hbm>>
        %dma_wait3A_573 = tpu.memref_slice %arg9[%dma_wait3A_562] : memref<5x!tpu.dma_semaphore, #tpu.memory_space<semaphore_mem>> -> memref<1x!tpu.dma_semaphore, #tpu.memory_space<semaphore_mem>>
        %dma_wait3A_574 = tpu.memref_squeeze %dma_wait3A_573 : memref<1x!tpu.dma_semaphore, #tpu.memory_space<semaphore_mem>> -> memref<!tpu.dma_semaphore, #tpu.memory_space<semaphore_mem>>
        %dma_wait3A_575 = arith.constant 0 : i32
        %dma_wait3A_576 = arith.constant 0 : i32
        %dma_wait3A_577 = arith.constant 0 : i32
        %dma_wait3A_578 = tpu.memref_slice %arg4[%dma_wait3A_560, %dma_wait3A_575, %dma_wait3A_561, %dma_wait3A_576, %dma_wait3A_577] : memref<50x8x32x8x128xf32, #tpu.memory_space<hbm>> -> memref<1x8x1x8x128xf32, #tpu.memory_space<hbm>>
        %dma_wait3A_579 = tpu.memref_squeeze %dma_wait3A_578 : memref<1x8x1x8x128xf32, #tpu.memory_space<hbm>> -> memref<8x8x128xf32, #tpu.memory_space<hbm>>
        %dma_wait3A_580 = arith.constant 0 : i32
        %dma_wait3A_581 = arith.constant 0 : i32
        %dma_wait3A_582 = arith.constant 0 : i32
        %dma_wait3A_583 = tpu.memref_slice %arg7[%dma_wait3A_559, %dma_wait3A_580, %dma_wait3A_581, %dma_wait3A_582] : memref<5x8x8x129xf32, #tpu.memory_space<vmem>> -> memref<1x8x8x128xf32, #tpu.memory_space<vmem>>
        %dma_wait3A_584 = tpu.memref_squeeze %dma_wait3A_583 : memref<1x8x8x128xf32, #tpu.memory_space<vmem>> -> memref<8x8x128xf32, #tpu.memory_space<vmem>>
        tpu.wait_dma2 semaphore(%dma_wait3A_574 : memref<!tpu.dma_semaphore, #tpu.memory_space<semaphore_mem>>) src(%dma_wait3A_584 : memref<8x8x128xf32, #tpu.memory_space<vmem>>) dst(%dma_wait3A_579 : memref<8x8x128xf32, #tpu.memory_space<hbm>>)
      } else {
      }
      %broadcast_in_dim3A_324 = arith.constant 1 : i32
      %broadcast_in_dim3A_325 = vector.broadcast %broadcast_in_dim3A_324 : i32 to vector<16xi32>
      %broadcast_in_dim3A_326 = arith.constant 0 : i32
      %broadcast_in_dim3A_327 = vector.broadcast %broadcast_in_dim3A_326 : i32 to vector<16xi32>
      %parallel_loop3A_328 = arith.constant 0 : i32
      %parallel_loop3A_329 = arith.constant 128 : i32
      %parallel_loop3A_330 = arith.constant 1 : i32
      %parallel_loop3A_331 = arith.constant 1 : i32
      %parallel_loop3A_332 = arith.constant 1 : i32
      %parallel_loop3A_333 = scf.for %parallel_loop3A_559 = %parallel_loop3A_328 to %parallel_loop3A_329 step %parallel_loop3A_330 iter_args(%parallel_loop3A_560 = %broadcast_in_dim3A_327) -> (vector<16xi32>)  : i32 {
        %parallel_loop3A_561 = arith.constant 0 : i32
        %parallel_loop3A_562 = arith.constant 0 : i32
        %parallel_loop3A_563 = tpu.memref_slice %arg6[%parallel_loop3A_331, %parallel_loop3A_561, %parallel_loop3A_562] : memref<5x128x64xf32, #tpu.memory_space<vmem>> -> memref<1x128x64xf32, #tpu.memory_space<vmem>>
        %parallel_loop3A_564 = tpu.memref_squeeze %parallel_loop3A_563 : memref<1x128x64xf32, #tpu.memory_space<vmem>> -> memref<128x64xf32, #tpu.memory_space<vmem>>
        %parallel_loop3A_565 = arith.index_cast %parallel_loop3A_559 : i32 to index
        %parallel_loop3A_566 = arith.constant 0 : index
        %parallel_loop3A_567 = tpu.vector_load %parallel_loop3A_564[%parallel_loop3A_565, %parallel_loop3A_566] {strides = array<i32>} : memref<128x64xf32, #tpu.memory_space<vmem>>, vector<16xf32>,
        %parallel_loop3A_568 = arith.constant 0 : i32
        %parallel_loop3A_569 = arith.constant 0 : i32
        %parallel_loop3A_570 = arith.constant 0 : i32
        %parallel_loop3A_571 = tpu.memref_slice %arg7[%parallel_loop3A_332, %parallel_loop3A_568, %parallel_loop3A_569, %parallel_loop3A_570] : memref<5x8x8x129xf32, #tpu.memory_space<vmem>> -> memref<1x8x8x129xf32, #tpu.memory_space<vmem>>
        %parallel_loop3A_572 = tpu.memref_squeeze %parallel_loop3A_571 : memref<1x8x8x129xf32, #tpu.memory_space<vmem>> -> memref<8x8x129xf32, #tpu.memory_space<vmem>>
        tpu.vector_store_idx %parallel_loop3A_572[%shift_right_logical3A_14, %and3A, %parallel_loop3A_560], %parallel_loop3A_567 : memref<8x8x129xf32, #tpu.memory_space<vmem>>[vector<16xi32>, vector<16xi32>, vector<16xi32>], vector<16xf32>,
        %parallel_loop3A_573 = arith.constant 0 : i32
        %parallel_loop3A_574 = arith.constant 0 : i32
        %parallel_loop3A_575 = tpu.memref_slice %arg6[%parallel_loop3A_331, %parallel_loop3A_573, %parallel_loop3A_574] : memref<5x128x64xf32, #tpu.memory_space<vmem>> -> memref<1x128x64xf32, #tpu.memory_space<vmem>>
        %parallel_loop3A_576 = tpu.memref_squeeze %parallel_loop3A_575 : memref<1x128x64xf32, #tpu.memory_space<vmem>> -> memref<128x64xf32, #tpu.memory_space<vmem>>
        %parallel_loop3A_577 = arith.index_cast %parallel_loop3A_559 : i32 to index
        %parallel_loop3A_578 = arith.constant 16 : index
        %parallel_loop3A_579 = tpu.vector_load %parallel_loop3A_576[%parallel_loop3A_577, %parallel_loop3A_578] {strides = array<i32>} : memref<128x64xf32, #tpu.memory_space<vmem>>, vector<16xf32>,
        %parallel_loop3A_580 = arith.constant 0 : i32
        %parallel_loop3A_581 = arith.constant 0 : i32
        %parallel_loop3A_582 = arith.constant 0 : i32
        %parallel_loop3A_583 = tpu.memref_slice %arg7[%parallel_loop3A_332, %parallel_loop3A_580, %parallel_loop3A_581, %parallel_loop3A_582] : memref<5x8x8x129xf32, #tpu.memory_space<vmem>> -> memref<1x8x8x129xf32, #tpu.memory_space<vmem>>
        %parallel_loop3A_584 = tpu.memref_squeeze %parallel_loop3A_583 : memref<1x8x8x129xf32, #tpu.memory_space<vmem>> -> memref<8x8x129xf32, #tpu.memory_space<vmem>>
        tpu.vector_store_idx %parallel_loop3A_584[%shift_right_logical3A_17, %and3A_27, %parallel_loop3A_560], %parallel_loop3A_579 : memref<8x8x129xf32, #tpu.memory_space<vmem>>[vector<16xi32>, vector<16xi32>, vector<16xi32>], vector<16xf32>,
        %parallel_loop3A_585 = arith.constant 0 : i32
        %parallel_loop3A_586 = arith.constant 0 : i32
        %parallel_loop3A_587 = tpu.memref_slice %arg6[%parallel_loop3A_331, %parallel_loop3A_585, %parallel_loop3A_586] : memref<5x128x64xf32, #tpu.memory_space<vmem>> -> memref<1x128x64xf32, #tpu.memory_space<vmem>>
        %parallel_loop3A_588 = tpu.memref_squeeze %parallel_loop3A_587 : memref<1x128x64xf32, #tpu.memory_space<vmem>> -> memref<128x64xf32, #tpu.memory_space<vmem>>
        %parallel_loop3A_589 = arith.index_cast %parallel_loop3A_559 : i32 to index
        %parallel_loop3A_590 = arith.constant 32 : index
        %parallel_loop3A_591 = tpu.vector_load %parallel_loop3A_588[%parallel_loop3A_589, %parallel_loop3A_590] {strides = array<i32>} : memref<128x64xf32, #tpu.memory_space<vmem>>, vector<16xf32>,
        %parallel_loop3A_592 = arith.constant 0 : i32
        %parallel_loop3A_593 = arith.constant 0 : i32
        %parallel_loop3A_594 = arith.constant 0 : i32
        %parallel_loop3A_595 = tpu.memref_slice %arg7[%parallel_loop3A_332, %parallel_loop3A_592, %parallel_loop3A_593, %parallel_loop3A_594] : memref<5x8x8x129xf32, #tpu.memory_space<vmem>> -> memref<1x8x8x129xf32, #tpu.memory_space<vmem>>
        %parallel_loop3A_596 = tpu.memref_squeeze %parallel_loop3A_595 : memref<1x8x8x129xf32, #tpu.memory_space<vmem>> -> memref<8x8x129xf32, #tpu.memory_space<vmem>>
        tpu.vector_store_idx %parallel_loop3A_596[%shift_right_logical3A_20, %and3A_30, %parallel_loop3A_560], %parallel_loop3A_591 : memref<8x8x129xf32, #tpu.memory_space<vmem>>[vector<16xi32>, vector<16xi32>, vector<16xi32>], vector<16xf32>,
        %parallel_loop3A_597 = arith.constant 0 : i32
        %parallel_loop3A_598 = arith.constant 0 : i32
        %parallel_loop3A_599 = tpu.memref_slice %arg6[%parallel_loop3A_331, %parallel_loop3A_597, %parallel_loop3A_598] : memref<5x128x64xf32, #tpu.memory_space<vmem>> -> memref<1x128x64xf32, #tpu.memory_space<vmem>>
        %parallel_loop3A_600 = tpu.memref_squeeze %parallel_loop3A_599 : memref<1x128x64xf32, #tpu.memory_space<vmem>> -> memref<128x64xf32, #tpu.memory_space<vmem>>
        %parallel_loop3A_601 = arith.index_cast %parallel_loop3A_559 : i32 to index
        %parallel_loop3A_602 = arith.constant 48 : index
        %parallel_loop3A_603 = tpu.vector_load %parallel_loop3A_600[%parallel_loop3A_601, %parallel_loop3A_602] {strides = array<i32>} : memref<128x64xf32, #tpu.memory_space<vmem>>, vector<16xf32>,
        %parallel_loop3A_604 = arith.constant 0 : i32
        %parallel_loop3A_605 = arith.constant 0 : i32
        %parallel_loop3A_606 = arith.constant 0 : i32
        %parallel_loop3A_607 = tpu.memref_slice %arg7[%parallel_loop3A_332, %parallel_loop3A_604, %parallel_loop3A_605, %parallel_loop3A_606] : memref<5x8x8x129xf32, #tpu.memory_space<vmem>> -> memref<1x8x8x129xf32, #tpu.memory_space<vmem>>
        %parallel_loop3A_608 = tpu.memref_squeeze %parallel_loop3A_607 : memref<1x8x8x129xf32, #tpu.memory_space<vmem>> -> memref<8x8x129xf32, #tpu.memory_space<vmem>>
        tpu.vector_store_idx %parallel_loop3A_608[%shift_right_logical3A_23, %and3A_33, %parallel_loop3A_560], %parallel_loop3A_603 : memref<8x8x129xf32, #tpu.memory_space<vmem>>[vector<16xi32>, vector<16xi32>, vector<16xi32>], vector<16xf32>,
        %parallel_loop3A_609 = arith.addi %parallel_loop3A_560, %broadcast_in_dim3A_325 : vector<16xi32>
        scf.yield %parallel_loop3A_609 : vector<16xi32>
      } {sc.loop_unroll_factor = 8 : i64, sc.parallel_access}
      %dma_start3A_334 = arith.constant 1 : i32
      %dma_start3A_335 = arith.constant 1 : i32
      %dma_start3A_336 = arith.constant 0 : i32
      %dma_start3A_337 = arith.constant 0 : i32
      %dma_start3A_338 = arith.constant 0 : i32
      %dma_start3A_339 = tpu.memref_slice %arg7[%dma_start3A_334, %dma_start3A_336, %dma_start3A_337, %dma_start3A_338] : memref<5x8x8x129xf32, #tpu.memory_space<vmem>> -> memref<1x8x8x128xf32, #tpu.memory_space<vmem>>
      %dma_start3A_340 = tpu.memref_squeeze %dma_start3A_339 : memref<1x8x8x128xf32, #tpu.memory_space<vmem>> -> memref<8x8x128xf32, #tpu.memory_space<vmem>>
      %dma_start3A_341 = arith.constant 0 : i32
      %dma_start3A_342 = arith.constant 0 : i32
      %dma_start3A_343 = arith.constant 0 : i32
      %dma_start3A_344 = tpu.memref_slice %arg4[%add3A_294, %dma_start3A_341, %add3A, %dma_start3A_342, %dma_start3A_343] : memref<50x8x32x8x128xf32, #tpu.memory_space<hbm>> -> memref<1x8x1x8x128xf32, #tpu.memory_space<hbm>>
      %dma_start3A_345 = tpu.memref_squeeze %dma_start3A_344 : memref<1x8x1x8x128xf32, #tpu.memory_space<hbm>> -> memref<8x8x128xf32, #tpu.memory_space<hbm>>
      %dma_start3A_346 = tpu.memref_slice %arg9[%dma_start3A_335] : memref<5x!tpu.dma_semaphore, #tpu.memory_space<semaphore_mem>> -> memref<1x!tpu.dma_semaphore, #tpu.memory_space<semaphore_mem>>
      %dma_start3A_347 = tpu.memref_squeeze %dma_start3A_346 : memref<1x!tpu.dma_semaphore, #tpu.memory_space<semaphore_mem>> -> memref<!tpu.dma_semaphore, #tpu.memory_space<semaphore_mem>>
      %dma_start3A_348 = arith.constant 0 : i32
      %dma_start3A_349 = arith.constant 0 : i32
      %dma_start3A_350 = arith.constant 0 : i32
      %dma_start3A_351 = tpu.memref_slice %arg4[%add3A_294, %dma_start3A_348, %add3A, %dma_start3A_349, %dma_start3A_350] : memref<50x8x32x8x128xf32, #tpu.memory_space<hbm>> -> memref<1x8x1x8x128xf32, #tpu.memory_space<hbm>>
      %dma_start3A_352 = tpu.memref_squeeze %dma_start3A_351 : memref<1x8x1x8x128xf32, #tpu.memory_space<hbm>> -> memref<8x8x128xf32, #tpu.memory_space<hbm>>
      %dma_start3A_353 = arith.constant 0 : i32
      %dma_start3A_354 = arith.constant 0 : i32
      %dma_start3A_355 = arith.constant 0 : i32
      %dma_start3A_356 = tpu.memref_slice %arg7[%dma_start3A_334, %dma_start3A_353, %dma_start3A_354, %dma_start3A_355] : memref<5x8x8x129xf32, #tpu.memory_space<vmem>> -> memref<1x8x8x128xf32, #tpu.memory_space<vmem>>
      %dma_start3A_357 = tpu.memref_squeeze %dma_start3A_356 : memref<1x8x8x128xf32, #tpu.memory_space<vmem>> -> memref<8x8x128xf32, #tpu.memory_space<vmem>>
      tpu.enqueue_dma source(%dma_start3A_357 : memref<8x8x128xf32, #tpu.memory_space<vmem>>) target(%dma_start3A_352 : memref<8x8x128xf32, #tpu.memory_space<hbm>>) target_semaphore(%dma_start3A_347 : memref<!tpu.dma_semaphore, #tpu.memory_space<semaphore_mem>>)
      %mul3A_358 = arith.constant 5 : i32
      %mul3A_359 = arith.muli %mul3A_358, %scan3A_229 : i32
      %add3A_360 = arith.constant 2 : i32
      %add3A_361 = arith.addi %mul3A_359, %add3A_360 : i32
      %add3A_362 = arith.constant 5 : i32
      %add3A_363 = arith.addi %add3A_361, %add3A_362 : i32
      %sub3A_364 = arith.constant 1 : i32
      %sub3A_365 = arith.subi %add3A_363, %sub3A_364 : i32
      %lt3A_366 = arith.constant 50 : i32
      %lt3A_367 = arith.cmpi slt, %sub3A_365, %lt3A_366 : i32
      %convert_element_type3A_368 = arith.extui %lt3A_367 : i1 to i32
      %cond3A_369 = arith.constant 0 : i32
      %cond3A_370 = arith.cmpi ne, %convert_element_type3A_368, %cond3A_369 : i32
      scf.if %cond3A_370 {
        %add3A_559 = arith.constant 5 : i32
        %add3A_560 = arith.addi %add3A_361, %add3A_559 : i32
        %sub3A_561 = arith.constant 1 : i32
        %sub3A_562 = arith.subi %add3A_560, %sub3A_561 : i32
        %dma_start3A_563 = arith.constant 1 : i32
        %dma_start3A_564 = arith.constant 1 : i32
        %dma_start3A_565 = arith.constant 0 : i32
        %dma_start3A_566 = arith.constant 0 : i32
        %dma_start3A_567 = tpu.memref_slice %arg6[%dma_start3A_563, %dma_start3A_565, %dma_start3A_566] : memref<5x128x64xf32, #tpu.memory_space<vmem>> -> memref<1x128x64xf32, #tpu.memory_space<vmem>>
        %dma_start3A_568 = tpu.memref_squeeze %dma_start3A_567 : memref<1x128x64xf32, #tpu.memory_space<vmem>> -> memref<128x64xf32, #tpu.memory_space<vmem>>
        %dma_start3A_569 = arith.constant 0 : i32
        %dma_start3A_570 = tpu.memref_slice %arg5[%sub3A_562, %dma_start3A_569] : memref<50x128xi32, #tpu.memory_space<vmem>> -> memref<1x128xi32, #tpu.memory_space<vmem>>
        %dma_start3A_571 = tpu.memref_squeeze %dma_start3A_570 : memref<1x128xi32, #tpu.memory_space<vmem>> -> memref<128xi32, #tpu.memory_space<vmem>>
        %dma_start3A_572 = arith.constant 0 : i32
        %dma_start3A_573 = arith.constant 0 : i32
        %dma_start3A_574 = tpu.memref_slice %arg2[%dma_start3A_572, %dma_start3A_573] : memref<100000x64xf32, #tpu.memory_space<hbm>> -> memref<100000x64xf32, #tpu.memory_space<hbm>>
        %dma_start3A_575 = tpu.memref_slice %arg8[%dma_start3A_564] : memref<5x!tpu.dma_semaphore, #tpu.memory_space<semaphore_mem>> -> memref<1x!tpu.dma_semaphore, #tpu.memory_space<semaphore_mem>>
        %dma_start3A_576 = tpu.memref_squeeze %dma_start3A_575 : memref<1x!tpu.dma_semaphore, #tpu.memory_space<semaphore_mem>> -> memref<!tpu.dma_semaphore, #tpu.memory_space<semaphore_mem>>
        tpu.enqueue_indirect_dma source(%dma_start3A_574 : memref<100000x64xf32, #tpu.memory_space<hbm>>) target(%dma_start3A_568 : memref<128x64xf32, #tpu.memory_space<vmem>>) offsets(%dma_start3A_571 : memref<128xi32, #tpu.memory_space<vmem>>) semaphore(%dma_start3A_576 : memref<!tpu.dma_semaphore, #tpu.memory_space<semaphore_mem>>)
      } else {
      }
      %dma_wait3A_371 = arith.constant 0 : i32
      %dma_wait3A_372 = arith.constant 2 : i32
      %dma_wait3A_373 = arith.constant 2 : i32
      %dma_wait3A_374 = arith.constant 0 : i32
      %dma_wait3A_375 = arith.constant 0 : i32
      %dma_wait3A_376 = tpu.memref_slice %arg6[%dma_wait3A_372, %dma_wait3A_374, %dma_wait3A_375] : memref<5x128x64xf32, #tpu.memory_space<vmem>> -> memref<1x128x64xf32, #tpu.memory_space<vmem>>
      %dma_wait3A_377 = tpu.memref_squeeze %dma_wait3A_376 : memref<1x128x64xf32, #tpu.memory_space<vmem>> -> memref<128x64xf32, #tpu.memory_space<vmem>>
      %dma_wait3A_378 = arith.constant 0 : i32
      %dma_wait3A_379 = tpu.memref_slice %arg5[%dma_wait3A_371, %dma_wait3A_378] : memref<50x128xi32, #tpu.memory_space<vmem>> -> memref<1x128xi32, #tpu.memory_space<vmem>>
      %dma_wait3A_380 = tpu.memref_squeeze %dma_wait3A_379 : memref<1x128xi32, #tpu.memory_space<vmem>> -> memref<128xi32, #tpu.memory_space<vmem>>
      %dma_wait3A_381 = arith.constant 0 : i32
      %dma_wait3A_382 = arith.constant 0 : i32
      %dma_wait3A_383 = tpu.memref_slice %arg2[%dma_wait3A_381, %dma_wait3A_382] : memref<100000x64xf32, #tpu.memory_space<hbm>> -> memref<100000x64xf32, #tpu.memory_space<hbm>>
      %dma_wait3A_384 = tpu.memref_slice %arg8[%dma_wait3A_373] : memref<5x!tpu.dma_semaphore, #tpu.memory_space<semaphore_mem>> -> memref<1x!tpu.dma_semaphore, #tpu.memory_space<semaphore_mem>>
      %dma_wait3A_385 = tpu.memref_squeeze %dma_wait3A_384 : memref<1x!tpu.dma_semaphore, #tpu.memory_space<semaphore_mem>> -> memref<!tpu.dma_semaphore, #tpu.memory_space<semaphore_mem>>
      tpu.wait_indirect_dma semaphore(%dma_wait3A_385 : memref<!tpu.dma_semaphore, #tpu.memory_space<semaphore_mem>>) src(%dma_wait3A_383 : memref<100000x64xf32, #tpu.memory_space<hbm>>) dst(%dma_wait3A_377 : memref<128x64xf32, #tpu.memory_space<vmem>>)
      %ge3A_386 = arith.constant 5 : i32
      %ge3A_387 = arith.cmpi sge, %add3A_361, %ge3A_386 : i32
      %convert_element_type3A_388 = arith.extui %ge3A_387 : i1 to i32
      %cond3A_389 = arith.constant 0 : i32
      %cond3A_390 = arith.cmpi ne, %convert_element_type3A_388, %cond3A_389 : i32
      scf.if %cond3A_390 {
        %dma_wait3A_559 = arith.constant 2 : i32
        %dma_wait3A_560 = arith.constant 0 : i32
        %dma_wait3A_561 = arith.constant 0 : i32
        %dma_wait3A_562 = arith.constant 2 : i32
        %dma_wait3A_563 = arith.constant 0 : i32
        %dma_wait3A_564 = arith.constant 0 : i32
        %dma_wait3A_565 = arith.constant 0 : i32
        %dma_wait3A_566 = tpu.memref_slice %arg7[%dma_wait3A_559, %dma_wait3A_563, %dma_wait3A_564, %dma_wait3A_565] : memref<5x8x8x129xf32, #tpu.memory_space<vmem>> -> memref<1x8x8x128xf32, #tpu.memory_space<vmem>>
        %dma_wait3A_567 = tpu.memref_squeeze %dma_wait3A_566 : memref<1x8x8x128xf32, #tpu.memory_space<vmem>> -> memref<8x8x128xf32, #tpu.memory_space<vmem>>
        %dma_wait3A_568 = arith.constant 0 : i32
        %dma_wait3A_569 = arith.constant 0 : i32
        %dma_wait3A_570 = arith.constant 0 : i32
        %dma_wait3A_571 = tpu.memref_slice %arg4[%dma_wait3A_560, %dma_wait3A_568, %dma_wait3A_561, %dma_wait3A_569, %dma_wait3A_570] : memref<50x8x32x8x128xf32, #tpu.memory_space<hbm>> -> memref<1x8x1x8x128xf32, #tpu.memory_space<hbm>>
        %dma_wait3A_572 = tpu.memref_squeeze %dma_wait3A_571 : memref<1x8x1x8x128xf32, #tpu.memory_space<hbm>> -> memref<8x8x128xf32, #tpu.memory_space<hbm>>
        %dma_wait3A_573 = tpu.memref_slice %arg9[%dma_wait3A_562] : memref<5x!tpu.dma_semaphore, #tpu.memory_space<semaphore_mem>> -> memref<1x!tpu.dma_semaphore, #tpu.memory_space<semaphore_mem>>
        %dma_wait3A_574 = tpu.memref_squeeze %dma_wait3A_573 : memref<1x!tpu.dma_semaphore, #tpu.memory_space<semaphore_mem>> -> memref<!tpu.dma_semaphore, #tpu.memory_space<semaphore_mem>>
        %dma_wait3A_575 = arith.constant 0 : i32
        %dma_wait3A_576 = arith.constant 0 : i32
        %dma_wait3A_577 = arith.constant 0 : i32
        %dma_wait3A_578 = tpu.memref_slice %arg4[%dma_wait3A_560, %dma_wait3A_575, %dma_wait3A_561, %dma_wait3A_576, %dma_wait3A_577] : memref<50x8x32x8x128xf32, #tpu.memory_space<hbm>> -> memref<1x8x1x8x128xf32, #tpu.memory_space<hbm>>
        %dma_wait3A_579 = tpu.memref_squeeze %dma_wait3A_578 : memref<1x8x1x8x128xf32, #tpu.memory_space<hbm>> -> memref<8x8x128xf32, #tpu.memory_space<hbm>>
        %dma_wait3A_580 = arith.constant 0 : i32
        %dma_wait3A_581 = arith.constant 0 : i32
        %dma_wait3A_582 = arith.constant 0 : i32
        %dma_wait3A_583 = tpu.memref_slice %arg7[%dma_wait3A_559, %dma_wait3A_580, %dma_wait3A_581, %dma_wait3A_582] : memref<5x8x8x129xf32, #tpu.memory_space<vmem>> -> memref<1x8x8x128xf32, #tpu.memory_space<vmem>>
        %dma_wait3A_584 = tpu.memref_squeeze %dma_wait3A_583 : memref<1x8x8x128xf32, #tpu.memory_space<vmem>> -> memref<8x8x128xf32, #tpu.memory_space<vmem>>
        tpu.wait_dma2 semaphore(%dma_wait3A_574 : memref<!tpu.dma_semaphore, #tpu.memory_space<semaphore_mem>>) src(%dma_wait3A_584 : memref<8x8x128xf32, #tpu.memory_space<vmem>>) dst(%dma_wait3A_579 : memref<8x8x128xf32, #tpu.memory_space<hbm>>)
      } else {
      }
      %broadcast_in_dim3A_391 = arith.constant 1 : i32
      %broadcast_in_dim3A_392 = vector.broadcast %broadcast_in_dim3A_391 : i32 to vector<16xi32>
      %broadcast_in_dim3A_393 = arith.constant 0 : i32
      %broadcast_in_dim3A_394 = vector.broadcast %broadcast_in_dim3A_393 : i32 to vector<16xi32>
      %parallel_loop3A_395 = arith.constant 0 : i32
      %parallel_loop3A_396 = arith.constant 128 : i32
      %parallel_loop3A_397 = arith.constant 1 : i32
      %parallel_loop3A_398 = arith.constant 2 : i32
      %parallel_loop3A_399 = arith.constant 2 : i32
      %parallel_loop3A_400 = scf.for %parallel_loop3A_559 = %parallel_loop3A_395 to %parallel_loop3A_396 step %parallel_loop3A_397 iter_args(%parallel_loop3A_560 = %broadcast_in_dim3A_394) -> (vector<16xi32>)  : i32 {
        %parallel_loop3A_561 = arith.constant 0 : i32
        %parallel_loop3A_562 = arith.constant 0 : i32
        %parallel_loop3A_563 = tpu.memref_slice %arg6[%parallel_loop3A_398, %parallel_loop3A_561, %parallel_loop3A_562] : memref<5x128x64xf32, #tpu.memory_space<vmem>> -> memref<1x128x64xf32, #tpu.memory_space<vmem>>
        %parallel_loop3A_564 = tpu.memref_squeeze %parallel_loop3A_563 : memref<1x128x64xf32, #tpu.memory_space<vmem>> -> memref<128x64xf32, #tpu.memory_space<vmem>>
        %parallel_loop3A_565 = arith.index_cast %parallel_loop3A_559 : i32 to index
        %parallel_loop3A_566 = arith.constant 0 : index
        %parallel_loop3A_567 = tpu.vector_load %parallel_loop3A_564[%parallel_loop3A_565, %parallel_loop3A_566] {strides = array<i32>} : memref<128x64xf32, #tpu.memory_space<vmem>>, vector<16xf32>,
        %parallel_loop3A_568 = arith.constant 0 : i32
        %parallel_loop3A_569 = arith.constant 0 : i32
        %parallel_loop3A_570 = arith.constant 0 : i32
        %parallel_loop3A_571 = tpu.memref_slice %arg7[%parallel_loop3A_399, %parallel_loop3A_568, %parallel_loop3A_569, %parallel_loop3A_570] : memref<5x8x8x129xf32, #tpu.memory_space<vmem>> -> memref<1x8x8x129xf32, #tpu.memory_space<vmem>>
        %parallel_loop3A_572 = tpu.memref_squeeze %parallel_loop3A_571 : memref<1x8x8x129xf32, #tpu.memory_space<vmem>> -> memref<8x8x129xf32, #tpu.memory_space<vmem>>
        tpu.vector_store_idx %parallel_loop3A_572[%shift_right_logical3A_14, %and3A, %parallel_loop3A_560], %parallel_loop3A_567 : memref<8x8x129xf32, #tpu.memory_space<vmem>>[vector<16xi32>, vector<16xi32>, vector<16xi32>], vector<16xf32>,
        %parallel_loop3A_573 = arith.constant 0 : i32
        %parallel_loop3A_574 = arith.constant 0 : i32
        %parallel_loop3A_575 = tpu.memref_slice %arg6[%parallel_loop3A_398, %parallel_loop3A_573, %parallel_loop3A_574] : memref<5x128x64xf32, #tpu.memory_space<vmem>> -> memref<1x128x64xf32, #tpu.memory_space<vmem>>
        %parallel_loop3A_576 = tpu.memref_squeeze %parallel_loop3A_575 : memref<1x128x64xf32, #tpu.memory_space<vmem>> -> memref<128x64xf32, #tpu.memory_space<vmem>>
        %parallel_loop3A_577 = arith.index_cast %parallel_loop3A_559 : i32 to index
        %parallel_loop3A_578 = arith.constant 16 : index
        %parallel_loop3A_579 = tpu.vector_load %parallel_loop3A_576[%parallel_loop3A_577, %parallel_loop3A_578] {strides = array<i32>} : memref<128x64xf32, #tpu.memory_space<vmem>>, vector<16xf32>,
        %parallel_loop3A_580 = arith.constant 0 : i32
        %parallel_loop3A_581 = arith.constant 0 : i32
        %parallel_loop3A_582 = arith.constant 0 : i32
        %parallel_loop3A_583 = tpu.memref_slice %arg7[%parallel_loop3A_399, %parallel_loop3A_580, %parallel_loop3A_581, %parallel_loop3A_582] : memref<5x8x8x129xf32, #tpu.memory_space<vmem>> -> memref<1x8x8x129xf32, #tpu.memory_space<vmem>>
        %parallel_loop3A_584 = tpu.memref_squeeze %parallel_loop3A_583 : memref<1x8x8x129xf32, #tpu.memory_space<vmem>> -> memref<8x8x129xf32, #tpu.memory_space<vmem>>
        tpu.vector_store_idx %parallel_loop3A_584[%shift_right_logical3A_17, %and3A_27, %parallel_loop3A_560], %parallel_loop3A_579 : memref<8x8x129xf32, #tpu.memory_space<vmem>>[vector<16xi32>, vector<16xi32>, vector<16xi32>], vector<16xf32>,
        %parallel_loop3A_585 = arith.constant 0 : i32
        %parallel_loop3A_586 = arith.constant 0 : i32
        %parallel_loop3A_587 = tpu.memref_slice %arg6[%parallel_loop3A_398, %parallel_loop3A_585, %parallel_loop3A_586] : memref<5x128x64xf32, #tpu.memory_space<vmem>> -> memref<1x128x64xf32, #tpu.memory_space<vmem>>
        %parallel_loop3A_588 = tpu.memref_squeeze %parallel_loop3A_587 : memref<1x128x64xf32, #tpu.memory_space<vmem>> -> memref<128x64xf32, #tpu.memory_space<vmem>>
        %parallel_loop3A_589 = arith.index_cast %parallel_loop3A_559 : i32 to index
        %parallel_loop3A_590 = arith.constant 32 : index
        %parallel_loop3A_591 = tpu.vector_load %parallel_loop3A_588[%parallel_loop3A_589, %parallel_loop3A_590] {strides = array<i32>} : memref<128x64xf32, #tpu.memory_space<vmem>>, vector<16xf32>,
        %parallel_loop3A_592 = arith.constant 0 : i32
        %parallel_loop3A_593 = arith.constant 0 : i32
        %parallel_loop3A_594 = arith.constant 0 : i32
        %parallel_loop3A_595 = tpu.memref_slice %arg7[%parallel_loop3A_399, %parallel_loop3A_592, %parallel_loop3A_593, %parallel_loop3A_594] : memref<5x8x8x129xf32, #tpu.memory_space<vmem>> -> memref<1x8x8x129xf32, #tpu.memory_space<vmem>>
        %parallel_loop3A_596 = tpu.memref_squeeze %parallel_loop3A_595 : memref<1x8x8x129xf32, #tpu.memory_space<vmem>> -> memref<8x8x129xf32, #tpu.memory_space<vmem>>
        tpu.vector_store_idx %parallel_loop3A_596[%shift_right_logical3A_20, %and3A_30, %parallel_loop3A_560], %parallel_loop3A_591 : memref<8x8x129xf32, #tpu.memory_space<vmem>>[vector<16xi32>, vector<16xi32>, vector<16xi32>], vector<16xf32>,
        %parallel_loop3A_597 = arith.constant 0 : i32
        %parallel_loop3A_598 = arith.constant 0 : i32
        %parallel_loop3A_599 = tpu.memref_slice %arg6[%parallel_loop3A_398, %parallel_loop3A_597, %parallel_loop3A_598] : memref<5x128x64xf32, #tpu.memory_space<vmem>> -> memref<1x128x64xf32, #tpu.memory_space<vmem>>
        %parallel_loop3A_600 = tpu.memref_squeeze %parallel_loop3A_599 : memref<1x128x64xf32, #tpu.memory_space<vmem>> -> memref<128x64xf32, #tpu.memory_space<vmem>>
        %parallel_loop3A_601 = arith.index_cast %parallel_loop3A_559 : i32 to index
        %parallel_loop3A_602 = arith.constant 48 : index
        %parallel_loop3A_603 = tpu.vector_load %parallel_loop3A_600[%parallel_loop3A_601, %parallel_loop3A_602] {strides = array<i32>} : memref<128x64xf32, #tpu.memory_space<vmem>>, vector<16xf32>,
        %parallel_loop3A_604 = arith.constant 0 : i32
        %parallel_loop3A_605 = arith.constant 0 : i32
        %parallel_loop3A_606 = arith.constant 0 : i32
        %parallel_loop3A_607 = tpu.memref_slice %arg7[%parallel_loop3A_399, %parallel_loop3A_604, %parallel_loop3A_605, %parallel_loop3A_606] : memref<5x8x8x129xf32, #tpu.memory_space<vmem>> -> memref<1x8x8x129xf32, #tpu.memory_space<vmem>>
        %parallel_loop3A_608 = tpu.memref_squeeze %parallel_loop3A_607 : memref<1x8x8x129xf32, #tpu.memory_space<vmem>> -> memref<8x8x129xf32, #tpu.memory_space<vmem>>
        tpu.vector_store_idx %parallel_loop3A_608[%shift_right_logical3A_23, %and3A_33, %parallel_loop3A_560], %parallel_loop3A_603 : memref<8x8x129xf32, #tpu.memory_space<vmem>>[vector<16xi32>, vector<16xi32>, vector<16xi32>], vector<16xf32>,
        %parallel_loop3A_609 = arith.addi %parallel_loop3A_560, %broadcast_in_dim3A_392 : vector<16xi32>
        scf.yield %parallel_loop3A_609 : vector<16xi32>
      } {sc.loop_unroll_factor = 8 : i64, sc.parallel_access}
      %dma_start3A_401 = arith.constant 2 : i32
      %dma_start3A_402 = arith.constant 2 : i32
      %dma_start3A_403 = arith.constant 0 : i32
      %dma_start3A_404 = arith.constant 0 : i32
      %dma_start3A_405 = arith.constant 0 : i32
      %dma_start3A_406 = tpu.memref_slice %arg7[%dma_start3A_401, %dma_start3A_403, %dma_start3A_404, %dma_start3A_405] : memref<5x8x8x129xf32, #tpu.memory_space<vmem>> -> memref<1x8x8x128xf32, #tpu.memory_space<vmem>>
      %dma_start3A_407 = tpu.memref_squeeze %dma_start3A_406 : memref<1x8x8x128xf32, #tpu.memory_space<vmem>> -> memref<8x8x128xf32, #tpu.memory_space<vmem>>
      %dma_start3A_408 = arith.constant 0 : i32
      %dma_start3A_409 = arith.constant 0 : i32
      %dma_start3A_410 = arith.constant 0 : i32
      %dma_start3A_411 = tpu.memref_slice %arg4[%add3A_361, %dma_start3A_408, %add3A, %dma_start3A_409, %dma_start3A_410] : memref<50x8x32x8x128xf32, #tpu.memory_space<hbm>> -> memref<1x8x1x8x128xf32, #tpu.memory_space<hbm>>
      %dma_start3A_412 = tpu.memref_squeeze %dma_start3A_411 : memref<1x8x1x8x128xf32, #tpu.memory_space<hbm>> -> memref<8x8x128xf32, #tpu.memory_space<hbm>>
      %dma_start3A_413 = tpu.memref_slice %arg9[%dma_start3A_402] : memref<5x!tpu.dma_semaphore, #tpu.memory_space<semaphore_mem>> -> memref<1x!tpu.dma_semaphore, #tpu.memory_space<semaphore_mem>>
      %dma_start3A_414 = tpu.memref_squeeze %dma_start3A_413 : memref<1x!tpu.dma_semaphore, #tpu.memory_space<semaphore_mem>> -> memref<!tpu.dma_semaphore, #tpu.memory_space<semaphore_mem>>
      %dma_start3A_415 = arith.constant 0 : i32
      %dma_start3A_416 = arith.constant 0 : i32
      %dma_start3A_417 = arith.constant 0 : i32
      %dma_start3A_418 = tpu.memref_slice %arg4[%add3A_361, %dma_start3A_415, %add3A, %dma_start3A_416, %dma_start3A_417] : memref<50x8x32x8x128xf32, #tpu.memory_space<hbm>> -> memref<1x8x1x8x128xf32, #tpu.memory_space<hbm>>
      %dma_start3A_419 = tpu.memref_squeeze %dma_start3A_418 : memref<1x8x1x8x128xf32, #tpu.memory_space<hbm>> -> memref<8x8x128xf32, #tpu.memory_space<hbm>>
      %dma_start3A_420 = arith.constant 0 : i32
      %dma_start3A_421 = arith.constant 0 : i32
      %dma_start3A_422 = arith.constant 0 : i32
      %dma_start3A_423 = tpu.memref_slice %arg7[%dma_start3A_401, %dma_start3A_420, %dma_start3A_421, %dma_start3A_422] : memref<5x8x8x129xf32, #tpu.memory_space<vmem>> -> memref<1x8x8x128xf32, #tpu.memory_space<vmem>>
      %dma_start3A_424 = tpu.memref_squeeze %dma_start3A_423 : memref<1x8x8x128xf32, #tpu.memory_space<vmem>> -> memref<8x8x128xf32, #tpu.memory_space<vmem>>
      tpu.enqueue_dma source(%dma_start3A_424 : memref<8x8x128xf32, #tpu.memory_space<vmem>>) target(%dma_start3A_419 : memref<8x8x128xf32, #tpu.memory_space<hbm>>) target_semaphore(%dma_start3A_414 : memref<!tpu.dma_semaphore, #tpu.memory_space<semaphore_mem>>)
      %mul3A_425 = arith.constant 5 : i32
      %mul3A_426 = arith.muli %mul3A_425, %scan3A_229 : i32
      %add3A_427 = arith.constant 3 : i32
      %add3A_428 = arith.addi %mul3A_426, %add3A_427 : i32
      %add3A_429 = arith.constant 5 : i32
      %add3A_430 = arith.addi %add3A_428, %add3A_429 : i32
      %sub3A_431 = arith.constant 1 : i32
      %sub3A_432 = arith.subi %add3A_430, %sub3A_431 : i32
      %lt3A_433 = arith.constant 50 : i32
      %lt3A_434 = arith.cmpi slt, %sub3A_432, %lt3A_433 : i32
      %convert_element_type3A_435 = arith.extui %lt3A_434 : i1 to i32
      %cond3A_436 = arith.constant 0 : i32
      %cond3A_437 = arith.cmpi ne, %convert_element_type3A_435, %cond3A_436 : i32
      scf.if %cond3A_437 {
        %add3A_559 = arith.constant 5 : i32
        %add3A_560 = arith.addi %add3A_428, %add3A_559 : i32
        %sub3A_561 = arith.constant 1 : i32
        %sub3A_562 = arith.subi %add3A_560, %sub3A_561 : i32
        %dma_start3A_563 = arith.constant 2 : i32
        %dma_start3A_564 = arith.constant 2 : i32
        %dma_start3A_565 = arith.constant 0 : i32
        %dma_start3A_566 = arith.constant 0 : i32
        %dma_start3A_567 = tpu.memref_slice %arg6[%dma_start3A_563, %dma_start3A_565, %dma_start3A_566] : memref<5x128x64xf32, #tpu.memory_space<vmem>> -> memref<1x128x64xf32, #tpu.memory_space<vmem>>
        %dma_start3A_568 = tpu.memref_squeeze %dma_start3A_567 : memref<1x128x64xf32, #tpu.memory_space<vmem>> -> memref<128x64xf32, #tpu.memory_space<vmem>>
        %dma_start3A_569 = arith.constant 0 : i32
        %dma_start3A_570 = tpu.memref_slice %arg5[%sub3A_562, %dma_start3A_569] : memref<50x128xi32, #tpu.memory_space<vmem>> -> memref<1x128xi32, #tpu.memory_space<vmem>>
        %dma_start3A_571 = tpu.memref_squeeze %dma_start3A_570 : memref<1x128xi32, #tpu.memory_space<vmem>> -> memref<128xi32, #tpu.memory_space<vmem>>
        %dma_start3A_572 = arith.constant 0 : i32
        %dma_start3A_573 = arith.constant 0 : i32
        %dma_start3A_574 = tpu.memref_slice %arg2[%dma_start3A_572, %dma_start3A_573] : memref<100000x64xf32, #tpu.memory_space<hbm>> -> memref<100000x64xf32, #tpu.memory_space<hbm>>
        %dma_start3A_575 = tpu.memref_slice %arg8[%dma_start3A_564] : memref<5x!tpu.dma_semaphore, #tpu.memory_space<semaphore_mem>> -> memref<1x!tpu.dma_semaphore, #tpu.memory_space<semaphore_mem>>
        %dma_start3A_576 = tpu.memref_squeeze %dma_start3A_575 : memref<1x!tpu.dma_semaphore, #tpu.memory_space<semaphore_mem>> -> memref<!tpu.dma_semaphore, #tpu.memory_space<semaphore_mem>>
        tpu.enqueue_indirect_dma source(%dma_start3A_574 : memref<100000x64xf32, #tpu.memory_space<hbm>>) target(%dma_start3A_568 : memref<128x64xf32, #tpu.memory_space<vmem>>) offsets(%dma_start3A_571 : memref<128xi32, #tpu.memory_space<vmem>>) semaphore(%dma_start3A_576 : memref<!tpu.dma_semaphore, #tpu.memory_space<semaphore_mem>>)
      } else {
      }
      %dma_wait3A_438 = arith.constant 0 : i32
      %dma_wait3A_439 = arith.constant 3 : i32
      %dma_wait3A_440 = arith.constant 3 : i32
      %dma_wait3A_441 = arith.constant 0 : i32
      %dma_wait3A_442 = arith.constant 0 : i32
      %dma_wait3A_443 = tpu.memref_slice %arg6[%dma_wait3A_439, %dma_wait3A_441, %dma_wait3A_442] : memref<5x128x64xf32, #tpu.memory_space<vmem>> -> memref<1x128x64xf32, #tpu.memory_space<vmem>>
      %dma_wait3A_444 = tpu.memref_squeeze %dma_wait3A_443 : memref<1x128x64xf32, #tpu.memory_space<vmem>> -> memref<128x64xf32, #tpu.memory_space<vmem>>
      %dma_wait3A_445 = arith.constant 0 : i32
      %dma_wait3A_446 = tpu.memref_slice %arg5[%dma_wait3A_438, %dma_wait3A_445] : memref<50x128xi32, #tpu.memory_space<vmem>> -> memref<1x128xi32, #tpu.memory_space<vmem>>
      %dma_wait3A_447 = tpu.memref_squeeze %dma_wait3A_446 : memref<1x128xi32, #tpu.memory_space<vmem>> -> memref<128xi32, #tpu.memory_space<vmem>>
      %dma_wait3A_448 = arith.constant 0 : i32
      %dma_wait3A_449 = arith.constant 0 : i32
      %dma_wait3A_450 = tpu.memref_slice %arg2[%dma_wait3A_448, %dma_wait3A_449] : memref<100000x64xf32, #tpu.memory_space<hbm>> -> memref<100000x64xf32, #tpu.memory_space<hbm>>
      %dma_wait3A_451 = tpu.memref_slice %arg8[%dma_wait3A_440] : memref<5x!tpu.dma_semaphore, #tpu.memory_space<semaphore_mem>> -> memref<1x!tpu.dma_semaphore, #tpu.memory_space<semaphore_mem>>
      %dma_wait3A_452 = tpu.memref_squeeze %dma_wait3A_451 : memref<1x!tpu.dma_semaphore, #tpu.memory_space<semaphore_mem>> -> memref<!tpu.dma_semaphore, #tpu.memory_space<semaphore_mem>>
      tpu.wait_indirect_dma semaphore(%dma_wait3A_452 : memref<!tpu.dma_semaphore, #tpu.memory_space<semaphore_mem>>) src(%dma_wait3A_450 : memref<100000x64xf32, #tpu.memory_space<hbm>>) dst(%dma_wait3A_444 : memref<128x64xf32, #tpu.memory_space<vmem>>)
      %ge3A_453 = arith.constant 5 : i32
      %ge3A_454 = arith.cmpi sge, %add3A_428, %ge3A_453 : i32
      %convert_element_type3A_455 = arith.extui %ge3A_454 : i1 to i32
      %cond3A_456 = arith.constant 0 : i32
      %cond3A_457 = arith.cmpi ne, %convert_element_type3A_455, %cond3A_456 : i32
      scf.if %cond3A_457 {
        %dma_wait3A_559 = arith.constant 3 : i32
        %dma_wait3A_560 = arith.constant 0 : i32
        %dma_wait3A_561 = arith.constant 0 : i32
        %dma_wait3A_562 = arith.constant 3 : i32
        %dma_wait3A_563 = arith.constant 0 : i32
        %dma_wait3A_564 = arith.constant 0 : i32
        %dma_wait3A_565 = arith.constant 0 : i32
        %dma_wait3A_566 = tpu.memref_slice %arg7[%dma_wait3A_559, %dma_wait3A_563, %dma_wait3A_564, %dma_wait3A_565] : memref<5x8x8x129xf32, #tpu.memory_space<vmem>> -> memref<1x8x8x128xf32, #tpu.memory_space<vmem>>
        %dma_wait3A_567 = tpu.memref_squeeze %dma_wait3A_566 : memref<1x8x8x128xf32, #tpu.memory_space<vmem>> -> memref<8x8x128xf32, #tpu.memory_space<vmem>>
        %dma_wait3A_568 = arith.constant 0 : i32
        %dma_wait3A_569 = arith.constant 0 : i32
        %dma_wait3A_570 = arith.constant 0 : i32
        %dma_wait3A_571 = tpu.memref_slice %arg4[%dma_wait3A_560, %dma_wait3A_568, %dma_wait3A_561, %dma_wait3A_569, %dma_wait3A_570] : memref<50x8x32x8x128xf32, #tpu.memory_space<hbm>> -> memref<1x8x1x8x128xf32, #tpu.memory_space<hbm>>
        %dma_wait3A_572 = tpu.memref_squeeze %dma_wait3A_571 : memref<1x8x1x8x128xf32, #tpu.memory_space<hbm>> -> memref<8x8x128xf32, #tpu.memory_space<hbm>>
        %dma_wait3A_573 = tpu.memref_slice %arg9[%dma_wait3A_562] : memref<5x!tpu.dma_semaphore, #tpu.memory_space<semaphore_mem>> -> memref<1x!tpu.dma_semaphore, #tpu.memory_space<semaphore_mem>>
        %dma_wait3A_574 = tpu.memref_squeeze %dma_wait3A_573 : memref<1x!tpu.dma_semaphore, #tpu.memory_space<semaphore_mem>> -> memref<!tpu.dma_semaphore, #tpu.memory_space<semaphore_mem>>
        %dma_wait3A_575 = arith.constant 0 : i32
        %dma_wait3A_576 = arith.constant 0 : i32
        %dma_wait3A_577 = arith.constant 0 : i32
        %dma_wait3A_578 = tpu.memref_slice %arg4[%dma_wait3A_560, %dma_wait3A_575, %dma_wait3A_561, %dma_wait3A_576, %dma_wait3A_577] : memref<50x8x32x8x128xf32, #tpu.memory_space<hbm>> -> memref<1x8x1x8x128xf32, #tpu.memory_space<hbm>>
        %dma_wait3A_579 = tpu.memref_squeeze %dma_wait3A_578 : memref<1x8x1x8x128xf32, #tpu.memory_space<hbm>> -> memref<8x8x128xf32, #tpu.memory_space<hbm>>
        %dma_wait3A_580 = arith.constant 0 : i32
        %dma_wait3A_581 = arith.constant 0 : i32
        %dma_wait3A_582 = arith.constant 0 : i32
        %dma_wait3A_583 = tpu.memref_slice %arg7[%dma_wait3A_559, %dma_wait3A_580, %dma_wait3A_581, %dma_wait3A_582] : memref<5x8x8x129xf32, #tpu.memory_space<vmem>> -> memref<1x8x8x128xf32, #tpu.memory_space<vmem>>
        %dma_wait3A_584 = tpu.memref_squeeze %dma_wait3A_583 : memref<1x8x8x128xf32, #tpu.memory_space<vmem>> -> memref<8x8x128xf32, #tpu.memory_space<vmem>>
        tpu.wait_dma2 semaphore(%dma_wait3A_574 : memref<!tpu.dma_semaphore, #tpu.memory_space<semaphore_mem>>) src(%dma_wait3A_584 : memref<8x8x128xf32, #tpu.memory_space<vmem>>) dst(%dma_wait3A_579 : memref<8x8x128xf32, #tpu.memory_space<hbm>>)
      } else {
      }
      %broadcast_in_dim3A_458 = arith.constant 1 : i32
      %broadcast_in_dim3A_459 = vector.broadcast %broadcast_in_dim3A_458 : i32 to vector<16xi32>
      %broadcast_in_dim3A_460 = arith.constant 0 : i32
      %broadcast_in_dim3A_461 = vector.broadcast %broadcast_in_dim3A_460 : i32 to vector<16xi32>
      %parallel_loop3A_462 = arith.constant 0 : i32
      %parallel_loop3A_463 = arith.constant 128 : i32
      %parallel_loop3A_464 = arith.constant 1 : i32
      %parallel_loop3A_465 = arith.constant 3 : i32
      %parallel_loop3A_466 = arith.constant 3 : i32
      %parallel_loop3A_467 = scf.for %parallel_loop3A_559 = %parallel_loop3A_462 to %parallel_loop3A_463 step %parallel_loop3A_464 iter_args(%parallel_loop3A_560 = %broadcast_in_dim3A_461) -> (vector<16xi32>)  : i32 {
        %parallel_loop3A_561 = arith.constant 0 : i32
        %parallel_loop3A_562 = arith.constant 0 : i32
        %parallel_loop3A_563 = tpu.memref_slice %arg6[%parallel_loop3A_465, %parallel_loop3A_561, %parallel_loop3A_562] : memref<5x128x64xf32, #tpu.memory_space<vmem>> -> memref<1x128x64xf32, #tpu.memory_space<vmem>>
        %parallel_loop3A_564 = tpu.memref_squeeze %parallel_loop3A_563 : memref<1x128x64xf32, #tpu.memory_space<vmem>> -> memref<128x64xf32, #tpu.memory_space<vmem>>
        %parallel_loop3A_565 = arith.index_cast %parallel_loop3A_559 : i32 to index
        %parallel_loop3A_566 = arith.constant 0 : index
        %parallel_loop3A_567 = tpu.vector_load %parallel_loop3A_564[%parallel_loop3A_565, %parallel_loop3A_566] {strides = array<i32>} : memref<128x64xf32, #tpu.memory_space<vmem>>, vector<16xf32>,
        %parallel_loop3A_568 = arith.constant 0 : i32
        %parallel_loop3A_569 = arith.constant 0 : i32
        %parallel_loop3A_570 = arith.constant 0 : i32
        %parallel_loop3A_571 = tpu.memref_slice %arg7[%parallel_loop3A_466, %parallel_loop3A_568, %parallel_loop3A_569, %parallel_loop3A_570] : memref<5x8x8x129xf32, #tpu.memory_space<vmem>> -> memref<1x8x8x129xf32, #tpu.memory_space<vmem>>
        %parallel_loop3A_572 = tpu.memref_squeeze %parallel_loop3A_571 : memref<1x8x8x129xf32, #tpu.memory_space<vmem>> -> memref<8x8x129xf32, #tpu.memory_space<vmem>>
        tpu.vector_store_idx %parallel_loop3A_572[%shift_right_logical3A_14, %and3A, %parallel_loop3A_560], %parallel_loop3A_567 : memref<8x8x129xf32, #tpu.memory_space<vmem>>[vector<16xi32>, vector<16xi32>, vector<16xi32>], vector<16xf32>,
        %parallel_loop3A_573 = arith.constant 0 : i32
        %parallel_loop3A_574 = arith.constant 0 : i32
        %parallel_loop3A_575 = tpu.memref_slice %arg6[%parallel_loop3A_465, %parallel_loop3A_573, %parallel_loop3A_574] : memref<5x128x64xf32, #tpu.memory_space<vmem>> -> memref<1x128x64xf32, #tpu.memory_space<vmem>>
        %parallel_loop3A_576 = tpu.memref_squeeze %parallel_loop3A_575 : memref<1x128x64xf32, #tpu.memory_space<vmem>> -> memref<128x64xf32, #tpu.memory_space<vmem>>
        %parallel_loop3A_577 = arith.index_cast %parallel_loop3A_559 : i32 to index
        %parallel_loop3A_578 = arith.constant 16 : index
        %parallel_loop3A_579 = tpu.vector_load %parallel_loop3A_576[%parallel_loop3A_577, %parallel_loop3A_578] {strides = array<i32>} : memref<128x64xf32, #tpu.memory_space<vmem>>, vector<16xf32>,
        %parallel_loop3A_580 = arith.constant 0 : i32
        %parallel_loop3A_581 = arith.constant 0 : i32
        %parallel_loop3A_582 = arith.constant 0 : i32
        %parallel_loop3A_583 = tpu.memref_slice %arg7[%parallel_loop3A_466, %parallel_loop3A_580, %parallel_loop3A_581, %parallel_loop3A_582] : memref<5x8x8x129xf32, #tpu.memory_space<vmem>> -> memref<1x8x8x129xf32, #tpu.memory_space<vmem>>
        %parallel_loop3A_584 = tpu.memref_squeeze %parallel_loop3A_583 : memref<1x8x8x129xf32, #tpu.memory_space<vmem>> -> memref<8x8x129xf32, #tpu.memory_space<vmem>>
        tpu.vector_store_idx %parallel_loop3A_584[%shift_right_logical3A_17, %and3A_27, %parallel_loop3A_560], %parallel_loop3A_579 : memref<8x8x129xf32, #tpu.memory_space<vmem>>[vector<16xi32>, vector<16xi32>, vector<16xi32>], vector<16xf32>,
        %parallel_loop3A_585 = arith.constant 0 : i32
        %parallel_loop3A_586 = arith.constant 0 : i32
        %parallel_loop3A_587 = tpu.memref_slice %arg6[%parallel_loop3A_465, %parallel_loop3A_585, %parallel_loop3A_586] : memref<5x128x64xf32, #tpu.memory_space<vmem>> -> memref<1x128x64xf32, #tpu.memory_space<vmem>>
        %parallel_loop3A_588 = tpu.memref_squeeze %parallel_loop3A_587 : memref<1x128x64xf32, #tpu.memory_space<vmem>> -> memref<128x64xf32, #tpu.memory_space<vmem>>
        %parallel_loop3A_589 = arith.index_cast %parallel_loop3A_559 : i32 to index
        %parallel_loop3A_590 = arith.constant 32 : index
        %parallel_loop3A_591 = tpu.vector_load %parallel_loop3A_588[%parallel_loop3A_589, %parallel_loop3A_590] {strides = array<i32>} : memref<128x64xf32, #tpu.memory_space<vmem>>, vector<16xf32>,
        %parallel_loop3A_592 = arith.constant 0 : i32
        %parallel_loop3A_593 = arith.constant 0 : i32
        %parallel_loop3A_594 = arith.constant 0 : i32
        %parallel_loop3A_595 = tpu.memref_slice %arg7[%parallel_loop3A_466, %parallel_loop3A_592, %parallel_loop3A_593, %parallel_loop3A_594] : memref<5x8x8x129xf32, #tpu.memory_space<vmem>> -> memref<1x8x8x129xf32, #tpu.memory_space<vmem>>
        %parallel_loop3A_596 = tpu.memref_squeeze %parallel_loop3A_595 : memref<1x8x8x129xf32, #tpu.memory_space<vmem>> -> memref<8x8x129xf32, #tpu.memory_space<vmem>>
        tpu.vector_store_idx %parallel_loop3A_596[%shift_right_logical3A_20, %and3A_30, %parallel_loop3A_560], %parallel_loop3A_591 : memref<8x8x129xf32, #tpu.memory_space<vmem>>[vector<16xi32>, vector<16xi32>, vector<16xi32>], vector<16xf32>,
        %parallel_loop3A_597 = arith.constant 0 : i32
        %parallel_loop3A_598 = arith.constant 0 : i32
        %parallel_loop3A_599 = tpu.memref_slice %arg6[%parallel_loop3A_465, %parallel_loop3A_597, %parallel_loop3A_598] : memref<5x128x64xf32, #tpu.memory_space<vmem>> -> memref<1x128x64xf32, #tpu.memory_space<vmem>>
        %parallel_loop3A_600 = tpu.memref_squeeze %parallel_loop3A_599 : memref<1x128x64xf32, #tpu.memory_space<vmem>> -> memref<128x64xf32, #tpu.memory_space<vmem>>
        %parallel_loop3A_601 = arith.index_cast %parallel_loop3A_559 : i32 to index
        %parallel_loop3A_602 = arith.constant 48 : index
        %parallel_loop3A_603 = tpu.vector_load %parallel_loop3A_600[%parallel_loop3A_601, %parallel_loop3A_602] {strides = array<i32>} : memref<128x64xf32, #tpu.memory_space<vmem>>, vector<16xf32>,
        %parallel_loop3A_604 = arith.constant 0 : i32
        %parallel_loop3A_605 = arith.constant 0 : i32
        %parallel_loop3A_606 = arith.constant 0 : i32
        %parallel_loop3A_607 = tpu.memref_slice %arg7[%parallel_loop3A_466, %parallel_loop3A_604, %parallel_loop3A_605, %parallel_loop3A_606] : memref<5x8x8x129xf32, #tpu.memory_space<vmem>> -> memref<1x8x8x129xf32, #tpu.memory_space<vmem>>
        %parallel_loop3A_608 = tpu.memref_squeeze %parallel_loop3A_607 : memref<1x8x8x129xf32, #tpu.memory_space<vmem>> -> memref<8x8x129xf32, #tpu.memory_space<vmem>>
        tpu.vector_store_idx %parallel_loop3A_608[%shift_right_logical3A_23, %and3A_33, %parallel_loop3A_560], %parallel_loop3A_603 : memref<8x8x129xf32, #tpu.memory_space<vmem>>[vector<16xi32>, vector<16xi32>, vector<16xi32>], vector<16xf32>,
        %parallel_loop3A_609 = arith.addi %parallel_loop3A_560, %broadcast_in_dim3A_459 : vector<16xi32>
        scf.yield %parallel_loop3A_609 : vector<16xi32>
      } {sc.loop_unroll_factor = 8 : i64, sc.parallel_access}
      %dma_start3A_468 = arith.constant 3 : i32
      %dma_start3A_469 = arith.constant 3 : i32
      %dma_start3A_470 = arith.constant 0 : i32
      %dma_start3A_471 = arith.constant 0 : i32
      %dma_start3A_472 = arith.constant 0 : i32
      %dma_start3A_473 = tpu.memref_slice %arg7[%dma_start3A_468, %dma_start3A_470, %dma_start3A_471, %dma_start3A_472] : memref<5x8x8x129xf32, #tpu.memory_space<vmem>> -> memref<1x8x8x128xf32, #tpu.memory_space<vmem>>
      %dma_start3A_474 = tpu.memref_squeeze %dma_start3A_473 : memref<1x8x8x128xf32, #tpu.memory_space<vmem>> -> memref<8x8x128xf32, #tpu.memory_space<vmem>>
      %dma_start3A_475 = arith.constant 0 : i32
      %dma_start3A_476 = arith.constant 0 : i32
      %dma_start3A_477 = arith.constant 0 : i32
      %dma_start3A_478 = tpu.memref_slice %arg4[%add3A_428, %dma_start3A_475, %add3A, %dma_start3A_476, %dma_start3A_477] : memref<50x8x32x8x128xf32, #tpu.memory_space<hbm>> -> memref<1x8x1x8x128xf32, #tpu.memory_space<hbm>>
      %dma_start3A_479 = tpu.memref_squeeze %dma_start3A_478 : memref<1x8x1x8x128xf32, #tpu.memory_space<hbm>> -> memref<8x8x128xf32, #tpu.memory_space<hbm>>
      %dma_start3A_480 = tpu.memref_slice %arg9[%dma_start3A_469] : memref<5x!tpu.dma_semaphore, #tpu.memory_space<semaphore_mem>> -> memref<1x!tpu.dma_semaphore, #tpu.memory_space<semaphore_mem>>
      %dma_start3A_481 = tpu.memref_squeeze %dma_start3A_480 : memref<1x!tpu.dma_semaphore, #tpu.memory_space<semaphore_mem>> -> memref<!tpu.dma_semaphore, #tpu.memory_space<semaphore_mem>>
      %dma_start3A_482 = arith.constant 0 : i32
      %dma_start3A_483 = arith.constant 0 : i32
      %dma_start3A_484 = arith.constant 0 : i32
      %dma_start3A_485 = tpu.memref_slice %arg4[%add3A_428, %dma_start3A_482, %add3A, %dma_start3A_483, %dma_start3A_484] : memref<50x8x32x8x128xf32, #tpu.memory_space<hbm>> -> memref<1x8x1x8x128xf32, #tpu.memory_space<hbm>>
      %dma_start3A_486 = tpu.memref_squeeze %dma_start3A_485 : memref<1x8x1x8x128xf32, #tpu.memory_space<hbm>> -> memref<8x8x128xf32, #tpu.memory_space<hbm>>
      %dma_start3A_487 = arith.constant 0 : i32
      %dma_start3A_488 = arith.constant 0 : i32
      %dma_start3A_489 = arith.constant 0 : i32
      %dma_start3A_490 = tpu.memref_slice %arg7[%dma_start3A_468, %dma_start3A_487, %dma_start3A_488, %dma_start3A_489] : memref<5x8x8x129xf32, #tpu.memory_space<vmem>> -> memref<1x8x8x128xf32, #tpu.memory_space<vmem>>
      %dma_start3A_491 = tpu.memref_squeeze %dma_start3A_490 : memref<1x8x8x128xf32, #tpu.memory_space<vmem>> -> memref<8x8x128xf32, #tpu.memory_space<vmem>>
      tpu.enqueue_dma source(%dma_start3A_491 : memref<8x8x128xf32, #tpu.memory_space<vmem>>) target(%dma_start3A_486 : memref<8x8x128xf32, #tpu.memory_space<hbm>>) target_semaphore(%dma_start3A_481 : memref<!tpu.dma_semaphore, #tpu.memory_space<semaphore_mem>>)
      %mul3A_492 = arith.constant 5 : i32
      %mul3A_493 = arith.muli %mul3A_492, %scan3A_229 : i32
      %add3A_494 = arith.constant 4 : i32
      %add3A_495 = arith.addi %mul3A_493, %add3A_494 : i32
      %add3A_496 = arith.constant 5 : i32
      %add3A_497 = arith.addi %add3A_495, %add3A_496 : i32
      %sub3A_498 = arith.constant 1 : i32
      %sub3A_499 = arith.subi %add3A_497, %sub3A_498 : i32
      %lt3A_500 = arith.constant 50 : i32
      %lt3A_501 = arith.cmpi slt, %sub3A_499, %lt3A_500 : i32
      %convert_element_type3A_502 = arith.extui %lt3A_501 : i1 to i32
      %cond3A_503 = arith.constant 0 : i32
      %cond3A_504 = arith.cmpi ne, %convert_element_type3A_502, %cond3A_503 : i32
      scf.if %cond3A_504 {
        %add3A_559 = arith.constant 5 : i32
        %add3A_560 = arith.addi %add3A_495, %add3A_559 : i32
        %sub3A_561 = arith.constant 1 : i32
        %sub3A_562 = arith.subi %add3A_560, %sub3A_561 : i32
        %dma_start3A_563 = arith.constant 3 : i32
        %dma_start3A_564 = arith.constant 3 : i32
        %dma_start3A_565 = arith.constant 0 : i32
        %dma_start3A_566 = arith.constant 0 : i32
        %dma_start3A_567 = tpu.memref_slice %arg6[%dma_start3A_563, %dma_start3A_565, %dma_start3A_566] : memref<5x128x64xf32, #tpu.memory_space<vmem>> -> memref<1x128x64xf32, #tpu.memory_space<vmem>>
        %dma_start3A_568 = tpu.memref_squeeze %dma_start3A_567 : memref<1x128x64xf32, #tpu.memory_space<vmem>> -> memref<128x64xf32, #tpu.memory_space<vmem>>
        %dma_start3A_569 = arith.constant 0 : i32
        %dma_start3A_570 = tpu.memref_slice %arg5[%sub3A_562, %dma_start3A_569] : memref<50x128xi32, #tpu.memory_space<vmem>> -> memref<1x128xi32, #tpu.memory_space<vmem>>
        %dma_start3A_571 = tpu.memref_squeeze %dma_start3A_570 : memref<1x128xi32, #tpu.memory_space<vmem>> -> memref<128xi32, #tpu.memory_space<vmem>>
        %dma_start3A_572 = arith.constant 0 : i32
        %dma_start3A_573 = arith.constant 0 : i32
        %dma_start3A_574 = tpu.memref_slice %arg2[%dma_start3A_572, %dma_start3A_573] : memref<100000x64xf32, #tpu.memory_space<hbm>> -> memref<100000x64xf32, #tpu.memory_space<hbm>>
        %dma_start3A_575 = tpu.memref_slice %arg8[%dma_start3A_564] : memref<5x!tpu.dma_semaphore, #tpu.memory_space<semaphore_mem>> -> memref<1x!tpu.dma_semaphore, #tpu.memory_space<semaphore_mem>>
        %dma_start3A_576 = tpu.memref_squeeze %dma_start3A_575 : memref<1x!tpu.dma_semaphore, #tpu.memory_space<semaphore_mem>> -> memref<!tpu.dma_semaphore, #tpu.memory_space<semaphore_mem>>
        tpu.enqueue_indirect_dma source(%dma_start3A_574 : memref<100000x64xf32, #tpu.memory_space<hbm>>) target(%dma_start3A_568 : memref<128x64xf32, #tpu.memory_space<vmem>>) offsets(%dma_start3A_571 : memref<128xi32, #tpu.memory_space<vmem>>) semaphore(%dma_start3A_576 : memref<!tpu.dma_semaphore, #tpu.memory_space<semaphore_mem>>)
      } else {
      }
      %dma_wait3A_505 = arith.constant 0 : i32
      %dma_wait3A_506 = arith.constant 4 : i32
      %dma_wait3A_507 = arith.constant 4 : i32
      %dma_wait3A_508 = arith.constant 0 : i32
      %dma_wait3A_509 = arith.constant 0 : i32
      %dma_wait3A_510 = tpu.memref_slice %arg6[%dma_wait3A_506, %dma_wait3A_508, %dma_wait3A_509] : memref<5x128x64xf32, #tpu.memory_space<vmem>> -> memref<1x128x64xf32, #tpu.memory_space<vmem>>
      %dma_wait3A_511 = tpu.memref_squeeze %dma_wait3A_510 : memref<1x128x64xf32, #tpu.memory_space<vmem>> -> memref<128x64xf32, #tpu.memory_space<vmem>>
      %dma_wait3A_512 = arith.constant 0 : i32
      %dma_wait3A_513 = tpu.memref_slice %arg5[%dma_wait3A_505, %dma_wait3A_512] : memref<50x128xi32, #tpu.memory_space<vmem>> -> memref<1x128xi32, #tpu.memory_space<vmem>>
      %dma_wait3A_514 = tpu.memref_squeeze %dma_wait3A_513 : memref<1x128xi32, #tpu.memory_space<vmem>> -> memref<128xi32, #tpu.memory_space<vmem>>
      %dma_wait3A_515 = arith.constant 0 : i32
      %dma_wait3A_516 = arith.constant 0 : i32
      %dma_wait3A_517 = tpu.memref_slice %arg2[%dma_wait3A_515, %dma_wait3A_516] : memref<100000x64xf32, #tpu.memory_space<hbm>> -> memref<100000x64xf32, #tpu.memory_space<hbm>>
      %dma_wait3A_518 = tpu.memref_slice %arg8[%dma_wait3A_507] : memref<5x!tpu.dma_semaphore, #tpu.memory_space<semaphore_mem>> -> memref<1x!tpu.dma_semaphore, #tpu.memory_space<semaphore_mem>>
      %dma_wait3A_519 = tpu.memref_squeeze %dma_wait3A_518 : memref<1x!tpu.dma_semaphore, #tpu.memory_space<semaphore_mem>> -> memref<!tpu.dma_semaphore, #tpu.memory_space<semaphore_mem>>
      tpu.wait_indirect_dma semaphore(%dma_wait3A_519 : memref<!tpu.dma_semaphore, #tpu.memory_space<semaphore_mem>>) src(%dma_wait3A_517 : memref<100000x64xf32, #tpu.memory_space<hbm>>) dst(%dma_wait3A_511 : memref<128x64xf32, #tpu.memory_space<vmem>>)
      %ge3A_520 = arith.constant 5 : i32
      %ge3A_521 = arith.cmpi sge, %add3A_495, %ge3A_520 : i32
      %convert_element_type3A_522 = arith.extui %ge3A_521 : i1 to i32
      %cond3A_523 = arith.constant 0 : i32
      %cond3A_524 = arith.cmpi ne, %convert_element_type3A_522, %cond3A_523 : i32
      scf.if %cond3A_524 {
        %dma_wait3A_559 = arith.constant 4 : i32
        %dma_wait3A_560 = arith.constant 0 : i32
        %dma_wait3A_561 = arith.constant 0 : i32
        %dma_wait3A_562 = arith.constant 4 : i32
        %dma_wait3A_563 = arith.constant 0 : i32
        %dma_wait3A_564 = arith.constant 0 : i32
        %dma_wait3A_565 = arith.constant 0 : i32
        %dma_wait3A_566 = tpu.memref_slice %arg7[%dma_wait3A_559, %dma_wait3A_563, %dma_wait3A_564, %dma_wait3A_565] : memref<5x8x8x129xf32, #tpu.memory_space<vmem>> -> memref<1x8x8x128xf32, #tpu.memory_space<vmem>>
        %dma_wait3A_567 = tpu.memref_squeeze %dma_wait3A_566 : memref<1x8x8x128xf32, #tpu.memory_space<vmem>> -> memref<8x8x128xf32, #tpu.memory_space<vmem>>
        %dma_wait3A_568 = arith.constant 0 : i32
        %dma_wait3A_569 = arith.constant 0 : i32
        %dma_wait3A_570 = arith.constant 0 : i32
        %dma_wait3A_571 = tpu.memref_slice %arg4[%dma_wait3A_560, %dma_wait3A_568, %dma_wait3A_561, %dma_wait3A_569, %dma_wait3A_570] : memref<50x8x32x8x128xf32, #tpu.memory_space<hbm>> -> memref<1x8x1x8x128xf32, #tpu.memory_space<hbm>>
        %dma_wait3A_572 = tpu.memref_squeeze %dma_wait3A_571 : memref<1x8x1x8x128xf32, #tpu.memory_space<hbm>> -> memref<8x8x128xf32, #tpu.memory_space<hbm>>
        %dma_wait3A_573 = tpu.memref_slice %arg9[%dma_wait3A_562] : memref<5x!tpu.dma_semaphore, #tpu.memory_space<semaphore_mem>> -> memref<1x!tpu.dma_semaphore, #tpu.memory_space<semaphore_mem>>
        %dma_wait3A_574 = tpu.memref_squeeze %dma_wait3A_573 : memref<1x!tpu.dma_semaphore, #tpu.memory_space<semaphore_mem>> -> memref<!tpu.dma_semaphore, #tpu.memory_space<semaphore_mem>>
        %dma_wait3A_575 = arith.constant 0 : i32
        %dma_wait3A_576 = arith.constant 0 : i32
        %dma_wait3A_577 = arith.constant 0 : i32
        %dma_wait3A_578 = tpu.memref_slice %arg4[%dma_wait3A_560, %dma_wait3A_575, %dma_wait3A_561, %dma_wait3A_576, %dma_wait3A_577] : memref<50x8x32x8x128xf32, #tpu.memory_space<hbm>> -> memref<1x8x1x8x128xf32, #tpu.memory_space<hbm>>
        %dma_wait3A_579 = tpu.memref_squeeze %dma_wait3A_578 : memref<1x8x1x8x128xf32, #tpu.memory_space<hbm>> -> memref<8x8x128xf32, #tpu.memory_space<hbm>>
        %dma_wait3A_580 = arith.constant 0 : i32
        %dma_wait3A_581 = arith.constant 0 : i32
        %dma_wait3A_582 = arith.constant 0 : i32
        %dma_wait3A_583 = tpu.memref_slice %arg7[%dma_wait3A_559, %dma_wait3A_580, %dma_wait3A_581, %dma_wait3A_582] : memref<5x8x8x129xf32, #tpu.memory_space<vmem>> -> memref<1x8x8x128xf32, #tpu.memory_space<vmem>>
        %dma_wait3A_584 = tpu.memref_squeeze %dma_wait3A_583 : memref<1x8x8x128xf32, #tpu.memory_space<vmem>> -> memref<8x8x128xf32, #tpu.memory_space<vmem>>
        tpu.wait_dma2 semaphore(%dma_wait3A_574 : memref<!tpu.dma_semaphore, #tpu.memory_space<semaphore_mem>>) src(%dma_wait3A_584 : memref<8x8x128xf32, #tpu.memory_space<vmem>>) dst(%dma_wait3A_579 : memref<8x8x128xf32, #tpu.memory_space<hbm>>)
      } else {
      }
      %broadcast_in_dim3A_525 = arith.constant 1 : i32
      %broadcast_in_dim3A_526 = vector.broadcast %broadcast_in_dim3A_525 : i32 to vector<16xi32>
      %broadcast_in_dim3A_527 = arith.constant 0 : i32
      %broadcast_in_dim3A_528 = vector.broadcast %broadcast_in_dim3A_527 : i32 to vector<16xi32>
      %parallel_loop3A_529 = arith.constant 0 : i32
      %parallel_loop3A_530 = arith.constant 128 : i32
      %parallel_loop3A_531 = arith.constant 1 : i32
      %parallel_loop3A_532 = arith.constant 4 : i32
      %parallel_loop3A_533 = arith.constant 4 : i32
      %parallel_loop3A_534 = scf.for %parallel_loop3A_559 = %parallel_loop3A_529 to %parallel_loop3A_530 step %parallel_loop3A_531 iter_args(%parallel_loop3A_560 = %broadcast_in_dim3A_528) -> (vector<16xi32>)  : i32 {
        %parallel_loop3A_561 = arith.constant 0 : i32
        %parallel_loop3A_562 = arith.constant 0 : i32
        %parallel_loop3A_563 = tpu.memref_slice %arg6[%parallel_loop3A_532, %parallel_loop3A_561, %parallel_loop3A_562] : memref<5x128x64xf32, #tpu.memory_space<vmem>> -> memref<1x128x64xf32, #tpu.memory_space<vmem>>
        %parallel_loop3A_564 = tpu.memref_squeeze %parallel_loop3A_563 : memref<1x128x64xf32, #tpu.memory_space<vmem>> -> memref<128x64xf32, #tpu.memory_space<vmem>>
        %parallel_loop3A_565 = arith.index_cast %parallel_loop3A_559 : i32 to index
        %parallel_loop3A_566 = arith.constant 0 : index
        %parallel_loop3A_567 = tpu.vector_load %parallel_loop3A_564[%parallel_loop3A_565, %parallel_loop3A_566] {strides = array<i32>} : memref<128x64xf32, #tpu.memory_space<vmem>>, vector<16xf32>,
        %parallel_loop3A_568 = arith.constant 0 : i32
        %parallel_loop3A_569 = arith.constant 0 : i32
        %parallel_loop3A_570 = arith.constant 0 : i32
        %parallel_loop3A_571 = tpu.memref_slice %arg7[%parallel_loop3A_533, %parallel_loop3A_568, %parallel_loop3A_569, %parallel_loop3A_570] : memref<5x8x8x129xf32, #tpu.memory_space<vmem>> -> memref<1x8x8x129xf32, #tpu.memory_space<vmem>>
        %parallel_loop3A_572 = tpu.memref_squeeze %parallel_loop3A_571 : memref<1x8x8x129xf32, #tpu.memory_space<vmem>> -> memref<8x8x129xf32, #tpu.memory_space<vmem>>
        tpu.vector_store_idx %parallel_loop3A_572[%shift_right_logical3A_14, %and3A, %parallel_loop3A_560], %parallel_loop3A_567 : memref<8x8x129xf32, #tpu.memory_space<vmem>>[vector<16xi32>, vector<16xi32>, vector<16xi32>], vector<16xf32>,
        %parallel_loop3A_573 = arith.constant 0 : i32
        %parallel_loop3A_574 = arith.constant 0 : i32
        %parallel_loop3A_575 = tpu.memref_slice %arg6[%parallel_loop3A_532, %parallel_loop3A_573, %parallel_loop3A_574] : memref<5x128x64xf32, #tpu.memory_space<vmem>> -> memref<1x128x64xf32, #tpu.memory_space<vmem>>
        %parallel_loop3A_576 = tpu.memref_squeeze %parallel_loop3A_575 : memref<1x128x64xf32, #tpu.memory_space<vmem>> -> memref<128x64xf32, #tpu.memory_space<vmem>>
        %parallel_loop3A_577 = arith.index_cast %parallel_loop3A_559 : i32 to index
        %parallel_loop3A_578 = arith.constant 16 : index
        %parallel_loop3A_579 = tpu.vector_load %parallel_loop3A_576[%parallel_loop3A_577, %parallel_loop3A_578] {strides = array<i32>} : memref<128x64xf32, #tpu.memory_space<vmem>>, vector<16xf32>,
        %parallel_loop3A_580 = arith.constant 0 : i32
        %parallel_loop3A_581 = arith.constant 0 : i32
        %parallel_loop3A_582 = arith.constant 0 : i32
        %parallel_loop3A_583 = tpu.memref_slice %arg7[%parallel_loop3A_533, %parallel_loop3A_580, %parallel_loop3A_581, %parallel_loop3A_582] : memref<5x8x8x129xf32, #tpu.memory_space<vmem>> -> memref<1x8x8x129xf32, #tpu.memory_space<vmem>>
        %parallel_loop3A_584 = tpu.memref_squeeze %parallel_loop3A_583 : memref<1x8x8x129xf32, #tpu.memory_space<vmem>> -> memref<8x8x129xf32, #tpu.memory_space<vmem>>
        tpu.vector_store_idx %parallel_loop3A_584[%shift_right_logical3A_17, %and3A_27, %parallel_loop3A_560], %parallel_loop3A_579 : memref<8x8x129xf32, #tpu.memory_space<vmem>>[vector<16xi32>, vector<16xi32>, vector<16xi32>], vector<16xf32>,
        %parallel_loop3A_585 = arith.constant 0 : i32
        %parallel_loop3A_586 = arith.constant 0 : i32
        %parallel_loop3A_587 = tpu.memref_slice %arg6[%parallel_loop3A_532, %parallel_loop3A_585, %parallel_loop3A_586] : memref<5x128x64xf32, #tpu.memory_space<vmem>> -> memref<1x128x64xf32, #tpu.memory_space<vmem>>
        %parallel_loop3A_588 = tpu.memref_squeeze %parallel_loop3A_587 : memref<1x128x64xf32, #tpu.memory_space<vmem>> -> memref<128x64xf32, #tpu.memory_space<vmem>>
        %parallel_loop3A_589 = arith.index_cast %parallel_loop3A_559 : i32 to index
        %parallel_loop3A_590 = arith.constant 32 : index
        %parallel_loop3A_591 = tpu.vector_load %parallel_loop3A_588[%parallel_loop3A_589, %parallel_loop3A_590] {strides = array<i32>} : memref<128x64xf32, #tpu.memory_space<vmem>>, vector<16xf32>,
        %parallel_loop3A_592 = arith.constant 0 : i32
        %parallel_loop3A_593 = arith.constant 0 : i32
        %parallel_loop3A_594 = arith.constant 0 : i32
        %parallel_loop3A_595 = tpu.memref_slice %arg7[%parallel_loop3A_533, %parallel_loop3A_592, %parallel_loop3A_593, %parallel_loop3A_594] : memref<5x8x8x129xf32, #tpu.memory_space<vmem>> -> memref<1x8x8x129xf32, #tpu.memory_space<vmem>>
        %parallel_loop3A_596 = tpu.memref_squeeze %parallel_loop3A_595 : memref<1x8x8x129xf32, #tpu.memory_space<vmem>> -> memref<8x8x129xf32, #tpu.memory_space<vmem>>
        tpu.vector_store_idx %parallel_loop3A_596[%shift_right_logical3A_20, %and3A_30, %parallel_loop3A_560], %parallel_loop3A_591 : memref<8x8x129xf32, #tpu.memory_space<vmem>>[vector<16xi32>, vector<16xi32>, vector<16xi32>], vector<16xf32>,
        %parallel_loop3A_597 = arith.constant 0 : i32
        %parallel_loop3A_598 = arith.constant 0 : i32
        %parallel_loop3A_599 = tpu.memref_slice %arg6[%parallel_loop3A_532, %parallel_loop3A_597, %parallel_loop3A_598] : memref<5x128x64xf32, #tpu.memory_space<vmem>> -> memref<1x128x64xf32, #tpu.memory_space<vmem>>
        %parallel_loop3A_600 = tpu.memref_squeeze %parallel_loop3A_599 : memref<1x128x64xf32, #tpu.memory_space<vmem>> -> memref<128x64xf32, #tpu.memory_space<vmem>>
        %parallel_loop3A_601 = arith.index_cast %parallel_loop3A_559 : i32 to index
        %parallel_loop3A_602 = arith.constant 48 : index
        %parallel_loop3A_603 = tpu.vector_load %parallel_loop3A_600[%parallel_loop3A_601, %parallel_loop3A_602] {strides = array<i32>} : memref<128x64xf32, #tpu.memory_space<vmem>>, vector<16xf32>,
        %parallel_loop3A_604 = arith.constant 0 : i32
        %parallel_loop3A_605 = arith.constant 0 : i32
        %parallel_loop3A_606 = arith.constant 0 : i32
        %parallel_loop3A_607 = tpu.memref_slice %arg7[%parallel_loop3A_533, %parallel_loop3A_604, %parallel_loop3A_605, %parallel_loop3A_606] : memref<5x8x8x129xf32, #tpu.memory_space<vmem>> -> memref<1x8x8x129xf32, #tpu.memory_space<vmem>>
        %parallel_loop3A_608 = tpu.memref_squeeze %parallel_loop3A_607 : memref<1x8x8x129xf32, #tpu.memory_space<vmem>> -> memref<8x8x129xf32, #tpu.memory_space<vmem>>
        tpu.vector_store_idx %parallel_loop3A_608[%shift_right_logical3A_23, %and3A_33, %parallel_loop3A_560], %parallel_loop3A_603 : memref<8x8x129xf32, #tpu.memory_space<vmem>>[vector<16xi32>, vector<16xi32>, vector<16xi32>], vector<16xf32>,
        %parallel_loop3A_609 = arith.addi %parallel_loop3A_560, %broadcast_in_dim3A_526 : vector<16xi32>
        scf.yield %parallel_loop3A_609 : vector<16xi32>
      } {sc.loop_unroll_factor = 8 : i64, sc.parallel_access}
      %dma_start3A_535 = arith.constant 4 : i32
      %dma_start3A_536 = arith.constant 4 : i32
      %dma_start3A_537 = arith.constant 0 : i32
      %dma_start3A_538 = arith.constant 0 : i32
      %dma_start3A_539 = arith.constant 0 : i32
      %dma_start3A_540 = tpu.memref_slice %arg7[%dma_start3A_535, %dma_start3A_537, %dma_start3A_538, %dma_start3A_539] : memref<5x8x8x129xf32, #tpu.memory_space<vmem>> -> memref<1x8x8x128xf32, #tpu.memory_space<vmem>>
      %dma_start3A_541 = tpu.memref_squeeze %dma_start3A_540 : memref<1x8x8x128xf32, #tpu.memory_space<vmem>> -> memref<8x8x128xf32, #tpu.memory_space<vmem>>
      %dma_start3A_542 = arith.constant 0 : i32
      %dma_start3A_543 = arith.constant 0 : i32
      %dma_start3A_544 = arith.constant 0 : i32
      %dma_start3A_545 = tpu.memref_slice %arg4[%add3A_495, %dma_start3A_542, %add3A, %dma_start3A_543, %dma_start3A_544] : memref<50x8x32x8x128xf32, #tpu.memory_space<hbm>> -> memref<1x8x1x8x128xf32, #tpu.memory_space<hbm>>
      %dma_start3A_546 = tpu.memref_squeeze %dma_start3A_545 : memref<1x8x1x8x128xf32, #tpu.memory_space<hbm>> -> memref<8x8x128xf32, #tpu.memory_space<hbm>>
      %dma_start3A_547 = tpu.memref_slice %arg9[%dma_start3A_536] : memref<5x!tpu.dma_semaphore, #tpu.memory_space<semaphore_mem>> -> memref<1x!tpu.dma_semaphore, #tpu.memory_space<semaphore_mem>>
      %dma_start3A_548 = tpu.memref_squeeze %dma_start3A_547 : memref<1x!tpu.dma_semaphore, #tpu.memory_space<semaphore_mem>> -> memref<!tpu.dma_semaphore, #tpu.memory_space<semaphore_mem>>
      %dma_start3A_549 = arith.constant 0 : i32
      %dma_start3A_550 = arith.constant 0 : i32
      %dma_start3A_551 = arith.constant 0 : i32
      %dma_start3A_552 = tpu.memref_slice %arg4[%add3A_495, %dma_start3A_549, %add3A, %dma_start3A_550, %dma_start3A_551] : memref<50x8x32x8x128xf32, #tpu.memory_space<hbm>> -> memref<1x8x1x8x128xf32, #tpu.memory_space<hbm>>
      %dma_start3A_553 = tpu.memref_squeeze %dma_start3A_552 : memref<1x8x1x8x128xf32, #tpu.memory_space<hbm>> -> memref<8x8x128xf32, #tpu.memory_space<hbm>>
      %dma_start3A_554 = arith.constant 0 : i32
      %dma_start3A_555 = arith.constant 0 : i32
      %dma_start3A_556 = arith.constant 0 : i32
      %dma_start3A_557 = tpu.memref_slice %arg7[%dma_start3A_535, %dma_start3A_554, %dma_start3A_555, %dma_start3A_556] : memref<5x8x8x129xf32, #tpu.memory_space<vmem>> -> memref<1x8x8x128xf32, #tpu.memory_space<vmem>>
      %dma_start3A_558 = tpu.memref_squeeze %dma_start3A_557 : memref<1x8x8x128xf32, #tpu.memory_space<vmem>> -> memref<8x8x128xf32, #tpu.memory_space<vmem>>
      tpu.enqueue_dma source(%dma_start3A_558 : memref<8x8x128xf32, #tpu.memory_space<vmem>>) target(%dma_start3A_553 : memref<8x8x128xf32, #tpu.memory_space<hbm>>) target_semaphore(%dma_start3A_548 : memref<!tpu.dma_semaphore, #tpu.memory_space<semaphore_mem>>)
    }
    %scan3A_99 = arith.constant 10 : i32
    %dma_wait3A = arith.constant 0 : i32
    %dma_wait3A_100 = arith.constant 0 : i32
    %dma_wait3A_101 = arith.constant 0 : i32
    %dma_wait3A_102 = arith.constant 0 : i32
    %dma_wait3A_103 = arith.constant 0 : i32
    %dma_wait3A_104 = arith.constant 0 : i32
    %dma_wait3A_105 = arith.constant 0 : i32
    %dma_wait3A_106 = tpu.memref_slice %arg7[%dma_wait3A, %dma_wait3A_103, %dma_wait3A_104, %dma_wait3A_105] : memref<5x8x8x129xf32, #tpu.memory_space<vmem>> -> memref<1x8x8x128xf32, #tpu.memory_space<vmem>>
    %dma_wait3A_107 = tpu.memref_squeeze %dma_wait3A_106 : memref<1x8x8x128xf32, #tpu.memory_space<vmem>> -> memref<8x8x128xf32, #tpu.memory_space<vmem>>
    %dma_wait3A_108 = arith.constant 0 : i32
    %dma_wait3A_109 = arith.constant 0 : i32
    %dma_wait3A_110 = arith.constant 0 : i32
    %dma_wait3A_111 = tpu.memref_slice %arg4[%dma_wait3A_100, %dma_wait3A_108, %dma_wait3A_101, %dma_wait3A_109, %dma_wait3A_110] : memref<50x8x32x8x128xf32, #tpu.memory_space<hbm>> -> memref<1x8x1x8x128xf32, #tpu.memory_space<hbm>>
    %dma_wait3A_112 = tpu.memref_squeeze %dma_wait3A_111 : memref<1x8x1x8x128xf32, #tpu.memory_space<hbm>> -> memref<8x8x128xf32, #tpu.memory_space<hbm>>
    %dma_wait3A_113 = tpu.memref_slice %arg9[%dma_wait3A_102] : memref<5x!tpu.dma_semaphore, #tpu.memory_space<semaphore_mem>> -> memref<1x!tpu.dma_semaphore, #tpu.memory_space<semaphore_mem>>
    %dma_wait3A_114 = tpu.memref_squeeze %dma_wait3A_113 : memref<1x!tpu.dma_semaphore, #tpu.memory_space<semaphore_mem>> -> memref<!tpu.dma_semaphore, #tpu.memory_space<semaphore_mem>>
    %dma_wait3A_115 = arith.constant 0 : i32
    %dma_wait3A_116 = arith.constant 0 : i32
    %dma_wait3A_117 = arith.constant 0 : i32
    %dma_wait3A_118 = tpu.memref_slice %arg4[%dma_wait3A_100, %dma_wait3A_115, %dma_wait3A_101, %dma_wait3A_116, %dma_wait3A_117] : memref<50x8x32x8x128xf32, #tpu.memory_space<hbm>> -> memref<1x8x1x8x128xf32, #tpu.memory_space<hbm>>
    %dma_wait3A_119 = tpu.memref_squeeze %dma_wait3A_118 : memref<1x8x1x8x128xf32, #tpu.memory_space<hbm>> -> memref<8x8x128xf32, #tpu.memory_space<hbm>>
    %dma_wait3A_120 = arith.constant 0 : i32
    %dma_wait3A_121 = arith.constant 0 : i32
    %dma_wait3A_122 = arith.constant 0 : i32
    %dma_wait3A_123 = tpu.memref_slice %arg7[%dma_wait3A, %dma_wait3A_120, %dma_wait3A_121, %dma_wait3A_122] : memref<5x8x8x129xf32, #tpu.memory_space<vmem>> -> memref<1x8x8x128xf32, #tpu.memory_space<vmem>>
    %dma_wait3A_124 = tpu.memref_squeeze %dma_wait3A_123 : memref<1x8x8x128xf32, #tpu.memory_space<vmem>> -> memref<8x8x128xf32, #tpu.memory_space<vmem>>
    tpu.wait_dma2 semaphore(%dma_wait3A_114 : memref<!tpu.dma_semaphore, #tpu.memory_space<semaphore_mem>>) src(%dma_wait3A_124 : memref<8x8x128xf32, #tpu.memory_space<vmem>>) dst(%dma_wait3A_119 : memref<8x8x128xf32, #tpu.memory_space<hbm>>)
    %dma_wait3A_125 = arith.constant 1 : i32
    %dma_wait3A_126 = arith.constant 0 : i32
    %dma_wait3A_127 = arith.constant 0 : i32
    %dma_wait3A_128 = arith.constant 1 : i32
    %dma_wait3A_129 = arith.constant 0 : i32
    %dma_wait3A_130 = arith.constant 0 : i32
    %dma_wait3A_131 = arith.constant 0 : i32
    %dma_wait3A_132 = tpu.memref_slice %arg7[%dma_wait3A_125, %dma_wait3A_129, %dma_wait3A_130, %dma_wait3A_131] : memref<5x8x8x129xf32, #tpu.memory_space<vmem>> -> memref<1x8x8x128xf32, #tpu.memory_space<vmem>>
    %dma_wait3A_133 = tpu.memref_squeeze %dma_wait3A_132 : memref<1x8x8x128xf32, #tpu.memory_space<vmem>> -> memref<8x8x128xf32, #tpu.memory_space<vmem>>
    %dma_wait3A_134 = arith.constant 0 : i32
    %dma_wait3A_135 = arith.constant 0 : i32
    %dma_wait3A_136 = arith.constant 0 : i32
    %dma_wait3A_137 = tpu.memref_slice %arg4[%dma_wait3A_126, %dma_wait3A_134, %dma_wait3A_127, %dma_wait3A_135, %dma_wait3A_136] : memref<50x8x32x8x128xf32, #tpu.memory_space<hbm>> -> memref<1x8x1x8x128xf32, #tpu.memory_space<hbm>>
    %dma_wait3A_138 = tpu.memref_squeeze %dma_wait3A_137 : memref<1x8x1x8x128xf32, #tpu.memory_space<hbm>> -> memref<8x8x128xf32, #tpu.memory_space<hbm>>
    %dma_wait3A_139 = tpu.memref_slice %arg9[%dma_wait3A_128] : memref<5x!tpu.dma_semaphore, #tpu.memory_space<semaphore_mem>> -> memref<1x!tpu.dma_semaphore, #tpu.memory_space<semaphore_mem>>
    %dma_wait3A_140 = tpu.memref_squeeze %dma_wait3A_139 : memref<1x!tpu.dma_semaphore, #tpu.memory_space<semaphore_mem>> -> memref<!tpu.dma_semaphore, #tpu.memory_space<semaphore_mem>>
    %dma_wait3A_141 = arith.constant 0 : i32
    %dma_wait3A_142 = arith.constant 0 : i32
    %dma_wait3A_143 = arith.constant 0 : i32
    %dma_wait3A_144 = tpu.memref_slice %arg4[%dma_wait3A_126, %dma_wait3A_141, %dma_wait3A_127, %dma_wait3A_142, %dma_wait3A_143] : memref<50x8x32x8x128xf32, #tpu.memory_space<hbm>> -> memref<1x8x1x8x128xf32, #tpu.memory_space<hbm>>
    %dma_wait3A_145 = tpu.memref_squeeze %dma_wait3A_144 : memref<1x8x1x8x128xf32, #tpu.memory_space<hbm>> -> memref<8x8x128xf32, #tpu.memory_space<hbm>>
    %dma_wait3A_146 = arith.constant 0 : i32
    %dma_wait3A_147 = arith.constant 0 : i32
    %dma_wait3A_148 = arith.constant 0 : i32
    %dma_wait3A_149 = tpu.memref_slice %arg7[%dma_wait3A_125, %dma_wait3A_146, %dma_wait3A_147, %dma_wait3A_148] : memref<5x8x8x129xf32, #tpu.memory_space<vmem>> -> memref<1x8x8x128xf32, #tpu.memory_space<vmem>>
    %dma_wait3A_150 = tpu.memref_squeeze %dma_wait3A_149 : memref<1x8x8x128xf32, #tpu.memory_space<vmem>> -> memref<8x8x128xf32, #tpu.memory_space<vmem>>
    tpu.wait_dma2 semaphore(%dma_wait3A_140 : memref<!tpu.dma_semaphore, #tpu.memory_space<semaphore_mem>>) src(%dma_wait3A_150 : memref<8x8x128xf32, #tpu.memory_space<vmem>>) dst(%dma_wait3A_145 : memref<8x8x128xf32, #tpu.memory_space<hbm>>)
    %dma_wait3A_151 = arith.constant 2 : i32
    %dma_wait3A_152 = arith.constant 0 : i32
    %dma_wait3A_153 = arith.constant 0 : i32
    %dma_wait3A_154 = arith.constant 2 : i32
    %dma_wait3A_155 = arith.constant 0 : i32
    %dma_wait3A_156 = arith.constant 0 : i32
    %dma_wait3A_157 = arith.constant 0 : i32
    %dma_wait3A_158 = tpu.memref_slice %arg7[%dma_wait3A_151, %dma_wait3A_155, %dma_wait3A_156, %dma_wait3A_157] : memref<5x8x8x129xf32, #tpu.memory_space<vmem>> -> memref<1x8x8x128xf32, #tpu.memory_space<vmem>>
    %dma_wait3A_159 = tpu.memref_squeeze %dma_wait3A_158 : memref<1x8x8x128xf32, #tpu.memory_space<vmem>> -> memref<8x8x128xf32, #tpu.memory_space<vmem>>
    %dma_wait3A_160 = arith.constant 0 : i32
    %dma_wait3A_161 = arith.constant 0 : i32
    %dma_wait3A_162 = arith.constant 0 : i32
    %dma_wait3A_163 = tpu.memref_slice %arg4[%dma_wait3A_152, %dma_wait3A_160, %dma_wait3A_153, %dma_wait3A_161, %dma_wait3A_162] : memref<50x8x32x8x128xf32, #tpu.memory_space<hbm>> -> memref<1x8x1x8x128xf32, #tpu.memory_space<hbm>>
    %dma_wait3A_164 = tpu.memref_squeeze %dma_wait3A_163 : memref<1x8x1x8x128xf32, #tpu.memory_space<hbm>> -> memref<8x8x128xf32, #tpu.memory_space<hbm>>
    %dma_wait3A_165 = tpu.memref_slice %arg9[%dma_wait3A_154] : memref<5x!tpu.dma_semaphore, #tpu.memory_space<semaphore_mem>> -> memref<1x!tpu.dma_semaphore, #tpu.memory_space<semaphore_mem>>
    %dma_wait3A_166 = tpu.memref_squeeze %dma_wait3A_165 : memref<1x!tpu.dma_semaphore, #tpu.memory_space<semaphore_mem>> -> memref<!tpu.dma_semaphore, #tpu.memory_space<semaphore_mem>>
    %dma_wait3A_167 = arith.constant 0 : i32
    %dma_wait3A_168 = arith.constant 0 : i32
    %dma_wait3A_169 = arith.constant 0 : i32
    %dma_wait3A_170 = tpu.memref_slice %arg4[%dma_wait3A_152, %dma_wait3A_167, %dma_wait3A_153, %dma_wait3A_168, %dma_wait3A_169] : memref<50x8x32x8x128xf32, #tpu.memory_space<hbm>> -> memref<1x8x1x8x128xf32, #tpu.memory_space<hbm>>
    %dma_wait3A_171 = tpu.memref_squeeze %dma_wait3A_170 : memref<1x8x1x8x128xf32, #tpu.memory_space<hbm>> -> memref<8x8x128xf32, #tpu.memory_space<hbm>>
    %dma_wait3A_172 = arith.constant 0 : i32
    %dma_wait3A_173 = arith.constant 0 : i32
    %dma_wait3A_174 = arith.constant 0 : i32
    %dma_wait3A_175 = tpu.memref_slice %arg7[%dma_wait3A_151, %dma_wait3A_172, %dma_wait3A_173, %dma_wait3A_174] : memref<5x8x8x129xf32, #tpu.memory_space<vmem>> -> memref<1x8x8x128xf32, #tpu.memory_space<vmem>>
    %dma_wait3A_176 = tpu.memref_squeeze %dma_wait3A_175 : memref<1x8x8x128xf32, #tpu.memory_space<vmem>> -> memref<8x8x128xf32, #tpu.memory_space<vmem>>
    tpu.wait_dma2 semaphore(%dma_wait3A_166 : memref<!tpu.dma_semaphore, #tpu.memory_space<semaphore_mem>>) src(%dma_wait3A_176 : memref<8x8x128xf32, #tpu.memory_space<vmem>>) dst(%dma_wait3A_171 : memref<8x8x128xf32, #tpu.memory_space<hbm>>)
    %dma_wait3A_177 = arith.constant 3 : i32
    %dma_wait3A_178 = arith.constant 0 : i32
    %dma_wait3A_179 = arith.constant 0 : i32
    %dma_wait3A_180 = arith.constant 3 : i32
    %dma_wait3A_181 = arith.constant 0 : i32
    %dma_wait3A_182 = arith.constant 0 : i32
    %dma_wait3A_183 = arith.constant 0 : i32
    %dma_wait3A_184 = tpu.memref_slice %arg7[%dma_wait3A_177, %dma_wait3A_181, %dma_wait3A_182, %dma_wait3A_183] : memref<5x8x8x129xf32, #tpu.memory_space<vmem>> -> memref<1x8x8x128xf32, #tpu.memory_space<vmem>>
    %dma_wait3A_185 = tpu.memref_squeeze %dma_wait3A_184 : memref<1x8x8x128xf32, #tpu.memory_space<vmem>> -> memref<8x8x128xf32, #tpu.memory_space<vmem>>
    %dma_wait3A_186 = arith.constant 0 : i32
    %dma_wait3A_187 = arith.constant 0 : i32
    %dma_wait3A_188 = arith.constant 0 : i32
    %dma_wait3A_189 = tpu.memref_slice %arg4[%dma_wait3A_178, %dma_wait3A_186, %dma_wait3A_179, %dma_wait3A_187, %dma_wait3A_188] : memref<50x8x32x8x128xf32, #tpu.memory_space<hbm>> -> memref<1x8x1x8x128xf32, #tpu.memory_space<hbm>>
    %dma_wait3A_190 = tpu.memref_squeeze %dma_wait3A_189 : memref<1x8x1x8x128xf32, #tpu.memory_space<hbm>> -> memref<8x8x128xf32, #tpu.memory_space<hbm>>
    %dma_wait3A_191 = tpu.memref_slice %arg9[%dma_wait3A_180] : memref<5x!tpu.dma_semaphore, #tpu.memory_space<semaphore_mem>> -> memref<1x!tpu.dma_semaphore, #tpu.memory_space<semaphore_mem>>
    %dma_wait3A_192 = tpu.memref_squeeze %dma_wait3A_191 : memref<1x!tpu.dma_semaphore, #tpu.memory_space<semaphore_mem>> -> memref<!tpu.dma_semaphore, #tpu.memory_space<semaphore_mem>>
    %dma_wait3A_193 = arith.constant 0 : i32
    %dma_wait3A_194 = arith.constant 0 : i32
    %dma_wait3A_195 = arith.constant 0 : i32
    %dma_wait3A_196 = tpu.memref_slice %arg4[%dma_wait3A_178, %dma_wait3A_193, %dma_wait3A_179, %dma_wait3A_194, %dma_wait3A_195] : memref<50x8x32x8x128xf32, #tpu.memory_space<hbm>> -> memref<1x8x1x8x128xf32, #tpu.memory_space<hbm>>
    %dma_wait3A_197 = tpu.memref_squeeze %dma_wait3A_196 : memref<1x8x1x8x128xf32, #tpu.memory_space<hbm>> -> memref<8x8x128xf32, #tpu.memory_space<hbm>>
    %dma_wait3A_198 = arith.constant 0 : i32
    %dma_wait3A_199 = arith.constant 0 : i32
    %dma_wait3A_200 = arith.constant 0 : i32
    %dma_wait3A_201 = tpu.memref_slice %arg7[%dma_wait3A_177, %dma_wait3A_198, %dma_wait3A_199, %dma_wait3A_200] : memref<5x8x8x129xf32, #tpu.memory_space<vmem>> -> memref<1x8x8x128xf32, #tpu.memory_space<vmem>>
    %dma_wait3A_202 = tpu.memref_squeeze %dma_wait3A_201 : memref<1x8x8x128xf32, #tpu.memory_space<vmem>> -> memref<8x8x128xf32, #tpu.memory_space<vmem>>
    tpu.wait_dma2 semaphore(%dma_wait3A_192 : memref<!tpu.dma_semaphore, #tpu.memory_space<semaphore_mem>>) src(%dma_wait3A_202 : memref<8x8x128xf32, #tpu.memory_space<vmem>>) dst(%dma_wait3A_197 : memref<8x8x128xf32, #tpu.memory_space<hbm>>)
    %dma_wait3A_203 = arith.constant 4 : i32
    %dma_wait3A_204 = arith.constant 0 : i32
    %dma_wait3A_205 = arith.constant 0 : i32
    %dma_wait3A_206 = arith.constant 4 : i32
    %dma_wait3A_207 = arith.constant 0 : i32
    %dma_wait3A_208 = arith.constant 0 : i32
    %dma_wait3A_209 = arith.constant 0 : i32
    %dma_wait3A_210 = tpu.memref_slice %arg7[%dma_wait3A_203, %dma_wait3A_207, %dma_wait3A_208, %dma_wait3A_209] : memref<5x8x8x129xf32, #tpu.memory_space<vmem>> -> memref<1x8x8x128xf32, #tpu.memory_space<vmem>>
    %dma_wait3A_211 = tpu.memref_squeeze %dma_wait3A_210 : memref<1x8x8x128xf32, #tpu.memory_space<vmem>> -> memref<8x8x128xf32, #tpu.memory_space<vmem>>
    %dma_wait3A_212 = arith.constant 0 : i32
    %dma_wait3A_213 = arith.constant 0 : i32
    %dma_wait3A_214 = arith.constant 0 : i32
    %dma_wait3A_215 = tpu.memref_slice %arg4[%dma_wait3A_204, %dma_wait3A_212, %dma_wait3A_205, %dma_wait3A_213, %dma_wait3A_214] : memref<50x8x32x8x128xf32, #tpu.memory_space<hbm>> -> memref<1x8x1x8x128xf32, #tpu.memory_space<hbm>>
    %dma_wait3A_216 = tpu.memref_squeeze %dma_wait3A_215 : memref<1x8x1x8x128xf32, #tpu.memory_space<hbm>> -> memref<8x8x128xf32, #tpu.memory_space<hbm>>
    %dma_wait3A_217 = tpu.memref_slice %arg9[%dma_wait3A_206] : memref<5x!tpu.dma_semaphore, #tpu.memory_space<semaphore_mem>> -> memref<1x!tpu.dma_semaphore, #tpu.memory_space<semaphore_mem>>
    %dma_wait3A_218 = tpu.memref_squeeze %dma_wait3A_217 : memref<1x!tpu.dma_semaphore, #tpu.memory_space<semaphore_mem>> -> memref<!tpu.dma_semaphore, #tpu.memory_space<semaphore_mem>>
    %dma_wait3A_219 = arith.constant 0 : i32
    %dma_wait3A_220 = arith.constant 0 : i32
    %dma_wait3A_221 = arith.constant 0 : i32
    %dma_wait3A_222 = tpu.memref_slice %arg4[%dma_wait3A_204, %dma_wait3A_219, %dma_wait3A_205, %dma_wait3A_220, %dma_wait3A_221] : memref<50x8x32x8x128xf32, #tpu.memory_space<hbm>> -> memref<1x8x1x8x128xf32, #tpu.memory_space<hbm>>
    %dma_wait3A_223 = tpu.memref_squeeze %dma_wait3A_222 : memref<1x8x1x8x128xf32, #tpu.memory_space<hbm>> -> memref<8x8x128xf32, #tpu.memory_space<hbm>>
    %dma_wait3A_224 = arith.constant 0 : i32
    %dma_wait3A_225 = arith.constant 0 : i32
    %dma_wait3A_226 = arith.constant 0 : i32
    %dma_wait3A_227 = tpu.memref_slice %arg7[%dma_wait3A_203, %dma_wait3A_224, %dma_wait3A_225, %dma_wait3A_226] : memref<5x8x8x129xf32, #tpu.memory_space<vmem>> -> memref<1x8x8x128xf32, #tpu.memory_space<vmem>>
    %dma_wait3A_228 = tpu.memref_squeeze %dma_wait3A_227 : memref<1x8x8x128xf32, #tpu.memory_space<vmem>> -> memref<8x8x128xf32, #tpu.memory_space<vmem>>
    tpu.wait_dma2 semaphore(%dma_wait3A_218 : memref<!tpu.dma_semaphore, #tpu.memory_space<semaphore_mem>>) src(%dma_wait3A_228 : memref<8x8x128xf32, #tpu.memory_space<vmem>>) dst(%dma_wait3A_223 : memref<8x8x128xf32, #tpu.memory_space<hbm>>)
    return
  }
}

</mosaic_0001>

<sc_bundles>
// kernel: kernel.3.cloned.1.call-start
scs
__scs_entry_jumppad:
0x0: {  	(pc) =	sbr.rel $0x88, $3  }
0x1: {  	(tag) =	ssettag $0x0;
	lr =	simm.s32 $0x1  }
0x2: {  	[smem:$0x3F9F] =	sst lr;
	_ =	strace $0xD0000000  }
0x3: {  	_ = 	snop  }
0x4: {  	_ = 	snop  }
0x5: {  	_ = 	snop  }
0x6: {  	_ = 	snop  }
0x7: {  	_ = 	snop  }
__scs_overlays_trampoline_lowered:
0x8: {  	[smem:$0x3FAE] =	sst s0  }
0x9: {  	[smem:$0x3FAF] =	sst s1  }
0xa: {  	[smem:$0x3FB0] =	sst s2  }
0xb: {  	[smem:$0x3FB1] =	sst s3  }
0xc: {  	[smem:$0x3FB2] =	sst s4  }
0xd: {  	[smem:$0x3FB3] =	sst s5  }
0xe: {  	[smem:$0x3FB4] =	sst s6  }
0xf: {  	[smem:$0x3FB5] =	sst s7  }
0x10: {  	[smem:$0x3FB6] =	sst s8  }
0x11: {  	[smem:$0x3FB7] =	sst s9;
	s0 =	simm.s32 @!p0 $0x0  }
0x12: {  	s1 =	sld [smem:$0x3F9D];
	s0 =	simm.s32 @p0 $0x1  }
0x13: {  	[smem:$0x3FB8] =	sst s0;
	s0 =	simm.s32 @!p1 $0x0  }
0x14: {  	s2 =	sld [smem:$0x3F9C];
	s0 =	simm.s32 @p1 $0x1  }
0x15: {  	[smem:$0x3FB9] =	sst s0;
	s0 =	simm.s32 @!p2 $0x0  }
0x16: {  	s3 =	sld [smem:$0x3FDB];
	s0 =	simm.s32 @p2 $0x1  }
0x17: {  	s4 =	simm.s32 $0x1BF5;
	[smem:$0x3FBB] =	sst s0  }
0x18: {  	s0 =	sld [smem:$0x3F9E];
	_ =	swait.ge [sflag:s4], $0x0  }
0x19: {  	s7 =	sld [smem:$0x3F9F]  }
0x1a: {  	s8 =	sadd.s32 $0xFFFFE003, lr  }
0x1b: {  	s9 =	sadd.s32 $0xFFFFFEF7, lr;
	s5 =	simm.s32 $0xFFFFFFFF;
	p2 =	slt.u32 s8, $0xFFFFF086  }
0x1c: {  	p1 =	slt.u32 s9, $0xF7A;
	s5 =	simm.s32 @!p2 $0x0  }
0x1d: {  	s5 =	simm.s32 @p1 $0x1;
	p0 =	seq.s32 s7, s2  }
0x1e: {  	s7 =	smul.u32 @!p0 $0xF7A, s2;
	p2 =	seq.s32 @!p0 s5, $0x0  }
0x1f: {  	s9 =	smul.u32 $0xF7A, s1;
	s8 =	simm.s32 @!p0 $0x1BF5;
	p2 =	por !p2, p0  }
0x20: {  	[sflag:s8] =	ssyncset.s32 @!p0 $0xFFFFF086;
	s6 =	sadd.s32 @!p0 s3, s7;
	s7 =	simm.s32 @!p0 $0x108  }
0x21: {  	s3 =	sadd.s32 s3, s9;
	s6 =	sadd.s32 @!p0 $0x88, s6;
	s7 =	simm.s32 @p2 $0x1082  }
0x22: {  	[simem:s7], [sflag:s8] =	dma.local @!p0 [hbm:s6], $0xF7A  }
0x23: {  	s9 =	sor.u32 $0xD0000000, s2;
	s6 =	simm.s32 $0x108;
	_ =	swait.ge @!p0 [sflag:s8], $0x0  }
0x24: {  	s3 =	sadd.s32 $0x88, s3;
	s6 =	simm.s32 @!p1 $0x1082;
	[sflag:s4] =	ssyncset.s32 $0xFFFFF086  }
0x25: {  	[simem:s6], [sflag:s4] =	dma.local [hbm:s3], $0xF7A  }
0x26: {  	[smem:$0x3F9F] =	sst s1;
	(tag) =	ssettag s2;
	_ =	strace s9  }
0x27: {  	s1 =	sld [smem:$0x3FAF]  }
0x28: {  	s2 =	sld [smem:$0x3FB0]  }
0x29: {  	s4 =	sld [smem:$0x3FB2]  }
0x2a: {  	p0 =	seq.s32 s5, $0x0;
	s5 =	sld [smem:$0x3FB3]  }
0x2b: {  	s6 =	sld [smem:$0x3FB4]  }
0x2c: {  	s7 =	sld [smem:$0x3FB5]  }
0x2d: {  	s3 =	simm.s32 $0x108;
	s8 =	sld [smem:$0x3FB6]  }
0x2e: {  	s3 =	simm.s32 @!p0 $0x1082;
	s9 =	sld [smem:$0x3FB7]  }
0x2f: {  	lr =	sadd.s32 s0, s3;
	s0 =	sld [smem:$0x3FAE]  }
0x30: {  	s3 =	sld [smem:$0x3FB1]  }
0x31: {  	[smem:$0x3FBA] =	sst s10  }
0x32: {  	s10 =	sld [smem:$0x3FB8];
	_ =	sdelay $0x3  }
0x33: {  	p0 =	seq.s32 s10, $0x1;
	s10 =	sld [smem:$0x3FBA];
	_ =	sdelay $0x3  }
0x34: {  	[smem:$0x3FBA] =	sst s10  }
0x35: {  	s10 =	sld [smem:$0x3FB9];
	_ =	sdelay $0x3  }
0x36: {  	p1 =	seq.s32 s10, $0x1;
	s10 =	sld [smem:$0x3FBA];
	_ =	sdelay $0x3  }
0x37: {  	[smem:$0x3FBA] =	sst s10  }
0x38: {  	s10 =	sld [smem:$0x3FBB]  }
0x39: {  	_ = 	snop;
	(pc) =	sbr.ind lr, $3  }
0x3a: {  	_ = 	snop  }
0x3b: {  	_ = 	snop  }
0x3c: {  	p2 =	seq.s32 s10, $0x1;
	s10 =	sld [smem:$0x3FBA]  }
0x3d: {  	_ =	shalt  }
0x3e: {  	_ =	shalt  }
0x3f: {  	_ =	shalt  }
0x40: {  	_ =	shalt  }
0x41: {  	_ =	shalt  }
0x42: {  	_ =	shalt  }
0x43: {  	_ =	shalt  }
0x44: {  	_ =	shalt  }
0x45: {  	_ =	shalt  }
0x46: {  	_ =	shalt  }
0x47: {  	_ =	shalt  }
0x48: {  	_ =	shalt  }
0x49: {  	_ =	shalt  }
0x4a: {  	_ =	shalt  }
0x4b: {  	_ =	shalt  }
0x4c: {  	_ =	shalt  }
0x4d: {  	_ =	shalt  }
0x4e: {  	_ =	shalt  }
0x4f: {  	_ =	shalt  }
0x50: {  	_ =	shalt  }
0x51: {  	_ =	shalt  }
0x52: {  	_ =	shalt  }
0x53: {  	_ =	shalt  }
0x54: {  	_ =	shalt  }
0x55: {  	_ =	shalt  }
0x56: {  	_ =	shalt  }
0x57: {  	_ =	shalt  }
0x58: {  	_ =	shalt  }
0x59: {  	_ =	shalt  }
0x5a: {  	_ =	shalt  }
0x5b: {  	_ =	shalt  }
0x5c: {  	_ =	shalt  }
0x5d: {  	_ =	shalt  }
0x5e: {  	_ =	shalt  }
0x5f: {  	_ =	shalt  }
0x60: {  	_ =	shalt  }
0x61: {  	_ =	shalt  }
0x62: {  	_ =	shalt  }
0x63: {  	_ =	shalt  }
0x64: {  	_ =	shalt  }
0x65: {  	_ =	shalt  }
0x66: {  	_ =	shalt  }
0x67: {  	_ =	shalt  }
0x68: {  	_ =	shalt  }
0x69: {  	_ =	shalt  }
0x6a: {  	_ =	shalt  }
0x6b: {  	_ =	shalt  }
0x6c: {  	_ =	shalt  }
0x6d: {  	_ =	shalt  }
0x6e: {  	_ =	shalt  }
0x6f: {  	_ =	shalt  }
0x70: {  	_ =	shalt  }
0x71: {  	_ =	shalt  }
0x72: {  	_ =	shalt  }
0x73: {  	_ =	shalt  }
0x74: {  	_ =	shalt  }
0x75: {  	_ =	shalt  }
0x76: {  	_ =	shalt  }
0x77: {  	_ =	shalt  }
0x78: {  	_ =	shalt  }
0x79: {  	_ =	shalt  }
0x7a: {  	_ =	shalt  }
0x7b: {  	_ =	shalt  }
0x7c: {  	_ =	shalt  }
0x7d: {  	_ =	shalt  }
0x7e: {  	_ =	shalt  }
0x7f: {  	_ =	shalt  }
0x80: {  	_ =	shalt  }
0x81: {  	_ =	shalt  }
0x82: {  	_ =	shalt  }
0x83: {  	_ =	shalt  }
0x84: {  	_ =	shalt  }
0x85: {  	_ =	shalt  }
0x86: {  	_ =	shalt  }
0x87: {  	_ =	shalt  }
.Lfunc_end0:
.L_simem_size_0:
called_computation_lowered:
.L_overlay_start_0:
0x88: {  	s2 =	sld [smem:$0x3FD9]  }
0x89: {  	s3 =	sld [smem:$0x3FFE];
	_ =	sdelay $0x1  }
0x8a: {  	s1 =	srdreg.scid  }
0x8b: {  	s0 =	sand.u32 $0x1, s1  }
0x8c: {  	s17 =	sshll.u32 s0, $0xA;
	s2 =	sadd.s32 s3, s2  }
0x8d: {  	s2 =	sadd.s32 s2, s17  }
0x8e: {  	[smem:$0x3FC6] =	sst s2  }
0x8f: {  	_ = 	snop  }
0x90: {  	s2 =	sld [smem:$0x3FD0];
	(tm) =	ssettm $0x1  }
0x91: {  	s18 =	sld [smem:$0x3FFB];
	_ =	sdelay $0x3  }
0x92: {  	_ =	strace s18  }
0x93: {  	s3 =	sld [smem:$0x3FFC];
	_ =	sdelay $0x3  }
0x94: {  	_ =	strace s3  }
0x95: {  	s3 =	sld [smem:$0x3FFD];
	_ =	sdelay $0x3  }
0x96: {  	_ =	strace s3  }
0x97: {  	_ =	strace $0x8FFFFFFF  }
0x98: {  	s19 =	sld [smem:$0x3FDB];
	_ =	sdelay $0x1  }
0x99: {  	s4 =	simm.s32 $_scs_section_size  }
0x9a: {  	s5 =	simm.s32 $_size__tile_overlayer_lowered;
	s6 =	simm.s32 $_tile_overlayer_lowered  }
0x9b: {  	s22 =	simm.s32 $0x1BFF;
	s21 =	sshll.u32 s6, $0x1;
	s3 =	sadd.s32 s4, s19  }
0x9c: {  	s7 =	simm.s32 $0x0;
	s20 =	sshll.u32 s5, $0x1;
	s5 =	sadd.s32 s21, s3  }
0x9d: {  	[timem:s7], [sflag:s22] =	dma.local [hbm:s5], s20  }
0x9e: {  	_ =	swait.ge [sflag:s22], s20  }
0x9f: {  	s4 =	ssub.s32 $0x0, s20;
	[sflag:s22] =	ssyncset.done $0x0  }
0xa0: {  	[sflag:s22] =	ssyncadd.s32 s4;
	_ =	sdelay $0x1  }
0xa1: {  	s23 =	simm.s32 $0x1B8B  }
0xa2: {  	_ =	swait.ge [sflag:s23], $0x1  }
0xa3: {  	[sflag:s23] =	ssyncset.done $0x0  }
0xa4: {  	s25 =	simm.s32 $0x1B8E;
	s24 =	sld [smem:$0x3FFE];
	[sflag:s23] =	ssyncadd.s32 $0xFFFFFFFF  }
0xa5: {  	s26 =	simm.s32 $execute0_lowered;
	[smem:$0x3FD2] =	sst s25  }
0xa6: {  	s5 =	sshll.u32 s26, $0x1;
	_ =	strace $0x80000046;
	[dreg:$0x1] =	wrdreg $0xFFFFFFFF  }
0xa7: {  	s28 =	simm.s32 $_size_execute0_lowered;
	s3 =	sadd.s32 s3, s5;
	[dreg:$0x0] =	wrdreg $0x0  }
0xa8: {  	s5 =	sshll.u32 s28, $0x1;
	[dreg:$0x2] =	wrdreg s3  }
0xa9: {  	[dreg:$0x3] =	wrdreg s5  }
0xaa: {  	[dreg:$0x4] =	wrdreg $0xC0  }
0xab: {  	_ =	task [dreg:s7], $0x5FFFF  }
0xac: {  	[dreg:$0x1] =	wrdreg $0xFFFFFFFF  }
0xad: {  	[dreg:$0x0] =	wrdreg $0x60  }
0xae: {  	[dreg:$0x2] =	wrdreg s24  }
0xaf: {  	[dreg:$0x3] =	wrdreg s2  }
0xb0: {  	[dreg:$0x4] =	wrdreg $0x9  }
0xb1: {  	_ =	task.clear_ibuf [dreg:s7], $0x5FFFF;
	_ =	strace $0x90000046  }
0xb2: {  	s29 =	simm.s32 $0x9;
	_ =	strace $0x80000048  }
0xb3: {  	_ =	swait.ge [sflag:s29], $0x1  }
0xb4: {  	[sflag:s29] =	ssyncadd.s32 $0xFFFFFFFF  }
0xb5: {  	_ =	strace $0x90000048  }
0xb6: {  	_ =	sfence  }
0xb7: {  	s30 =	sld [smem:$0x0];
	_ =	sdelay $0x2  }
0xb8: {  	s31 =	sshll.u32 s1, $0xD;
	s1 =	sshrl.u32 s1, $0x2  }
0xb9: {  	s3 =	sand.u32 $0x4000, s31;
	s1 =	sadd.s32 s1, s30  }
0xba: {  	s0 =	sor.u32 s3, s0;
	s1 =	sshll.u32 s1, $0x11  }
0xbb: {  	s0 =	sor.u32 s1, s0  }
0xbc: {  	s0 =	sadd.s32 $0x8F2B, s0  }
0xbd: {  	[sflag:s0] =	ssyncadd.remote.s32 $0x1  }
0xbe: {  	_ =	sfence.sel $0xFFFF  }
0xbf: {  	[dreg:$0x0] =	wrdreg $0xFFFFFFFF;
	(pc) =	sbr.abs _section_cstart, $3  }
0xc0: {  	[dreg:$0x1] =	wrdreg $0xFFFFFFFF  }
0xc1: {  	_ =	task.clear_ibuf [dreg:s7], $0x2FFFF;
	_ =	strace $0x9FFFFFFF  }
0xc2: {  	(tm) =	ssettm $0x7FFFFFFF  }
0xc3: {  	_ =	shalt  }
tec
execute0_lowered:
.L_overlay_start_1:
0x0: {  	(tag) =	ssettag $0x1  }
0x1: {  	s0 =	rddreg [dreg:$0x0]  }
0x2: {  	s2 =	rddreg [dreg:$0x1];
	v0 =	vlaneseq.u32  }
0x3: {  	s1 =	srdreg.scid;
	s4 =	stileid.u32;
	v0 =	vmul.u32 $0x88, v0  }
0x4: {  	s3 =	simm.s32 $0x0;
	s11 =	simm.s32 $0x80;
	s21 =	simm.s32 $0x1  }
0x5: {  	s22 =	simm.s32 $0xB900;
	s23 =	simm.s32 $0x2;
	s24 =	simm.s32 $0x7;
	v1 =	vadd.s32 $0x880, v0  }
0x6: {  	s28 =	simm.s32 $0x8;
	s29 =	simm.s32 $0xFD00;
	s30 =	simm.s32 $0x4;
	v2 =	vadd.s32 $0x1100, v0;
	v3 =	vadd.s32 $0x1980, v0;
	v4 =	vor.u32 $0x1, v0  }
0x7: {  	s31 =	simm.s32 $0x9;
	s12 =	simm.s32 $0xA;
	s16 =	simm.s32 $0x14100;
	v5 =	vadd.s32 $0x881, v0;
	v6 =	vadd.s32 $0x1101, v0;
	v7 =	vadd.s32 $0x1981, v0  }
0x8: {  	s10 =	simm.s32 $0x0;
	s1 =	sand.u32 $0x1, s1;
	s4 =	sshll.u32 s4, $0x1;
	v8 =	vor.u32 $0x2, v0;
	v9 =	vadd.s32 $0x882, v0;
	v10 =	vadd.s32 $0x1102, v0  }
0x9: {  	[smem:$0x7FF] =	sst s3;
	s5 =	sor.u32 s1, s4;
	s1 =	ssub.s32 $0x2, s1;
	v11 =	vadd.s32 $0x1982, v0;
	v12 =	vor.u32 $0x3, v0;
	v13 =	vadd.s32 $0x883, v0  }
0xa: {  	_ =	strace $0x80000047;
	s6 =	sshll.u32 s5, $0x4;
	s25 =	sshrl.u32 s1, $0x1;
	v14 =	vadd.s32 $0x1103, v0;
	v15 =	vadd.s32 $0x1983, v0;
	v16 =	vor.u32 $0x4, v0  }
0xb: {  	s4 =	sadd.s32 $0x6800, s0;
	v17 =	vadd.s32 $0x884, v0;
	v18 =	vadd.s32 $0x1104, v0;
	v19 =	vadd.s32 $0x1984, v0;
	s0 =	sadd.s32 s6, s0;
	s1 =	ssub.s32 s1, s25  }
0xc: {  	v20 =	vor.u32 $0x5, v0;
	v21 =	vadd.s32 $0x885, v0;
	v22 =	vadd.s32 $0x1105, v0;
	s6 =	sshll.u32 s5, $0xA;
	s25 =	simm.s32 $0xDB00;
	s0 =	sadd.s32 $0x400, s0  }
0xd: {  	v23 =	vadd.s32 $0x1985, v0;
	v24 =	vor.u32 $0x6, v0;
	v25 =	vadd.s32 $0x886, v0;
	s7 =	sor.u32 $0x40000, s6;
	s8 =	sor.u32 $0x80000, s6;
	s9 =	sor.u32 $0xC0000, s6  }
0xe: {  	v26 =	vadd.s32 $0x1106, v0;
	v27 =	vadd.s32 $0x1986, v0;
	v28 =	vor.u32 $0x7, v0;
	s26 =	smax.u32 s1, $0x1;
	s1 =	simm.s32 $0x5;
	[dreg:$0x3] =	wrdreg s0  }
0xf: {  	v29 =	vadd.s32 $0x887, v0;
	v30 =	vadd.s32 $0x1107, v0;
	v31 =	vadd.s32 $0x1987, v0;
	[dreg:$0x4] =	wrdreg s26;
	s26 =	simm.s32 $0x3;
	s0 =	simm.s32 $0x11F00  }
.LBB2_1:
0x10: {  	[dreg:$0x5] =	wrdreg s10  }
0x11: {  	s5 =	rddreg [dreg:$0x3];
	s20 =	simm.s32 $0x1000;
	s13 =	simm.s32 $0xB  }
0x12: {  	[tilespmem:s3], [sflag:$0xB] =	stream.strided.gather [hbm4b:s5+s11], $0x1900, s20, s11, $0x38;
	[tilespmem:$0x16300] =	vst v63  }
0x13: {  	_ =	swait.ge [sflag:s13], $0x1900  }
0x14: {  	[sflag:s13] =	ssyncset.done $0x0  }
0x15: {  	s14 =	simm.s32 $0x1900;
	[sflag:s13] =	ssyncadd.s32 $0xFFFFE700  }
0x16: {  	[tilespmem:s14], [sflag:$0x1] =	stream.indirect.gather [hbm4b:s4+s11], $0x40, s3, s11, $0xb8;
	[tilespmem:$0x16300] =	vst v63  }
0x17: {  	s15 =	simm.s32 $0x3900  }
0x18: {  	[tilespmem:s15], [sflag:$0x2] =	stream.indirect.gather [hbm4b:s4+s11], $0x40, s11, s11, $0xb8;
	[tilespmem:$0x16300] =	vst v63  }
0x19: {  	s17 =	simm.s32 $0x100;
	s18 =	simm.s32 $0x5900  }
0x1a: {  	[tilespmem:s18], [sflag:$0x3] =	stream.indirect.gather [hbm4b:s4+s11], $0x40, s17, s11, $0xb8;
	[tilespmem:$0x16300] =	vst v63  }
0x1b: {  	s19 =	simm.s32 $0x180;
	s10 =	simm.s32 $0x0;
	s20 =	simm.s32 $0x7900  }
0x1c: {  	[tilespmem:s20], [sflag:$0x4] =	stream.indirect.gather [hbm4b:s4+s11], $0x40, s19, s11, $0xb8;
	[tilespmem:$0x16300] =	vst v63  }
.LBB2_2:
0x1d: {  	s5 =	smul.u32 $0x5, s10;
	_ =	sdelay $0x1  }
0x1e: {  	s13 =	sadd.s32 $0x4, s5  }
0x1f: {  	s5 =	sshll.u32 s13, $0x7  }
0x20: {  	s14 =	simm.s32 $0x9900;
	s5 =	sand.u32 $0x3FFFFF80, s5  }
0x21: {  	[tilespmem:s14], [sflag:$0x5] =	stream.indirect.gather [hbm4b:s4+s11], $0x40, s5, s11, $0xb8;
	[tilespmem:$0x16300] =	vst v63  }
0x22: {  	_ =	swait.ge [sflag:s21], $0x2000  }
0x23: {  	p0 =	seq.s32 s10, $0x0;
	[sflag:s21] =	ssyncset.done $0x0  }
0x24: {  	s5 =	simm.s32 @!p0 $0x6;
	[sflag:s21] =	ssyncadd.s32 $0xFFFFE000  }
0x25: {  	_ =	swait.ge @!p0 [sflag:s5], $0x2000  }
0x26: {  	[sflag:s5] =	ssyncset.done @!p0 $0x0  }
0x27: {  	s20 =	simm.s32 $0x1A00;
	[sflag:s5] =	ssyncadd.s32 @!p0 $0xFFFFE000  }
0x28: {  	v33 =	vld [tilespmem:s20+$0xFFFFFFC0]  }
0x29: {  	v32 =	vimm.s32 $0x0;
	v35 =	vld [tilespmem:s20+$0x80]  }
0x2a: {  	v34 =	vadd.s32 v12, v32;
	v36 =	vld [tilespmem:s20+$0xC0]  }
0x2b: {  	v37 =	vadd.s32 v4, v32;
	v38 =	vld [tilespmem:s20+$0xFFFFFF40]  }
0x2c: {  	v39 =	vadd.s32 v28, v32;
	v40 =	vld [tilespmem:s20+$0xFFFFFF80]  }
0x2d: {  	v41 =	vadd.s32 v24, v32;
	v42 =	vld [tilespmem:s20+$0x40]  }
0x2e: {  	v57 =	vadd.s32 v20, v32;
	v56 =	vld [tilespmem:s20+$0x0]  }
0x2f: {  	v44 =	vadd.s32 v16, v32;
	v46 =	vld [tilespmem:s20+$0xFFFFFF00];
	[tilespmem:v34+s22+$0x0] =	vst.idx.msk $0xffff, v33  }
0x30: {  	v45 =	vadd.s32 v0, v32;
	[tilespmem:v37+s22+$0x0] =	vst.idx.msk $0xffff, v38;
	v43 =	vld [tilespmem:s20+$0xFFFFFFD0]  }
0x31: {  	v58 =	vadd.s32 v8, v32;
	[tilespmem:v39+s22+$0x0] =	vst.idx.msk $0xffff, v36;
	v38 =	vld [tilespmem:s20+$0xFFFFFF50]  }
0x32: {  	v59 =	vadd.s32 v5, v32;
	[tilespmem:v41+s22+$0x0] =	vst.idx.msk $0xffff, v35;
	v35 =	vld [tilespmem:s20+$0xD0]  }
0x33: {  	v61 =	vadd.s32 v25, v32;
	[tilespmem:v57+s22+$0x0] =	vst.idx.msk $0xffff, v42;
	v60 =	vld [tilespmem:s20+$0x90]  }
0x34: {  	v62 =	vadd.s32 v13, v32;
	[tilespmem:v44+s22+$0x0] =	vst.idx.msk $0xffff, v56;
	v63 =	vld [tilespmem:s20+$0x50]  }
0x35: {  	v49 =	vadd.s32 v17, v32;
	[tilespmem:v45+s22+$0x0] =	vst.idx.msk $0xffff, v46;
	v48 =	vld [tilespmem:s20+$0x10]  }
0x36: {  	v50 =	vadd.s32 v1, v32;
	[tilespmem:v58+s22+$0x0] =	vst.idx.msk $0xffff, v40;
	v45 =	vld [tilespmem:s20+$0xFFFFFF10]  }
0x37: {  	v52 =	vadd.s32 v9, v32;
	v51 =	vld [tilespmem:s20+$0xFFFFFF90];
	[tilespmem:v59+s22+$0x0] =	vst.idx.msk $0xffff, v38  }
0x38: {  	v54 =	vadd.s32 v21, v32;
	[tilespmem:v61+s22+$0x0] =	vst.idx.msk $0xffff, v60;
	v53 =	vld [tilespmem:s20+$0xFFFFFF60]  }
0x39: {  	v56 =	vadd.s32 v29, v32;
	[tilespmem:v62+s22+$0x0] =	vst.idx.msk $0xffff, v43;
	v34 =	vld [tilespmem:s20+$0xA0]  }
0x3a: {  	v55 =	vadd.s32 v26, v32;
	[tilespmem:v49+s22+$0x0] =	vst.idx.msk $0xffff, v48;
	v41 =	vld [tilespmem:s20+$0xFFFFFFE0]  }
0x3b: {  	v57 =	vadd.s32 v14, v32;
	[tilespmem:v50+s22+$0x0] =	vst.idx.msk $0xffff, v45;
	v44 =	vld [tilespmem:s20+$0x20]  }
0x3c: {  	v58 =	vadd.s32 v2, v32;
	[tilespmem:v52+s22+$0x0] =	vst.idx.msk $0xffff, v51;
	v45 =	vld [tilespmem:s20+$0xFFFFFF20]  }
0x3d: {  	v47 =	vadd.s32 v10, v32;
	[tilespmem:v54+s22+$0x0] =	vst.idx.msk $0xffff, v63;
	v37 =	vld [tilespmem:s20+$0xFFFFFFA0]  }
0x3e: {  	v59 =	vadd.s32 v18, v32;
	[tilespmem:v56+s22+$0x0] =	vst.idx.msk $0xffff, v35;
	v48 =	vld [tilespmem:s20+$0x60]  }
0x3f: {  	v60 =	vadd.s32 v6, v32;
	v49 =	vld [tilespmem:s20+$0xE0];
	[tilespmem:v55+s22+$0x0] =	vst.idx.msk $0xffff, v34  }
0x40: {  	v61 =	vadd.s32 v22, v32;
	[tilespmem:v57+s22+$0x0] =	vst.idx.msk $0xffff, v41;
	v36 =	vld [tilespmem:s20+$0xB0]  }
0x41: {  	v62 =	vadd.s32 v30, v32;
	[tilespmem:v58+s22+$0x0] =	vst.idx.msk $0xffff, v45;
	v50 =	vld [tilespmem:s20+$0xFFFFFFF0]  }
0x42: {  	v63 =	vadd.s32 v15, v32;
	[tilespmem:v47+s22+$0x0] =	vst.idx.msk $0xffff, v37;
	v35 =	vld [tilespmem:s20+$0xFFFFFF30]  }
0x43: {  	v46 =	vadd.s32 v27, v32;
	[tilespmem:v59+s22+$0x0] =	vst.idx.msk $0xffff, v44;
	v38 =	vld [tilespmem:s20+$0xFFFFFFB0]  }
0x44: {  	v42 =	vadd.s32 v11, v32;
	[tilespmem:v60+s22+$0x0] =	vst.idx.msk $0xffff, v53;
	v40 =	vld [tilespmem:s20+$0x30]  }
0x45: {  	v43 =	vadd.s32 v19, v32;
	[tilespmem:v61+s22+$0x0] =	vst.idx.msk $0xffff, v48;
	v39 =	vld [tilespmem:s20+$0xFFFFFF70]  }
0x46: {  	[tilespmem:v62+s22+$0x0] =	vst.idx.msk $0xffff, v49;
	v44 =	vadd.s32 v7, v32;
	v37 =	vld [tilespmem:s20+$0x70]  }
0x47: {  	s18 =	simm.s32 $0x0;
	s5 =	simm.s32 $0x1C00;
	v33 =	vadd.s32 v31, v32;
	v45 =	vadd.s32 v3, v32;
	v34 =	vadd.s32 $0x8, v32;
	v41 =	vld [tilespmem:s20+$0xF0];
	[tilespmem:v63+s22+$0x0] =	vst.idx.msk $0xffff, v50  }
.LBB2_3:
0x48: {  	v47 =	vld [tilespmem:s5+$0xFFFFFFC0];
	v48 =	vadd.s32 v31, v34;
	s18 =	sadd.s32 $0x8, s18;
	v49 =	vadd.s32 v23, v32;
	[tilespmem:v46+s22+$0x0] =	vst.idx.msk $0xffff, v36;
	v32 =	vmov v34  }
0x49: {  	v36 =	vadd.s32 v0, v34;
	v46 =	vadd.s32 v12, v34;
	v50 =	vld [tilespmem:s5+$0x80];
	p1 =	slt.u32 s18, $0x78;
	[tilespmem:v42+s22+$0x0] =	vst.idx.msk $0xffff, v38  }
0x4a: {  	v38 =	vadd.s32 v4, v34;
	v42 =	vld [tilespmem:s5+$0xC0];
	[tilespmem:v43+s22+$0x0] =	vst.idx.msk $0xffff, v40  }
0x4b: {  	v51 =	vadd.s32 v28, v34;
	v43 =	vadd.s32 v8, v34;
	v40 =	vld [tilespmem:s5+$0xFFFFFF40];
	[tilespmem:v44+s22+$0x0] =	vst.idx.msk $0xffff, v39  }
0x4c: {  	v44 =	vadd.s32 v24, v34;
	v39 =	vld [tilespmem:s5+$0xFFFFFF80];
	[tilespmem:v45+s22+$0x0] =	vst.idx.msk $0xffff, v35  }
0x4d: {  	v35 =	vld [tilespmem:s5+$0x40];
	[tilespmem:v33+s22+$0x0] =	vst.idx.msk $0xffff, v41;
	v33 =	vmov v48  }
0x4e: {  	v45 =	vadd.s32 v20, v34;
	[tilespmem:v46+s22+$0x0] =	vst.idx.msk $0xffff, v47;
	v41 =	vld [tilespmem:s5+$0x0]  }
0x4f: {  	v47 =	vadd.s32 v16, v34;
	v46 =	vld [tilespmem:s5+$0xFFFFFFD0];
	[tilespmem:v49+s22+$0x0] =	vst.idx.msk $0xffff, v37  }
0x50: {  	v37 =	vld [tilespmem:s5+$0xFFFFFF00];
	[tilespmem:v38+s22+$0x0] =	vst.idx.msk $0xffff, v40  }
0x51: {  	v38 =	vld [tilespmem:s5+$0xFFFFFF50];
	[tilespmem:v51+s22+$0x0] =	vst.idx.msk $0xffff, v42  }
0x52: {  	v40 =	vadd.s32 v5, v34;
	[tilespmem:v44+s22+$0x0] =	vst.idx.msk $0xffff, v50;
	v42 =	vld [tilespmem:s5+$0xD0]  }
0x53: {  	v44 =	vadd.s32 v25, v34;
	[tilespmem:v45+s22+$0x0] =	vst.idx.msk $0xffff, v35;
	v35 =	vld [tilespmem:s5+$0x90]  }
0x54: {  	v45 =	vadd.s32 v13, v34;
	[tilespmem:v47+s22+$0x0] =	vst.idx.msk $0xffff, v41;
	v41 =	vld [tilespmem:s5+$0x50]  }
0x55: {  	[tilespmem:v36+s22+$0x0] =	vst.idx.msk $0xffff, v37;
	v36 =	vld [tilespmem:s5+$0x10];
	v37 =	vadd.s32 v17, v34  }
0x56: {  	v48 =	vadd.s32 v1, v34;
	v47 =	vld [tilespmem:s5+$0xFFFFFF10];
	[tilespmem:v43+s22+$0x0] =	vst.idx.msk $0xffff, v39  }
0x57: {  	v39 =	vadd.s32 v9, v34;
	[tilespmem:v40+s22+$0x0] =	vst.idx.msk $0xffff, v38;
	v38 =	vld [tilespmem:s5+$0xFFFFFF90]  }
0x58: {  	v43 =	vadd.s32 v21, v34;
	v40 =	vld [tilespmem:s5+$0xFFFFFF60];
	[tilespmem:v44+s22+$0x0] =	vst.idx.msk $0xffff, v35  }
0x59: {  	v44 =	vadd.s32 v26, v34;
	[tilespmem:v45+s22+$0x0] =	vst.idx.msk $0xffff, v46;
	v35 =	vld [tilespmem:s5+$0xA0]  }
0x5a: {  	v45 =	vld [tilespmem:s5+$0xFFFFFFE0];
	[tilespmem:v37+s22+$0x0] =	vst.idx.msk $0xffff, v36;
	v37 =	vadd.s32 v29, v34  }
0x5b: {  	v46 =	vadd.s32 v14, v34;
	[tilespmem:v48+s22+$0x0] =	vst.idx.msk $0xffff, v47;
	v47 =	vld [tilespmem:s5+$0x20]  }
0x5c: {  	v49 =	vadd.s32 v2, v34;
	v48 =	vld [tilespmem:s5+$0xFFFFFF20];
	[tilespmem:v39+s22+$0x0] =	vst.idx.msk $0xffff, v38  }
0x5d: {  	v39 =	vadd.s32 v10, v34;
	v38 =	vld [tilespmem:s5+$0xFFFFFFA0];
	[tilespmem:v43+s22+$0x0] =	vst.idx.msk $0xffff, v41  }
0x5e: {  	v41 =	vadd.s32 v18, v34;
	v50 =	vld [tilespmem:s5+$0x60];
	[tilespmem:v44+s22+$0x0] =	vst.idx.msk $0xffff, v35  }
0x5f: {  	v43 =	vadd.s32 v6, v34;
	v36 =	vld [tilespmem:s5+$0xB0];
	[tilespmem:v37+s22+$0x0] =	vst.idx.msk $0xffff, v42  }
0x60: {  	v37 =	vadd.s32 v22, v34;
	[tilespmem:v46+s22+$0x0] =	vst.idx.msk $0xffff, v45;
	v45 =	vld [tilespmem:s5+$0xE0]  }
0x61: {  	[tilespmem:v49+s22+$0x0] =	vst.idx.msk $0xffff, v48;
	v48 =	vld [tilespmem:s5+$0xFFFFFFF0];
	v49 =	vadd.s32 v30, v34  }
0x62: {  	v51 =	vadd.s32 v15, v34;
	v35 =	vld [tilespmem:s5+$0xFFFFFF30];
	[tilespmem:v39+s22+$0x0] =	vst.idx.msk $0xffff, v38  }
.Ltmp0:
0x63: {  	v46 =	vadd.s32 v27, v34;
	v38 =	vld [tilespmem:s5+$0xFFFFFFB0];
	[tilespmem:v41+s22+$0x0] =	vst.idx.msk $0xffff, v47;
	(pc) =	sbr.rel @p1 .LBB2_3-.Ltmp0, $4  }
0x64: {  	v42 =	vadd.s32 v11, v34;
	[tilespmem:v43+s22+$0x0] =	vst.idx.msk $0xffff, v40;
	v40 =	vld [tilespmem:s5+$0x30]  }
0x65: {  	v43 =	vadd.s32 v19, v34;
	v39 =	vld [tilespmem:s5+$0xFFFFFF70];
	[tilespmem:v37+s22+$0x0] =	vst.idx.msk $0xffff, v50  }
0x66: {  	v44 =	vadd.s32 v7, v34;
	v37 =	vld [tilespmem:s5+$0x70];
	[tilespmem:v49+s22+$0x0] =	vst.idx.msk $0xffff, v45  }
0x67: {  	v34 =	vadd.s32 $0x8, v34;
	v45 =	vadd.s32 v3, v32;
	[tilespmem:v51+s22+$0x0] =	vst.idx.msk $0xffff, v48;
	v41 =	vld [tilespmem:s5+$0xF0];
	s5 =	sadd.s32 $0x200, s5  }
0x68: {  	_ =	sdelay $0x3  }
0x69: {  	[tilespmem:v46+s22+$0x0] =	vst.idx.msk $0xffff, v36  }
0x6a: {  	v32 =	vadd.s32 v23, v32;
	[tilespmem:v42+s22+$0x0] =	vst.idx.msk $0xffff, v38  }
0x6b: {  	s18 =	smul.u32 $0x140000, s10;
	[tilespmem:v45+s22+$0x0] =	vst.idx.msk $0xffff, v35  }
0x6c: {  	[tilespmem:v43+s22+$0x0] =	vst.idx.msk $0xffff, v40  }
0x6d: {  	[tilespmem:v44+s22+$0x0] =	vst.idx.msk $0xffff, v39;
	s5 =	sor.u32 s6, s18  }
0x6e: {  	s5 =	sshrl.u32 s5, $0x3;
	[tilespmem:v33+s22+$0x0] =	vst.idx.msk $0xffff, v41  }
0x6f: {  	s15 =	simm.s32 $0xB900;
	s14 =	sadd.s32 s2, s5;
	[tilespmem:v32+s22+$0x0] =	vst.idx.msk $0xffff, v37  }
0x70: {  	[hbm4b:s14+s3] =	stream.linear.scatter [tilespmem:s15], [sflag:$0x6], $0x80, $0x38;
	[tilespmem:$0x16300] =	vst v63  }
0x71: {  	s17 =	simm.s32 $0xB988;
	s15 =	sadd.s32 $0x10, s14  }
0x72: {  	[hbm4b:s15+s3] =	stream.linear.scatter [tilespmem:s17], [sflag:$0x6], $0x80, $0x38;
	[tilespmem:$0x16300] =	vst v63  }
0x73: {  	s19 =	simm.s32 $0xBA10;
	s20 =	sadd.s32 $0x20, s14  }
0x74: {  	[hbm4b:s20+s3] =	stream.linear.scatter [tilespmem:s19], [sflag:$0x6], $0x80, $0x38;
	[tilespmem:$0x16300] =	vst v63  }
0x75: {  	s15 =	simm.s32 $0xBA98;
	s17 =	sadd.s32 $0x30, s14  }
0x76: {  	[hbm4b:s17+s3] =	stream.linear.scatter [tilespmem:s15], [sflag:$0x6], $0x80, $0x38;
	[tilespmem:$0x16300] =	vst v63  }
0x77: {  	s19 =	simm.s32 $0xBB20;
	s20 =	sadd.s32 $0x40, s14  }
0x78: {  	[hbm4b:s20+s3] =	stream.linear.scatter [tilespmem:s19], [sflag:$0x6], $0x80, $0x38;
	[tilespmem:$0x16300] =	vst v63  }
0x79: {  	s5 =	simm.s32 $0x440;
	s15 =	simm.s32 $0xBBA8;
	s17 =	sadd.s32 $0x50, s14  }
0x7a: {  	[hbm4b:s17+s3] =	stream.linear.scatter [tilespmem:s15], [sflag:$0x6], $0x80, $0x38;
	[tilespmem:$0x16300] =	vst v63  }
0x7b: {  	s19 =	simm.s32 $0xBC30;
	s20 =	sadd.s32 $0x60, s14;
	s15 =	simm.s32 $0x2200  }
0x7c: {  	[hbm4b:s20+s3] =	stream.linear.scatter [tilespmem:s19], [sflag:$0x6], $0x80, $0x38;
	[tilespmem:$0x16300] =	vst v63  }
0x7d: {  	s17 =	simm.s32 $0xBCB8;
	s19 =	sadd.s32 $0x70, s14;
	s14 =	sadd.s32 $0x1000, s14  }
.LBB2_5:
0x7e: {  	[hbm4b:s19+s3] =	stream.linear.scatter [tilespmem:s17], [sflag:$0x6], $0x80, $0x38;
	[tilespmem:$0x16300] =	vst v63  }
0x7f: {  	s17 =	smov.u32 s5;
	s5 =	smov.u32 s15  }
0x80: {  	s20 =	sadd.s32 $0x1100, s15;
	s5 =	sshra.s32 s5, $0x2;
	s19 =	sadd.s32 $0xB900, s17  }
0x81: {  	[hbm4b:s14+s3] =	stream.linear.scatter [tilespmem:s19], [sflag:$0x6], $0x80, $0x38;
	[tilespmem:$0x16300] =	vst v63  }
0x82: {  	p1 =	sne.s32 s15, $0x7700;
	s15 =	sadd.s32 $0xB988, s17;
	s19 =	sadd.s32 $0x10, s14  }
0x83: {  	[hbm4b:s19+s3] =	stream.linear.scatter [tilespmem:s15], [sflag:$0x6], $0x80, $0x38;
	[tilespmem:$0x16300] =	vst v63  }
0x84: {  	s15 =	sadd.s32 $0xBA10, s17;
	s19 =	sadd.s32 $0x20, s14  }
0x85: {  	[hbm4b:s19+s3] =	stream.linear.scatter [tilespmem:s15], [sflag:$0x6], $0x80, $0x38;
	[tilespmem:$0x16300] =	vst v63  }
0x86: {  	s15 =	sadd.s32 $0xBA98, s17;
	s19 =	sadd.s32 $0x30, s14  }
0x87: {  	[hbm4b:s19+s3] =	stream.linear.scatter [tilespmem:s15], [sflag:$0x6], $0x80, $0x38;
	[tilespmem:$0x16300] =	vst v63  }
0x88: {  	s15 =	sadd.s32 $0xBB20, s17;
	s19 =	sadd.s32 $0x40, s14  }
0x89: {  	[hbm4b:s19+s3] =	stream.linear.scatter [tilespmem:s15], [sflag:$0x6], $0x80, $0x38;
	[tilespmem:$0x16300] =	vst v63  }
.Ltmp1:
0x8a: {  	s15 =	sadd.s32 $0xBBA8, s17;
	s19 =	sadd.s32 $0x50, s14;
	(pc) =	sbr.rel @p1 .LBB2_5-.Ltmp1, $4  }
0x8b: {  	[hbm4b:s19+s3] =	stream.linear.scatter [tilespmem:s15], [sflag:$0x6], $0x80, $0x38;
	[tilespmem:$0x16300] =	vst v63  }
0x8c: {  	s15 =	sadd.s32 $0xBC30, s17;
	s19 =	sadd.s32 $0x60, s14;
	s17 =	sadd.s32 $0xBCB8, s17  }
0x8d: {  	[hbm4b:s19+s3] =	stream.linear.scatter [tilespmem:s15], [sflag:$0x6], $0x80, $0x38;
	[tilespmem:$0x16300] =	vst v63  }
0x8e: {  	s19 =	sadd.s32 $0x70, s14;
	s14 =	sadd.s32 $0x1000, s14;
	s15 =	smov.u32 s20  }
0x8f: {  	[hbm4b:s19+s3] =	stream.linear.scatter [tilespmem:s17], [sflag:$0x6], $0x80, $0x38;
	[tilespmem:$0x16300] =	vst v63  }
0x90: {  	s15 =	sadd.s32 $0xB900, s5  }
0x91: {  	[hbm4b:s14+s3] =	stream.linear.scatter [tilespmem:s15], [sflag:$0x6], $0x80, $0x38;
	[tilespmem:$0x16300] =	vst v63  }
0x92: {  	s19 =	sadd.s32 $0xB988, s5;
	s20 =	sadd.s32 $0x10, s14  }
0x93: {  	[hbm4b:s20+s3] =	stream.linear.scatter [tilespmem:s19], [sflag:$0x6], $0x80, $0x38;
	[tilespmem:$0x16300] =	vst v63  }
0x94: {  	s19 =	sadd.s32 $0xBA10, s5;
	s20 =	sadd.s32 $0x20, s14  }
0x95: {  	[hbm4b:s20+s3] =	stream.linear.scatter [tilespmem:s19], [sflag:$0x6], $0x80, $0x38;
	[tilespmem:$0x16300] =	vst v63  }
0x96: {  	s19 =	sadd.s32 $0xBA98, s5;
	s20 =	sadd.s32 $0x30, s14  }
0x97: {  	[hbm4b:s20+s3] =	stream.linear.scatter [tilespmem:s19], [sflag:$0x6], $0x80, $0x38;
	[tilespmem:$0x16300] =	vst v63  }
0x98: {  	s19 =	sadd.s32 $0xBB20, s5;
	s20 =	sadd.s32 $0x40, s14  }
0x99: {  	[hbm4b:s20+s3] =	stream.linear.scatter [tilespmem:s19], [sflag:$0x6], $0x80, $0x38;
	[tilespmem:$0x16300] =	vst v63  }
0x9a: {  	p1 =	sne.s32 s10, $0x9;
	s19 =	sadd.s32 $0xBBA8, s5;
	s20 =	sadd.s32 $0x50, s14  }
0x9b: {  	[hbm4b:s20+s3] =	stream.linear.scatter [tilespmem:s19], [sflag:$0x6], $0x80, $0x38;
	[tilespmem:$0x16300] =	vst v63  }
.Ltmp2:
0x9c: {  	_ = 	snop;
	(pc) =	sbr.rel @p1 .LBB2_8-.Ltmp2, $4  }
0x9d: {  	s19 =	sadd.s32 $0xBC30, s5;
	s20 =	sadd.s32 $0x60, s14  }
0x9e: {  	[hbm4b:s20+s3] =	stream.linear.scatter [tilespmem:s19], [sflag:$0x6], $0x80, $0x38;
	[tilespmem:$0x16300] =	vst v63  }
0x9f: {  	s19 =	sadd.s32 $0xBCB8, s5;
	s20 =	sadd.s32 $0x70, s14  }
0xa0: {  	[hbm4b:s20+s3] =	stream.linear.scatter [tilespmem:s19], [sflag:$0x6], $0x80, $0x38;
	[tilespmem:$0x16300] =	vst v63  }
.Ltmp3:
0xa1: {  	(pc) =	sbr.rel .LBB2_9-.Ltmp3, $4  }
0xa2: {  	_ = 	snop  }
0xa3: {  	_ =	swait.ge [sflag:s23], $0x2000  }
0xa4: {  	[sflag:s23] =	ssyncset.done $0x0  }
0xa5: {  	[sflag:s23] =	ssyncadd.s32 $0xFFFFE000  }
.LBB2_8:
0xa6: {  	s5 =	smul.u32 $0xA00, s10;
	_ =	sdelay $0x1  }
0xa7: {  	s5 =	sshra.s32 s5, $0x2  }
.Ltmp4:
0xa8: {  	s14 =	simm.s32 $0x1900;
	s5 =	sadd.s32 $0x280, s5;
	(pc) =	sbr.rel @p0 .LBB2_10-.Ltmp4, $4  }
0xa9: {  	[tilespmem:s14], [sflag:$0x1] =	stream.indirect.gather [hbm4b:s4+s11], $0x40, s5, s11, $0xb8;
	[tilespmem:$0x16300] =	vst v63  }
0xaa: {  	_ =	swait.ge [sflag:s23], $0x2000  }
0xab: {  	[sflag:s23] =	ssyncset.done $0x0  }
0xac: {  	[sflag:s23] =	ssyncadd.s32 $0xFFFFE000  }
.LBB2_9:
0xad: {  	_ =	swait.ge [sflag:s24], $0x2000  }
0xae: {  	[sflag:s24] =	ssyncset.done $0x0  }
0xaf: {  	[sflag:s24] =	ssyncadd.s32 $0xFFFFE000  }
.LBB2_10:
0xb0: {  	s14 =	simm.s32 $0x3AF0  }
0xb1: {  	v33 =	vld [tilespmem:s14+$0xFFFFFED0]  }
0xb2: {  	v32 =	vimm.s32 $0x0;
	v35 =	vld [tilespmem:s14+$0xFFFFFF90]  }
0xb3: {  	v34 =	vadd.s32 v12, v32;
	v36 =	vld [tilespmem:s14+$0xFFFFFFD0]  }
0xb4: {  	v37 =	vadd.s32 v4, v32;
	v38 =	vld [tilespmem:s14+$0xFFFFFE50]  }
0xb5: {  	v39 =	vadd.s32 v28, v32;
	v40 =	vld [tilespmem:s14+$0xFFFFFE90]  }
0xb6: {  	v41 =	vadd.s32 v24, v32;
	v42 =	vld [tilespmem:s14+$0xFFFFFF50]  }
0xb7: {  	v55 =	vld [tilespmem:s14+$0xFFFFFF10];
	v56 =	vadd.s32 v20, v32  }
0xb8: {  	v44 =	vadd.s32 v16, v32;
	v46 =	vld [tilespmem:s14+$0xFFFFFE10];
	[tilespmem:v34+s25+$0x0] =	vst.idx.msk $0xffff, v33  }
0xb9: {  	v45 =	vadd.s32 v0, v32;
	[tilespmem:v37+s25+$0x0] =	vst.idx.msk $0xffff, v38;
	v43 =	vld [tilespmem:s14+$0xFFFFFEE0]  }
0xba: {  	v57 =	vadd.s32 v8, v32;
	[tilespmem:v39+s25+$0x0] =	vst.idx.msk $0xffff, v36;
	v38 =	vld [tilespmem:s14+$0xFFFFFE60]  }
0xbb: {  	v58 =	vadd.s32 v5, v32;
	[tilespmem:v41+s25+$0x0] =	vst.idx.msk $0xffff, v35;
	v35 =	vld [tilespmem:s14+$0xFFFFFFE0]  }
0xbc: {  	v60 =	vadd.s32 v25, v32;
	[tilespmem:v56+s25+$0x0] =	vst.idx.msk $0xffff, v42;
	v59 =	vld [tilespmem:s14+$0xFFFFFFA0]  }
0xbd: {  	v61 =	vadd.s32 v13, v32;
	[tilespmem:v44+s25+$0x0] =	vst.idx.msk $0xffff, v55;
	v62 =	vld [tilespmem:s14+$0xFFFFFF60]  }
0xbe: {  	v48 =	vadd.s32 v17, v32;
	[tilespmem:v45+s25+$0x0] =	vst.idx.msk $0xffff, v46;
	v63 =	vld [tilespmem:s14+$0xFFFFFF20]  }
0xbf: {  	v49 =	vadd.s32 v1, v32;
	[tilespmem:v57+s25+$0x0] =	vst.idx.msk $0xffff, v40;
	v45 =	vld [tilespmem:s14+$0xFFFFFE20]  }
0xc0: {  	v51 =	vadd.s32 v9, v32;
	v50 =	vld [tilespmem:s14+$0xFFFFFEA0];
	[tilespmem:v58+s25+$0x0] =	vst.idx.msk $0xffff, v38  }
0xc1: {  	v53 =	vadd.s32 v21, v32;
	[tilespmem:v60+s25+$0x0] =	vst.idx.msk $0xffff, v59;
	v52 =	vld [tilespmem:s14+$0xFFFFFE70]  }
0xc2: {  	v55 =	vadd.s32 v29, v32;
	[tilespmem:v61+s25+$0x0] =	vst.idx.msk $0xffff, v43;
	v34 =	vld [tilespmem:s14+$0xFFFFFFB0]  }
0xc3: {  	v54 =	vadd.s32 v26, v32;
	[tilespmem:v48+s25+$0x0] =	vst.idx.msk $0xffff, v63;
	v41 =	vld [tilespmem:s14+$0xFFFFFEF0]  }
0xc4: {  	v56 =	vadd.s32 v14, v32;
	[tilespmem:v49+s25+$0x0] =	vst.idx.msk $0xffff, v45;
	v44 =	vld [tilespmem:s14+$0xFFFFFF30]  }
0xc5: {  	v57 =	vadd.s32 v2, v32;
	[tilespmem:v51+s25+$0x0] =	vst.idx.msk $0xffff, v50;
	v45 =	vld [tilespmem:s14+$0xFFFFFE30]  }
0xc6: {  	v47 =	vadd.s32 v10, v32;
	[tilespmem:v53+s25+$0x0] =	vst.idx.msk $0xffff, v62;
	v37 =	vld [tilespmem:s14+$0xFFFFFEB0]  }
0xc7: {  	v58 =	vadd.s32 v18, v32;
	[tilespmem:v55+s25+$0x0] =	vst.idx.msk $0xffff, v35;
	v48 =	vld [tilespmem:s14+$0xFFFFFF70]  }
0xc8: {  	v59 =	vadd.s32 v6, v32;
	v61 =	vld [tilespmem:s14+$0xFFFFFFF0];
	[tilespmem:v54+s25+$0x0] =	vst.idx.msk $0xffff, v34  }
0xc9: {  	v60 =	vadd.s32 v22, v32;
	[tilespmem:v56+s25+$0x0] =	vst.idx.msk $0xffff, v41;
	v36 =	vld [tilespmem:s14+$0xFFFFFFC0]  }
0xca: {  	v62 =	vadd.s32 v30, v32;
	[tilespmem:v57+s25+$0x0] =	vst.idx.msk $0xffff, v45;
	v49 =	vld [tilespmem:s14+$0xFFFFFF00]  }
0xcb: {  	v63 =	vadd.s32 v15, v32;
	[tilespmem:v47+s25+$0x0] =	vst.idx.msk $0xffff, v37;
	v35 =	vld [tilespmem:s14+$0xFFFFFE40]  }
0xcc: {  	v46 =	vadd.s32 v27, v32;
	[tilespmem:v58+s25+$0x0] =	vst.idx.msk $0xffff, v44;
	v38 =	vld [tilespmem:s14+$0xFFFFFEC0]  }
0xcd: {  	[tilespmem:v59+s25+$0x0] =	vst.idx.msk $0xffff, v52;
	v41 =	vadd.s32 v11, v32;
	v40 =	vld [tilespmem:s14+$0xFFFFFF40]  }
0xce: {  	v42 =	vadd.s32 v19, v32;
	[tilespmem:v60+s25+$0x0] =	vst.idx.msk $0xffff, v48;
	v39 =	vld [tilespmem:s14+$0xFFFFFE80]  }
0xcf: {  	[tilespmem:v62+s25+$0x0] =	vst.idx.msk $0xffff, v61;
	v44 =	vadd.s32 v7, v32;
	v37 =	vld [tilespmem:s14+$0xFFFFFF80]  }
0xd0: {  	s5 =	simm.s32 $0x0;
	v33 =	vadd.s32 v31, v32;
	v45 =	vadd.s32 v3, v32;
	v34 =	vadd.s32 $0x8, v32;
	v43 =	vld [tilespmem:s14+$0x0];
	s14 =	simm.s32 $0x3CF0;
	[tilespmem:v63+s25+$0x0] =	vst.idx.msk $0xffff, v49  }
.LBB2_11:
0xd1: {  	v47 =	vld [tilespmem:s14+$0xFFFFFED0];
	v48 =	vadd.s32 v31, v34;
	s5 =	sadd.s32 $0x8, s5;
	v49 =	vadd.s32 v23, v32;
	[tilespmem:v46+s25+$0x0] =	vst.idx.msk $0xffff, v36;
	v32 =	vmov v34  }
0xd2: {  	v36 =	vadd.s32 v0, v34;
	v46 =	vadd.s32 v12, v34;
	v50 =	vld [tilespmem:s14+$0xFFFFFF90];
	p2 =	slt.u32 s5, $0x78;
	[tilespmem:v41+s25+$0x0] =	vst.idx.msk $0xffff, v38  }
0xd3: {  	v38 =	vadd.s32 v4, v34;
	v41 =	vld [tilespmem:s14+$0xFFFFFFD0];
	[tilespmem:v42+s25+$0x0] =	vst.idx.msk $0xffff, v40  }
0xd4: {  	v51 =	vadd.s32 v28, v34;
	v42 =	vadd.s32 v8, v34;
	v40 =	vld [tilespmem:s14+$0xFFFFFE50];
	[tilespmem:v44+s25+$0x0] =	vst.idx.msk $0xffff, v39  }
0xd5: {  	v44 =	vadd.s32 v24, v34;
	v39 =	vld [tilespmem:s14+$0xFFFFFE90];
	[tilespmem:v45+s25+$0x0] =	vst.idx.msk $0xffff, v35  }
0xd6: {  	v35 =	vld [tilespmem:s14+$0xFFFFFF50];
	[tilespmem:v33+s25+$0x0] =	vst.idx.msk $0xffff, v43;
	v33 =	vmov v48  }
0xd7: {  	v45 =	vadd.s32 v20, v34;
	[tilespmem:v46+s25+$0x0] =	vst.idx.msk $0xffff, v47;
	v43 =	vld [tilespmem:s14+$0xFFFFFF10]  }
0xd8: {  	v47 =	vadd.s32 v16, v34;
	v46 =	vld [tilespmem:s14+$0xFFFFFEE0];
	[tilespmem:v49+s25+$0x0] =	vst.idx.msk $0xffff, v37  }
0xd9: {  	v37 =	vld [tilespmem:s14+$0xFFFFFE10];
	[tilespmem:v38+s25+$0x0] =	vst.idx.msk $0xffff, v40  }
0xda: {  	v38 =	vld [tilespmem:s14+$0xFFFFFE60];
	[tilespmem:v51+s25+$0x0] =	vst.idx.msk $0xffff, v41  }
0xdb: {  	v40 =	vadd.s32 v5, v34;
	[tilespmem:v44+s25+$0x0] =	vst.idx.msk $0xffff, v50;
	v41 =	vld [tilespmem:s14+$0xFFFFFFE0]  }
0xdc: {  	v44 =	vadd.s32 v25, v34;
	[tilespmem:v45+s25+$0x0] =	vst.idx.msk $0xffff, v35;
	v35 =	vld [tilespmem:s14+$0xFFFFFFA0]  }
0xdd: {  	v45 =	vadd.s32 v13, v34;
	[tilespmem:v47+s25+$0x0] =	vst.idx.msk $0xffff, v43;
	v43 =	vld [tilespmem:s14+$0xFFFFFF60]  }
0xde: {  	[tilespmem:v36+s25+$0x0] =	vst.idx.msk $0xffff, v37;
	v36 =	vld [tilespmem:s14+$0xFFFFFF20];
	v37 =	vadd.s32 v17, v34  }
0xdf: {  	v48 =	vadd.s32 v1, v34;
	v47 =	vld [tilespmem:s14+$0xFFFFFE20];
	[tilespmem:v42+s25+$0x0] =	vst.idx.msk $0xffff, v39  }
0xe0: {  	v39 =	vadd.s32 v9, v34;
	[tilespmem:v40+s25+$0x0] =	vst.idx.msk $0xffff, v38;
	v38 =	vld [tilespmem:s14+$0xFFFFFEA0]  }
0xe1: {  	v42 =	vadd.s32 v21, v34;
	v40 =	vld [tilespmem:s14+$0xFFFFFE70];
	[tilespmem:v44+s25+$0x0] =	vst.idx.msk $0xffff, v35  }
0xe2: {  	v44 =	vadd.s32 v26, v34;
	[tilespmem:v45+s25+$0x0] =	vst.idx.msk $0xffff, v46;
	v35 =	vld [tilespmem:s14+$0xFFFFFFB0]  }
0xe3: {  	v45 =	vld [tilespmem:s14+$0xFFFFFEF0];
	[tilespmem:v37+s25+$0x0] =	vst.idx.msk $0xffff, v36;
	v37 =	vadd.s32 v29, v34  }
0xe4: {  	v46 =	vadd.s32 v14, v34;
	[tilespmem:v48+s25+$0x0] =	vst.idx.msk $0xffff, v47;
	v47 =	vld [tilespmem:s14+$0xFFFFFF30]  }
0xe5: {  	v49 =	vadd.s32 v2, v34;
	v48 =	vld [tilespmem:s14+$0xFFFFFE30];
	[tilespmem:v39+s25+$0x0] =	vst.idx.msk $0xffff, v38  }
0xe6: {  	v39 =	vadd.s32 v10, v34;
	v38 =	vld [tilespmem:s14+$0xFFFFFEB0];
	[tilespmem:v42+s25+$0x0] =	vst.idx.msk $0xffff, v43  }
0xe7: {  	v42 =	vadd.s32 v18, v34;
	v43 =	vld [tilespmem:s14+$0xFFFFFF70];
	[tilespmem:v44+s25+$0x0] =	vst.idx.msk $0xffff, v35  }
0xe8: {  	v44 =	vadd.s32 v6, v34;
	v36 =	vld [tilespmem:s14+$0xFFFFFFC0];
	[tilespmem:v37+s25+$0x0] =	vst.idx.msk $0xffff, v41  }
0xe9: {  	v37 =	vadd.s32 v22, v34;
	[tilespmem:v46+s25+$0x0] =	vst.idx.msk $0xffff, v45;
	v45 =	vld [tilespmem:s14+$0xFFFFFFF0]  }
0xea: {  	[tilespmem:v49+s25+$0x0] =	vst.idx.msk $0xffff, v48;
	v48 =	vld [tilespmem:s14+$0xFFFFFF00];
	v49 =	vadd.s32 v30, v34  }
0xeb: {  	v50 =	vadd.s32 v15, v34;
	v35 =	vld [tilespmem:s14+$0xFFFFFE40];
	[tilespmem:v39+s25+$0x0] =	vst.idx.msk $0xffff, v38  }
.Ltmp5:
0xec: {  	v46 =	vadd.s32 v27, v34;
	v38 =	vld [tilespmem:s14+$0xFFFFFEC0];
	[tilespmem:v42+s25+$0x0] =	vst.idx.msk $0xffff, v47;
	(pc) =	sbr.rel @p2 .LBB2_11-.Ltmp5, $4  }
0xed: {  	v41 =	vadd.s32 v11, v34;
	[tilespmem:v44+s25+$0x0] =	vst.idx.msk $0xffff, v40;
	v40 =	vld [tilespmem:s14+$0xFFFFFF40]  }
0xee: {  	v42 =	vadd.s32 v19, v34;
	v39 =	vld [tilespmem:s14+$0xFFFFFE80];
	[tilespmem:v37+s25+$0x0] =	vst.idx.msk $0xffff, v43  }
0xef: {  	v44 =	vadd.s32 v7, v34;
	v37 =	vld [tilespmem:s14+$0xFFFFFF80];
	[tilespmem:v49+s25+$0x0] =	vst.idx.msk $0xffff, v45  }
0xf0: {  	v34 =	vadd.s32 $0x8, v34;
	v45 =	vadd.s32 v3, v32;
	[tilespmem:v50+s25+$0x0] =	vst.idx.msk $0xffff, v48;
	v43 =	vld [tilespmem:s14+$0x0];
	s14 =	sadd.s32 $0x200, s14  }
0xf1: {  	_ =	sdelay $0x3  }
0xf2: {  	[tilespmem:v46+s25+$0x0] =	vst.idx.msk $0xffff, v36  }
0xf3: {  	v32 =	vadd.s32 v23, v32;
	[tilespmem:v41+s25+$0x0] =	vst.idx.msk $0xffff, v38  }
0xf4: {  	[tilespmem:v45+s25+$0x0] =	vst.idx.msk $0xffff, v35  }
0xf5: {  	[tilespmem:v42+s25+$0x0] =	vst.idx.msk $0xffff, v40  }
0xf6: {  	s5 =	sadd.s32 s7, s18;
	[tilespmem:v44+s25+$0x0] =	vst.idx.msk $0xffff, v39  }
0xf7: {  	s5 =	sshrl.u32 s5, $0x3;
	[tilespmem:v33+s25+$0x0] =	vst.idx.msk $0xffff, v43  }
0xf8: {  	s15 =	simm.s32 $0xDB00;
	s14 =	sadd.s32 s2, s5;
	[tilespmem:v32+s25+$0x0] =	vst.idx.msk $0xffff, v37  }
0xf9: {  	[hbm4b:s14+s3] =	stream.linear.scatter [tilespmem:s15], [sflag:$0x7], $0x80, $0x38;
	[tilespmem:$0x16300] =	vst v63  }
0xfa: {  	s17 =	simm.s32 $0xDB88;
	s15 =	sadd.s32 $0x10, s14  }
0xfb: {  	[hbm4b:s15+s3] =	stream.linear.scatter [tilespmem:s17], [sflag:$0x7], $0x80, $0x38;
	[tilespmem:$0x16300] =	vst v63  }
0xfc: {  	s19 =	simm.s32 $0xDC10;
	s20 =	sadd.s32 $0x20, s14  }
0xfd: {  	[hbm4b:s20+s3] =	stream.linear.scatter [tilespmem:s19], [sflag:$0x7], $0x80, $0x38;
	[tilespmem:$0x16300] =	vst v63  }
0xfe: {  	s15 =	simm.s32 $0xDC98;
	s17 =	sadd.s32 $0x30, s14  }
0xff: {  	[hbm4b:s17+s3] =	stream.linear.scatter [tilespmem:s15], [sflag:$0x7], $0x80, $0x38;
	[tilespmem:$0x16300] =	vst v63  }
0x100: {  	s19 =	simm.s32 $0xDD20;
	s20 =	sadd.s32 $0x40, s14  }
0x101: {  	[hbm4b:s20+s3] =	stream.linear.scatter [tilespmem:s19], [sflag:$0x7], $0x80, $0x38;
	[tilespmem:$0x16300] =	vst v63  }
0x102: {  	s5 =	simm.s32 $0x440;
	s15 =	simm.s32 $0xDDA8;
	s17 =	sadd.s32 $0x50, s14  }
0x103: {  	[hbm4b:s17+s3] =	stream.linear.scatter [tilespmem:s15], [sflag:$0x7], $0x80, $0x38;
	[tilespmem:$0x16300] =	vst v63  }
0x104: {  	s19 =	simm.s32 $0xDE30;
	s20 =	sadd.s32 $0x60, s14;
	s15 =	simm.s32 $0x2200  }
0x105: {  	[hbm4b:s20+s3] =	stream.linear.scatter [tilespmem:s19], [sflag:$0x7], $0x80, $0x38;
	[tilespmem:$0x16300] =	vst v63  }
0x106: {  	s17 =	simm.s32 $0xDEB8;
	s19 =	sadd.s32 $0x70, s14;
	s14 =	sadd.s32 $0x1000, s14  }
.LBB2_13:
0x107: {  	[hbm4b:s19+s3] =	stream.linear.scatter [tilespmem:s17], [sflag:$0x7], $0x80, $0x38;
	[tilespmem:$0x16300] =	vst v63  }
0x108: {  	s17 =	smov.u32 s5;
	s5 =	smov.u32 s15  }
0x109: {  	s20 =	sadd.s32 $0x1100, s15;
	s5 =	sshra.s32 s5, $0x2;
	s19 =	sadd.s32 $0xDB00, s17  }
0x10a: {  	[hbm4b:s14+s3] =	stream.linear.scatter [tilespmem:s19], [sflag:$0x7], $0x80, $0x38;
	[tilespmem:$0x16300] =	vst v63  }
0x10b: {  	p2 =	sne.s32 s15, $0x7700;
	s15 =	sadd.s32 $0xDB88, s17;
	s19 =	sadd.s32 $0x10, s14  }
0x10c: {  	[hbm4b:s19+s3] =	stream.linear.scatter [tilespmem:s15], [sflag:$0x7], $0x80, $0x38;
	[tilespmem:$0x16300] =	vst v63  }
0x10d: {  	s15 =	sadd.s32 $0xDC10, s17;
	s19 =	sadd.s32 $0x20, s14  }
0x10e: {  	[hbm4b:s19+s3] =	stream.linear.scatter [tilespmem:s15], [sflag:$0x7], $0x80, $0x38;
	[tilespmem:$0x16300] =	vst v63  }
0x10f: {  	s15 =	sadd.s32 $0xDC98, s17;
	s19 =	sadd.s32 $0x30, s14  }
0x110: {  	[hbm4b:s19+s3] =	stream.linear.scatter [tilespmem:s15], [sflag:$0x7], $0x80, $0x38;
	[tilespmem:$0x16300] =	vst v63  }
0x111: {  	s15 =	sadd.s32 $0xDD20, s17;
	s19 =	sadd.s32 $0x40, s14  }
0x112: {  	[hbm4b:s19+s3] =	stream.linear.scatter [tilespmem:s15], [sflag:$0x7], $0x80, $0x38;
	[tilespmem:$0x16300] =	vst v63  }
.Ltmp6:
0x113: {  	s15 =	sadd.s32 $0xDDA8, s17;
	s19 =	sadd.s32 $0x50, s14;
	(pc) =	sbr.rel @p2 .LBB2_13-.Ltmp6, $4  }
0x114: {  	[hbm4b:s19+s3] =	stream.linear.scatter [tilespmem:s15], [sflag:$0x7], $0x80, $0x38;
	[tilespmem:$0x16300] =	vst v63  }
0x115: {  	s15 =	sadd.s32 $0xDE30, s17;
	s19 =	sadd.s32 $0x60, s14;
	s17 =	sadd.s32 $0xDEB8, s17  }
0x116: {  	[hbm4b:s19+s3] =	stream.linear.scatter [tilespmem:s15], [sflag:$0x7], $0x80, $0x38;
	[tilespmem:$0x16300] =	vst v63  }
0x117: {  	s19 =	sadd.s32 $0x70, s14;
	s14 =	sadd.s32 $0x1000, s14;
	s15 =	smov.u32 s20  }
0x118: {  	[hbm4b:s19+s3] =	stream.linear.scatter [tilespmem:s17], [sflag:$0x7], $0x80, $0x38;
	[tilespmem:$0x16300] =	vst v63  }
0x119: {  	s15 =	sadd.s32 $0xDB00, s5  }
0x11a: {  	[hbm4b:s14+s3] =	stream.linear.scatter [tilespmem:s15], [sflag:$0x7], $0x80, $0x38;
	[tilespmem:$0x16300] =	vst v63  }
0x11b: {  	s19 =	sadd.s32 $0xDB88, s5;
	s20 =	sadd.s32 $0x10, s14  }
0x11c: {  	[hbm4b:s20+s3] =	stream.linear.scatter [tilespmem:s19], [sflag:$0x7], $0x80, $0x38;
	[tilespmem:$0x16300] =	vst v63  }
0x11d: {  	s19 =	sadd.s32 $0xDC10, s5;
	s20 =	sadd.s32 $0x20, s14  }
0x11e: {  	[hbm4b:s20+s3] =	stream.linear.scatter [tilespmem:s19], [sflag:$0x7], $0x80, $0x38;
	[tilespmem:$0x16300] =	vst v63  }
0x11f: {  	s19 =	sadd.s32 $0xDC98, s5;
	s20 =	sadd.s32 $0x30, s14  }
0x120: {  	[hbm4b:s20+s3] =	stream.linear.scatter [tilespmem:s19], [sflag:$0x7], $0x80, $0x38;
	[tilespmem:$0x16300] =	vst v63  }
0x121: {  	s19 =	sadd.s32 $0xDD20, s5;
	s20 =	sadd.s32 $0x40, s14  }
0x122: {  	[hbm4b:s20+s3] =	stream.linear.scatter [tilespmem:s19], [sflag:$0x7], $0x80, $0x38;
	[tilespmem:$0x16300] =	vst v63  }
0x123: {  	s19 =	sadd.s32 $0xDDA8, s5;
	s20 =	sadd.s32 $0x50, s14  }
0x124: {  	[hbm4b:s20+s3] =	stream.linear.scatter [tilespmem:s19], [sflag:$0x7], $0x80, $0x38;
	[tilespmem:$0x16300] =	vst v63  }
.Ltmp7:
0x125: {  	_ = 	snop;
	(pc) =	sbr.rel @p1 .LBB2_16-.Ltmp7, $4  }
0x126: {  	s19 =	sadd.s32 $0xDE30, s5;
	s20 =	sadd.s32 $0x60, s14  }
0x127: {  	[hbm4b:s20+s3] =	stream.linear.scatter [tilespmem:s19], [sflag:$0x7], $0x80, $0x38;
	[tilespmem:$0x16300] =	vst v63  }
0x128: {  	s19 =	sadd.s32 $0xDEB8, s5;
	s20 =	sadd.s32 $0x70, s14  }
0x129: {  	[hbm4b:s20+s3] =	stream.linear.scatter [tilespmem:s19], [sflag:$0x7], $0x80, $0x38;
	[tilespmem:$0x16300] =	vst v63  }
.Ltmp8:
0x12a: {  	(pc) =	sbr.rel .LBB2_17-.Ltmp8, $4  }
0x12b: {  	_ = 	snop  }
0x12c: {  	_ =	swait.ge [sflag:s26], $0x2000  }
0x12d: {  	[sflag:s26] =	ssyncset.done $0x0  }
0x12e: {  	[sflag:s26] =	ssyncadd.s32 $0xFFFFE000  }
.LBB2_16:
0x12f: {  	s5 =	smul.u32 $0xA00, s10;
	_ =	sdelay $0x1  }
0x130: {  	s5 =	sshra.s32 s5, $0x2  }
.Ltmp9:
0x131: {  	s14 =	simm.s32 $0x3900;
	s5 =	sadd.s32 $0x300, s5;
	(pc) =	sbr.rel @p0 .LBB2_18-.Ltmp9, $4  }
0x132: {  	[tilespmem:s14], [sflag:$0x2] =	stream.indirect.gather [hbm4b:s4+s11], $0x40, s5, s11, $0xb8;
	[tilespmem:$0x16300] =	vst v63  }
0x133: {  	_ =	swait.ge [sflag:s26], $0x2000  }
0x134: {  	[sflag:s26] =	ssyncset.done $0x0  }
0x135: {  	[sflag:s26] =	ssyncadd.s32 $0xFFFFE000  }
.LBB2_17:
0x136: {  	_ =	swait.ge [sflag:s28], $0x2000  }
0x137: {  	[sflag:s28] =	ssyncset.done $0x0  }
0x138: {  	[sflag:s28] =	ssyncadd.s32 $0xFFFFE000  }
.LBB2_18:
0x139: {  	s14 =	simm.s32 $0x5900  }
0x13a: {  	v33 =	vld [tilespmem:s14+$0xC0]  }
0x13b: {  	v32 =	vimm.s32 $0x0;
	v35 =	vld [tilespmem:s14+$0x180]  }
0x13c: {  	v34 =	vadd.s32 v12, v32;
	v36 =	vld [tilespmem:s14+$0x1C0]  }
0x13d: {  	v37 =	vadd.s32 v4, v32;
	v38 =	vld [tilespmem:s14+$0x40]  }
0x13e: {  	v39 =	vadd.s32 v28, v32;
	v40 =	vld [tilespmem:s14+$0x80]  }
0x13f: {  	v41 =	vadd.s32 v24, v32;
	v42 =	vld [tilespmem:s14+$0x140]  }
0x140: {  	v55 =	vld [tilespmem:s14+$0x100];
	v56 =	vadd.s32 v20, v32  }
0x141: {  	v44 =	vadd.s32 v16, v32;
	v46 =	vld [tilespmem:s14+$0x0];
	[tilespmem:v34+s29+$0x0] =	vst.idx.msk $0xffff, v33  }
0x142: {  	v45 =	vadd.s32 v0, v32;
	[tilespmem:v37+s29+$0x0] =	vst.idx.msk $0xffff, v38;
	v43 =	vld [tilespmem:s14+$0xD0]  }
0x143: {  	v57 =	vadd.s32 v8, v32;
	[tilespmem:v39+s29+$0x0] =	vst.idx.msk $0xffff, v36;
	v38 =	vld [tilespmem:s14+$0x50]  }
0x144: {  	v58 =	vadd.s32 v5, v32;
	[tilespmem:v41+s29+$0x0] =	vst.idx.msk $0xffff, v35;
	v35 =	vld [tilespmem:s14+$0x1D0]  }
0x145: {  	v60 =	vadd.s32 v25, v32;
	[tilespmem:v56+s29+$0x0] =	vst.idx.msk $0xffff, v42;
	v59 =	vld [tilespmem:s14+$0x190]  }
0x146: {  	v61 =	vadd.s32 v13, v32;
	[tilespmem:v44+s29+$0x0] =	vst.idx.msk $0xffff, v55;
	v62 =	vld [tilespmem:s14+$0x150]  }
0x147: {  	v48 =	vadd.s32 v17, v32;
	[tilespmem:v45+s29+$0x0] =	vst.idx.msk $0xffff, v46;
	v63 =	vld [tilespmem:s14+$0x110]  }
0x148: {  	v49 =	vadd.s32 v1, v32;
	[tilespmem:v57+s29+$0x0] =	vst.idx.msk $0xffff, v40;
	v45 =	vld [tilespmem:s14+$0x10]  }
0x149: {  	v51 =	vadd.s32 v9, v32;
	v50 =	vld [tilespmem:s14+$0x90];
	[tilespmem:v58+s29+$0x0] =	vst.idx.msk $0xffff, v38  }
0x14a: {  	v53 =	vadd.s32 v21, v32;
	[tilespmem:v60+s29+$0x0] =	vst.idx.msk $0xffff, v59;
	v52 =	vld [tilespmem:s14+$0x60]  }
0x14b: {  	v55 =	vadd.s32 v29, v32;
	[tilespmem:v61+s29+$0x0] =	vst.idx.msk $0xffff, v43;
	v34 =	vld [tilespmem:s14+$0x1A0]  }
0x14c: {  	v54 =	vadd.s32 v26, v32;
	[tilespmem:v48+s29+$0x0] =	vst.idx.msk $0xffff, v63;
	v41 =	vld [tilespmem:s14+$0xE0]  }
0x14d: {  	v56 =	vadd.s32 v14, v32;
	[tilespmem:v49+s29+$0x0] =	vst.idx.msk $0xffff, v45;
	v44 =	vld [tilespmem:s14+$0x120]  }
0x14e: {  	v57 =	vadd.s32 v2, v32;
	[tilespmem:v51+s29+$0x0] =	vst.idx.msk $0xffff, v50;
	v45 =	vld [tilespmem:s14+$0x20]  }
0x14f: {  	v47 =	vadd.s32 v10, v32;
	[tilespmem:v53+s29+$0x0] =	vst.idx.msk $0xffff, v62;
	v37 =	vld [tilespmem:s14+$0xA0]  }
0x150: {  	v58 =	vadd.s32 v18, v32;
	[tilespmem:v55+s29+$0x0] =	vst.idx.msk $0xffff, v35;
	v48 =	vld [tilespmem:s14+$0x160]  }
0x151: {  	v59 =	vadd.s32 v6, v32;
	v61 =	vld [tilespmem:s14+$0x1E0];
	[tilespmem:v54+s29+$0x0] =	vst.idx.msk $0xffff, v34  }
0x152: {  	v60 =	vadd.s32 v22, v32;
	[tilespmem:v56+s29+$0x0] =	vst.idx.msk $0xffff, v41;
	v36 =	vld [tilespmem:s14+$0x1B0]  }
0x153: {  	v62 =	vadd.s32 v30, v32;
	[tilespmem:v57+s29+$0x0] =	vst.idx.msk $0xffff, v45;
	v49 =	vld [tilespmem:s14+$0xF0]  }
0x154: {  	v63 =	vadd.s32 v15, v32;
	[tilespmem:v47+s29+$0x0] =	vst.idx.msk $0xffff, v37;
	v35 =	vld [tilespmem:s14+$0x30]  }
0x155: {  	v46 =	vadd.s32 v27, v32;
	[tilespmem:v58+s29+$0x0] =	vst.idx.msk $0xffff, v44;
	v38 =	vld [tilespmem:s14+$0xB0]  }
0x156: {  	[tilespmem:v59+s29+$0x0] =	vst.idx.msk $0xffff, v52;
	v41 =	vadd.s32 v11, v32;
	v40 =	vld [tilespmem:s14+$0x130]  }
0x157: {  	v42 =	vadd.s32 v19, v32;
	[tilespmem:v60+s29+$0x0] =	vst.idx.msk $0xffff, v48;
	v39 =	vld [tilespmem:s14+$0x70]  }
0x158: {  	[tilespmem:v62+s29+$0x0] =	vst.idx.msk $0xffff, v61;
	v44 =	vadd.s32 v7, v32;
	v37 =	vld [tilespmem:s14+$0x170]  }
0x159: {  	s5 =	simm.s32 $0x0;
	v33 =	vadd.s32 v31, v32;
	v45 =	vadd.s32 v3, v32;
	v34 =	vadd.s32 $0x8, v32;
	v43 =	vld [tilespmem:s14+$0x1F0];
	s14 =	simm.s32 $0x5B00;
	[tilespmem:v63+s29+$0x0] =	vst.idx.msk $0xffff, v49  }
.LBB2_19:
0x15a: {  	v47 =	vld [tilespmem:s14+$0xC0];
	v48 =	vadd.s32 v31, v34;
	s5 =	sadd.s32 $0x8, s5;
	v49 =	vadd.s32 v23, v32;
	[tilespmem:v46+s29+$0x0] =	vst.idx.msk $0xffff, v36;
	v32 =	vmov v34  }
0x15b: {  	v36 =	vadd.s32 v0, v34;
	v46 =	vadd.s32 v12, v34;
	v50 =	vld [tilespmem:s14+$0x180];
	p2 =	slt.u32 s5, $0x78;
	[tilespmem:v41+s29+$0x0] =	vst.idx.msk $0xffff, v38  }
0x15c: {  	v38 =	vadd.s32 v4, v34;
	v41 =	vld [tilespmem:s14+$0x1C0];
	[tilespmem:v42+s29+$0x0] =	vst.idx.msk $0xffff, v40  }
0x15d: {  	v51 =	vadd.s32 v28, v34;
	v42 =	vadd.s32 v8, v34;
	v40 =	vld [tilespmem:s14+$0x40];
	[tilespmem:v44+s29+$0x0] =	vst.idx.msk $0xffff, v39  }
0x15e: {  	v44 =	vadd.s32 v24, v34;
	v39 =	vld [tilespmem:s14+$0x80];
	[tilespmem:v45+s29+$0x0] =	vst.idx.msk $0xffff, v35  }
0x15f: {  	v35 =	vld [tilespmem:s14+$0x140];
	[tilespmem:v33+s29+$0x0] =	vst.idx.msk $0xffff, v43;
	v33 =	vmov v48  }
0x160: {  	v45 =	vadd.s32 v20, v34;
	[tilespmem:v46+s29+$0x0] =	vst.idx.msk $0xffff, v47;
	v43 =	vld [tilespmem:s14+$0x100]  }
0x161: {  	v47 =	vadd.s32 v16, v34;
	v46 =	vld [tilespmem:s14+$0xD0];
	[tilespmem:v49+s29+$0x0] =	vst.idx.msk $0xffff, v37  }
0x162: {  	v37 =	vld [tilespmem:s14+$0x0];
	[tilespmem:v38+s29+$0x0] =	vst.idx.msk $0xffff, v40  }
0x163: {  	v38 =	vld [tilespmem:s14+$0x50];
	[tilespmem:v51+s29+$0x0] =	vst.idx.msk $0xffff, v41  }
0x164: {  	v40 =	vadd.s32 v5, v34;
	[tilespmem:v44+s29+$0x0] =	vst.idx.msk $0xffff, v50;
	v41 =	vld [tilespmem:s14+$0x1D0]  }
0x165: {  	v44 =	vadd.s32 v25, v34;
	[tilespmem:v45+s29+$0x0] =	vst.idx.msk $0xffff, v35;
	v35 =	vld [tilespmem:s14+$0x190]  }
0x166: {  	v45 =	vadd.s32 v13, v34;
	[tilespmem:v47+s29+$0x0] =	vst.idx.msk $0xffff, v43;
	v43 =	vld [tilespmem:s14+$0x150]  }
0x167: {  	[tilespmem:v36+s29+$0x0] =	vst.idx.msk $0xffff, v37;
	v36 =	vld [tilespmem:s14+$0x110];
	v37 =	vadd.s32 v17, v34  }
0x168: {  	v48 =	vadd.s32 v1, v34;
	v47 =	vld [tilespmem:s14+$0x10];
	[tilespmem:v42+s29+$0x0] =	vst.idx.msk $0xffff, v39  }
0x169: {  	v39 =	vadd.s32 v9, v34;
	[tilespmem:v40+s29+$0x0] =	vst.idx.msk $0xffff, v38;
	v38 =	vld [tilespmem:s14+$0x90]  }
0x16a: {  	v42 =	vadd.s32 v21, v34;
	v40 =	vld [tilespmem:s14+$0x60];
	[tilespmem:v44+s29+$0x0] =	vst.idx.msk $0xffff, v35  }
0x16b: {  	v44 =	vadd.s32 v26, v34;
	[tilespmem:v45+s29+$0x0] =	vst.idx.msk $0xffff, v46;
	v35 =	vld [tilespmem:s14+$0x1A0]  }
0x16c: {  	v45 =	vld [tilespmem:s14+$0xE0];
	[tilespmem:v37+s29+$0x0] =	vst.idx.msk $0xffff, v36;
	v37 =	vadd.s32 v29, v34  }
0x16d: {  	v46 =	vadd.s32 v14, v34;
	[tilespmem:v48+s29+$0x0] =	vst.idx.msk $0xffff, v47;
	v47 =	vld [tilespmem:s14+$0x120]  }
0x16e: {  	v49 =	vadd.s32 v2, v34;
	v48 =	vld [tilespmem:s14+$0x20];
	[tilespmem:v39+s29+$0x0] =	vst.idx.msk $0xffff, v38  }
0x16f: {  	v39 =	vadd.s32 v10, v34;
	v38 =	vld [tilespmem:s14+$0xA0];
	[tilespmem:v42+s29+$0x0] =	vst.idx.msk $0xffff, v43  }
0x170: {  	v42 =	vadd.s32 v18, v34;
	v43 =	vld [tilespmem:s14+$0x160];
	[tilespmem:v44+s29+$0x0] =	vst.idx.msk $0xffff, v35  }
0x171: {  	v44 =	vadd.s32 v6, v34;
	v36 =	vld [tilespmem:s14+$0x1B0];
	[tilespmem:v37+s29+$0x0] =	vst.idx.msk $0xffff, v41  }
0x172: {  	v37 =	vadd.s32 v22, v34;
	[tilespmem:v46+s29+$0x0] =	vst.idx.msk $0xffff, v45;
	v45 =	vld [tilespmem:s14+$0x1E0]  }
0x173: {  	[tilespmem:v49+s29+$0x0] =	vst.idx.msk $0xffff, v48;
	v48 =	vld [tilespmem:s14+$0xF0];
	v49 =	vadd.s32 v30, v34  }
0x174: {  	v50 =	vadd.s32 v15, v34;
	v35 =	vld [tilespmem:s14+$0x30];
	[tilespmem:v39+s29+$0x0] =	vst.idx.msk $0xffff, v38  }
.Ltmp10:
0x175: {  	v46 =	vadd.s32 v27, v34;
	v38 =	vld [tilespmem:s14+$0xB0];
	[tilespmem:v42+s29+$0x0] =	vst.idx.msk $0xffff, v47;
	(pc) =	sbr.rel @p2 .LBB2_19-.Ltmp10, $4  }
0x176: {  	v41 =	vadd.s32 v11, v34;
	[tilespmem:v44+s29+$0x0] =	vst.idx.msk $0xffff, v40;
	v40 =	vld [tilespmem:s14+$0x130]  }
0x177: {  	v42 =	vadd.s32 v19, v34;
	v39 =	vld [tilespmem:s14+$0x70];
	[tilespmem:v37+s29+$0x0] =	vst.idx.msk $0xffff, v43  }
0x178: {  	v44 =	vadd.s32 v7, v34;
	v37 =	vld [tilespmem:s14+$0x170];
	[tilespmem:v49+s29+$0x0] =	vst.idx.msk $0xffff, v45  }
0x179: {  	v34 =	vadd.s32 $0x8, v34;
	v45 =	vadd.s32 v3, v32;
	[tilespmem:v50+s29+$0x0] =	vst.idx.msk $0xffff, v48;
	v43 =	vld [tilespmem:s14+$0x1F0];
	s14 =	sadd.s32 $0x200, s14  }
0x17a: {  	_ =	sdelay $0x3  }
0x17b: {  	[tilespmem:v46+s29+$0x0] =	vst.idx.msk $0xffff, v36  }
0x17c: {  	v32 =	vadd.s32 v23, v32;
	[tilespmem:v41+s29+$0x0] =	vst.idx.msk $0xffff, v38  }
0x17d: {  	[tilespmem:v45+s29+$0x0] =	vst.idx.msk $0xffff, v35  }
0x17e: {  	[tilespmem:v42+s29+$0x0] =	vst.idx.msk $0xffff, v40  }
0x17f: {  	s5 =	sadd.s32 s8, s18;
	[tilespmem:v44+s29+$0x0] =	vst.idx.msk $0xffff, v39  }
0x180: {  	s5 =	sshrl.u32 s5, $0x3;
	[tilespmem:v33+s29+$0x0] =	vst.idx.msk $0xffff, v43  }
0x181: {  	s15 =	simm.s32 $0xFD00;
	s14 =	sadd.s32 s2, s5;
	[tilespmem:v32+s29+$0x0] =	vst.idx.msk $0xffff, v37  }
0x182: {  	[hbm4b:s14+s3] =	stream.linear.scatter [tilespmem:s15], [sflag:$0x8], $0x80, $0x38;
	[tilespmem:$0x16300] =	vst v63  }
0x183: {  	s17 =	simm.s32 $0xFD88;
	s15 =	sadd.s32 $0x10, s14  }
0x184: {  	[hbm4b:s15+s3] =	stream.linear.scatter [tilespmem:s17], [sflag:$0x8], $0x80, $0x38;
	[tilespmem:$0x16300] =	vst v63  }
0x185: {  	s19 =	simm.s32 $0xFE10;
	s20 =	sadd.s32 $0x20, s14  }
0x186: {  	[hbm4b:s20+s3] =	stream.linear.scatter [tilespmem:s19], [sflag:$0x8], $0x80, $0x38;
	[tilespmem:$0x16300] =	vst v63  }
0x187: {  	s15 =	simm.s32 $0xFE98;
	s17 =	sadd.s32 $0x30, s14  }
0x188: {  	[hbm4b:s17+s3] =	stream.linear.scatter [tilespmem:s15], [sflag:$0x8], $0x80, $0x38;
	[tilespmem:$0x16300] =	vst v63  }
0x189: {  	s19 =	simm.s32 $0xFF20;
	s20 =	sadd.s32 $0x40, s14  }
0x18a: {  	[hbm4b:s20+s3] =	stream.linear.scatter [tilespmem:s19], [sflag:$0x8], $0x80, $0x38;
	[tilespmem:$0x16300] =	vst v63  }
0x18b: {  	s5 =	simm.s32 $0x440;
	s15 =	simm.s32 $0xFFA8;
	s17 =	sadd.s32 $0x50, s14  }
0x18c: {  	[hbm4b:s17+s3] =	stream.linear.scatter [tilespmem:s15], [sflag:$0x8], $0x80, $0x38;
	[tilespmem:$0x16300] =	vst v63  }
0x18d: {  	s19 =	simm.s32 $0x10030;
	s20 =	sadd.s32 $0x60, s14;
	s15 =	simm.s32 $0x2200  }
0x18e: {  	[hbm4b:s20+s3] =	stream.linear.scatter [tilespmem:s19], [sflag:$0x8], $0x80, $0x38;
	[tilespmem:$0x16300] =	vst v63  }
0x18f: {  	s17 =	simm.s32 $0x100B8;
	s19 =	sadd.s32 $0x70, s14;
	s14 =	sadd.s32 $0x1000, s14  }
.LBB2_21:
0x190: {  	[hbm4b:s19+s3] =	stream.linear.scatter [tilespmem:s17], [sflag:$0x8], $0x80, $0x38;
	[tilespmem:$0x16300] =	vst v63  }
0x191: {  	s17 =	smov.u32 s5;
	s5 =	smov.u32 s15  }
0x192: {  	s20 =	sadd.s32 $0x1100, s15;
	s5 =	sshra.s32 s5, $0x2;
	s19 =	sadd.s32 $0xFD00, s17  }
0x193: {  	[hbm4b:s14+s3] =	stream.linear.scatter [tilespmem:s19], [sflag:$0x8], $0x80, $0x38;
	[tilespmem:$0x16300] =	vst v63  }
0x194: {  	p2 =	sne.s32 s15, $0x7700;
	s15 =	sadd.s32 $0xFD88, s17;
	s19 =	sadd.s32 $0x10, s14  }
0x195: {  	[hbm4b:s19+s3] =	stream.linear.scatter [tilespmem:s15], [sflag:$0x8], $0x80, $0x38;
	[tilespmem:$0x16300] =	vst v63  }
0x196: {  	s15 =	sadd.s32 $0xFE10, s17;
	s19 =	sadd.s32 $0x20, s14  }
0x197: {  	[hbm4b:s19+s3] =	stream.linear.scatter [tilespmem:s15], [sflag:$0x8], $0x80, $0x38;
	[tilespmem:$0x16300] =	vst v63  }
0x198: {  	s15 =	sadd.s32 $0xFE98, s17;
	s19 =	sadd.s32 $0x30, s14  }
0x199: {  	[hbm4b:s19+s3] =	stream.linear.scatter [tilespmem:s15], [sflag:$0x8], $0x80, $0x38;
	[tilespmem:$0x16300] =	vst v63  }
0x19a: {  	s15 =	sadd.s32 $0xFF20, s17;
	s19 =	sadd.s32 $0x40, s14  }
0x19b: {  	[hbm4b:s19+s3] =	stream.linear.scatter [tilespmem:s15], [sflag:$0x8], $0x80, $0x38;
	[tilespmem:$0x16300] =	vst v63  }
.Ltmp11:
0x19c: {  	s15 =	sadd.s32 $0xFFA8, s17;
	s19 =	sadd.s32 $0x50, s14;
	(pc) =	sbr.rel @p2 .LBB2_21-.Ltmp11, $4  }
0x19d: {  	[hbm4b:s19+s3] =	stream.linear.scatter [tilespmem:s15], [sflag:$0x8], $0x80, $0x38;
	[tilespmem:$0x16300] =	vst v63  }
0x19e: {  	s15 =	sadd.s32 $0x10030, s17;
	s19 =	sadd.s32 $0x60, s14;
	s17 =	sadd.s32 $0x100B8, s17  }
0x19f: {  	[hbm4b:s19+s3] =	stream.linear.scatter [tilespmem:s15], [sflag:$0x8], $0x80, $0x38;
	[tilespmem:$0x16300] =	vst v63  }
0x1a0: {  	s19 =	sadd.s32 $0x70, s14;
	s14 =	sadd.s32 $0x1000, s14;
	s15 =	smov.u32 s20  }
0x1a1: {  	[hbm4b:s19+s3] =	stream.linear.scatter [tilespmem:s17], [sflag:$0x8], $0x80, $0x38;
	[tilespmem:$0x16300] =	vst v63  }
0x1a2: {  	s15 =	sadd.s32 $0xFD00, s5  }
0x1a3: {  	[hbm4b:s14+s3] =	stream.linear.scatter [tilespmem:s15], [sflag:$0x8], $0x80, $0x38;
	[tilespmem:$0x16300] =	vst v63  }
0x1a4: {  	s19 =	sadd.s32 $0xFD88, s5;
	s20 =	sadd.s32 $0x10, s14  }
0x1a5: {  	[hbm4b:s20+s3] =	stream.linear.scatter [tilespmem:s19], [sflag:$0x8], $0x80, $0x38;
	[tilespmem:$0x16300] =	vst v63  }
0x1a6: {  	s19 =	sadd.s32 $0xFE10, s5;
	s20 =	sadd.s32 $0x20, s14  }
0x1a7: {  	[hbm4b:s20+s3] =	stream.linear.scatter [tilespmem:s19], [sflag:$0x8], $0x80, $0x38;
	[tilespmem:$0x16300] =	vst v63  }
0x1a8: {  	s19 =	sadd.s32 $0xFE98, s5;
	s20 =	sadd.s32 $0x30, s14  }
0x1a9: {  	[hbm4b:s20+s3] =	stream.linear.scatter [tilespmem:s19], [sflag:$0x8], $0x80, $0x38;
	[tilespmem:$0x16300] =	vst v63  }
0x1aa: {  	s19 =	sadd.s32 $0xFF20, s5;
	s20 =	sadd.s32 $0x40, s14  }
0x1ab: {  	[hbm4b:s20+s3] =	stream.linear.scatter [tilespmem:s19], [sflag:$0x8], $0x80, $0x38;
	[tilespmem:$0x16300] =	vst v63  }
0x1ac: {  	s19 =	sadd.s32 $0xFFA8, s5;
	s20 =	sadd.s32 $0x50, s14  }
0x1ad: {  	[hbm4b:s20+s3] =	stream.linear.scatter [tilespmem:s19], [sflag:$0x8], $0x80, $0x38;
	[tilespmem:$0x16300] =	vst v63  }
.Ltmp12:
0x1ae: {  	_ = 	snop;
	(pc) =	sbr.rel @p1 .LBB2_24-.Ltmp12, $4  }
0x1af: {  	s19 =	sadd.s32 $0x10030, s5;
	s20 =	sadd.s32 $0x60, s14  }
0x1b0: {  	[hbm4b:s20+s3] =	stream.linear.scatter [tilespmem:s19], [sflag:$0x8], $0x80, $0x38;
	[tilespmem:$0x16300] =	vst v63  }
0x1b1: {  	s19 =	sadd.s32 $0x100B8, s5;
	s20 =	sadd.s32 $0x70, s14  }
0x1b2: {  	[hbm4b:s20+s3] =	stream.linear.scatter [tilespmem:s19], [sflag:$0x8], $0x80, $0x38;
	[tilespmem:$0x16300] =	vst v63  }
.Ltmp13:
0x1b3: {  	(pc) =	sbr.rel .LBB2_25-.Ltmp13, $4  }
0x1b4: {  	_ = 	snop  }
0x1b5: {  	_ =	swait.ge [sflag:s30], $0x2000  }
0x1b6: {  	[sflag:s30] =	ssyncset.done $0x0  }
0x1b7: {  	[sflag:s30] =	ssyncadd.s32 $0xFFFFE000  }
.LBB2_24:
0x1b8: {  	s5 =	smul.u32 $0xA00, s10;
	_ =	sdelay $0x1  }
0x1b9: {  	s5 =	sshra.s32 s5, $0x2  }
.Ltmp14:
0x1ba: {  	s14 =	simm.s32 $0x5900;
	s5 =	sadd.s32 $0x380, s5;
	(pc) =	sbr.rel @p0 .LBB2_26-.Ltmp14, $4  }
0x1bb: {  	[tilespmem:s14], [sflag:$0x3] =	stream.indirect.gather [hbm4b:s4+s11], $0x40, s5, s11, $0xb8;
	[tilespmem:$0x16300] =	vst v63  }
0x1bc: {  	_ =	swait.ge [sflag:s30], $0x2000  }
0x1bd: {  	[sflag:s30] =	ssyncset.done $0x0  }
0x1be: {  	[sflag:s30] =	ssyncadd.s32 $0xFFFFE000  }
.LBB2_25:
0x1bf: {  	_ =	swait.ge [sflag:s31], $0x2000  }
0x1c0: {  	[sflag:s31] =	ssyncset.done $0x0  }
0x1c1: {  	[sflag:s31] =	ssyncadd.s32 $0xFFFFE000  }
.LBB2_26:
0x1c2: {  	s14 =	simm.s32 $0x7900  }
0x1c3: {  	v33 =	vld [tilespmem:s14+$0xC0]  }
0x1c4: {  	v32 =	vimm.s32 $0x0;
	v35 =	vld [tilespmem:s14+$0x180]  }
0x1c5: {  	v34 =	vadd.s32 v12, v32;
	v36 =	vld [tilespmem:s14+$0x1C0]  }
0x1c6: {  	v37 =	vadd.s32 v4, v32;
	v38 =	vld [tilespmem:s14+$0x40]  }
0x1c7: {  	v39 =	vadd.s32 v28, v32;
	v40 =	vld [tilespmem:s14+$0x80]  }
0x1c8: {  	v41 =	vadd.s32 v24, v32;
	v42 =	vld [tilespmem:s14+$0x140]  }
0x1c9: {  	v55 =	vld [tilespmem:s14+$0x100];
	v56 =	vadd.s32 v20, v32  }
0x1ca: {  	v44 =	vadd.s32 v16, v32;
	v46 =	vld [tilespmem:s14+$0x0];
	[tilespmem:v34+s0+$0x0] =	vst.idx.msk $0xffff, v33  }
0x1cb: {  	v45 =	vadd.s32 v0, v32;
	[tilespmem:v37+s0+$0x0] =	vst.idx.msk $0xffff, v38;
	v43 =	vld [tilespmem:s14+$0xD0]  }
0x1cc: {  	v57 =	vadd.s32 v8, v32;
	[tilespmem:v39+s0+$0x0] =	vst.idx.msk $0xffff, v36;
	v38 =	vld [tilespmem:s14+$0x50]  }
0x1cd: {  	v58 =	vadd.s32 v5, v32;
	[tilespmem:v41+s0+$0x0] =	vst.idx.msk $0xffff, v35;
	v35 =	vld [tilespmem:s14+$0x1D0]  }
0x1ce: {  	v60 =	vadd.s32 v25, v32;
	[tilespmem:v56+s0+$0x0] =	vst.idx.msk $0xffff, v42;
	v59 =	vld [tilespmem:s14+$0x190]  }
0x1cf: {  	v61 =	vadd.s32 v13, v32;
	[tilespmem:v44+s0+$0x0] =	vst.idx.msk $0xffff, v55;
	v62 =	vld [tilespmem:s14+$0x150]  }
0x1d0: {  	v48 =	vadd.s32 v17, v32;
	[tilespmem:v45+s0+$0x0] =	vst.idx.msk $0xffff, v46;
	v63 =	vld [tilespmem:s14+$0x110]  }
0x1d1: {  	v49 =	vadd.s32 v1, v32;
	[tilespmem:v57+s0+$0x0] =	vst.idx.msk $0xffff, v40;
	v45 =	vld [tilespmem:s14+$0x10]  }
0x1d2: {  	v51 =	vadd.s32 v9, v32;
	v50 =	vld [tilespmem:s14+$0x90];
	[tilespmem:v58+s0+$0x0] =	vst.idx.msk $0xffff, v38  }
0x1d3: {  	v53 =	vadd.s32 v21, v32;
	[tilespmem:v60+s0+$0x0] =	vst.idx.msk $0xffff, v59;
	v52 =	vld [tilespmem:s14+$0x60]  }
0x1d4: {  	v55 =	vadd.s32 v29, v32;
	[tilespmem:v61+s0+$0x0] =	vst.idx.msk $0xffff, v43;
	v34 =	vld [tilespmem:s14+$0x1A0]  }
0x1d5: {  	v54 =	vadd.s32 v26, v32;
	[tilespmem:v48+s0+$0x0] =	vst.idx.msk $0xffff, v63;
	v41 =	vld [tilespmem:s14+$0xE0]  }
0x1d6: {  	v56 =	vadd.s32 v14, v32;
	[tilespmem:v49+s0+$0x0] =	vst.idx.msk $0xffff, v45;
	v44 =	vld [tilespmem:s14+$0x120]  }
0x1d7: {  	v57 =	vadd.s32 v2, v32;
	[tilespmem:v51+s0+$0x0] =	vst.idx.msk $0xffff, v50;
	v45 =	vld [tilespmem:s14+$0x20]  }
0x1d8: {  	v47 =	vadd.s32 v10, v32;
	[tilespmem:v53+s0+$0x0] =	vst.idx.msk $0xffff, v62;
	v37 =	vld [tilespmem:s14+$0xA0]  }
0x1d9: {  	v58 =	vadd.s32 v18, v32;
	[tilespmem:v55+s0+$0x0] =	vst.idx.msk $0xffff, v35;
	v48 =	vld [tilespmem:s14+$0x160]  }
0x1da: {  	v59 =	vadd.s32 v6, v32;
	v61 =	vld [tilespmem:s14+$0x1E0];
	[tilespmem:v54+s0+$0x0] =	vst.idx.msk $0xffff, v34  }
0x1db: {  	v60 =	vadd.s32 v22, v32;
	[tilespmem:v56+s0+$0x0] =	vst.idx.msk $0xffff, v41;
	v36 =	vld [tilespmem:s14+$0x1B0]  }
0x1dc: {  	v62 =	vadd.s32 v30, v32;
	[tilespmem:v57+s0+$0x0] =	vst.idx.msk $0xffff, v45;
	v49 =	vld [tilespmem:s14+$0xF0]  }
0x1dd: {  	v63 =	vadd.s32 v15, v32;
	[tilespmem:v47+s0+$0x0] =	vst.idx.msk $0xffff, v37;
	v35 =	vld [tilespmem:s14+$0x30]  }
0x1de: {  	v46 =	vadd.s32 v27, v32;
	[tilespmem:v58+s0+$0x0] =	vst.idx.msk $0xffff, v44;
	v38 =	vld [tilespmem:s14+$0xB0]  }
0x1df: {  	[tilespmem:v59+s0+$0x0] =	vst.idx.msk $0xffff, v52;
	v41 =	vadd.s32 v11, v32;
	v40 =	vld [tilespmem:s14+$0x130]  }
0x1e0: {  	v42 =	vadd.s32 v19, v32;
	[tilespmem:v60+s0+$0x0] =	vst.idx.msk $0xffff, v48;
	v39 =	vld [tilespmem:s14+$0x70]  }
0x1e1: {  	[tilespmem:v62+s0+$0x0] =	vst.idx.msk $0xffff, v61;
	v44 =	vadd.s32 v7, v32;
	v37 =	vld [tilespmem:s14+$0x170]  }
0x1e2: {  	s5 =	simm.s32 $0x0;
	v33 =	vadd.s32 v31, v32;
	v45 =	vadd.s32 v3, v32;
	v34 =	vadd.s32 $0x8, v32;
	v43 =	vld [tilespmem:s14+$0x1F0];
	s14 =	simm.s32 $0x7B00;
	[tilespmem:v63+s0+$0x0] =	vst.idx.msk $0xffff, v49  }
.LBB2_27:
0x1e3: {  	v47 =	vld [tilespmem:s14+$0xC0];
	v48 =	vadd.s32 v31, v34;
	s5 =	sadd.s32 $0x8, s5;
	v49 =	vadd.s32 v23, v32;
	[tilespmem:v46+s0+$0x0] =	vst.idx.msk $0xffff, v36;
	v32 =	vmov v34  }
0x1e4: {  	v36 =	vadd.s32 v0, v34;
	v46 =	vadd.s32 v12, v34;
	v50 =	vld [tilespmem:s14+$0x180];
	p2 =	slt.u32 s5, $0x78;
	[tilespmem:v41+s0+$0x0] =	vst.idx.msk $0xffff, v38  }
0x1e5: {  	v38 =	vadd.s32 v4, v34;
	v41 =	vld [tilespmem:s14+$0x1C0];
	[tilespmem:v42+s0+$0x0] =	vst.idx.msk $0xffff, v40  }
0x1e6: {  	v51 =	vadd.s32 v28, v34;
	v42 =	vadd.s32 v8, v34;
	v40 =	vld [tilespmem:s14+$0x40];
	[tilespmem:v44+s0+$0x0] =	vst.idx.msk $0xffff, v39  }
0x1e7: {  	v44 =	vadd.s32 v24, v34;
	v39 =	vld [tilespmem:s14+$0x80];
	[tilespmem:v45+s0+$0x0] =	vst.idx.msk $0xffff, v35  }
0x1e8: {  	v35 =	vld [tilespmem:s14+$0x140];
	[tilespmem:v33+s0+$0x0] =	vst.idx.msk $0xffff, v43;
	v33 =	vmov v48  }
0x1e9: {  	v45 =	vadd.s32 v20, v34;
	[tilespmem:v46+s0+$0x0] =	vst.idx.msk $0xffff, v47;
	v43 =	vld [tilespmem:s14+$0x100]  }
0x1ea: {  	v47 =	vadd.s32 v16, v34;
	v46 =	vld [tilespmem:s14+$0xD0];
	[tilespmem:v49+s0+$0x0] =	vst.idx.msk $0xffff, v37  }
0x1eb: {  	v37 =	vld [tilespmem:s14+$0x0];
	[tilespmem:v38+s0+$0x0] =	vst.idx.msk $0xffff, v40  }
0x1ec: {  	v38 =	vld [tilespmem:s14+$0x50];
	[tilespmem:v51+s0+$0x0] =	vst.idx.msk $0xffff, v41  }
0x1ed: {  	v40 =	vadd.s32 v5, v34;
	[tilespmem:v44+s0+$0x0] =	vst.idx.msk $0xffff, v50;
	v41 =	vld [tilespmem:s14+$0x1D0]  }
0x1ee: {  	v44 =	vadd.s32 v25, v34;
	[tilespmem:v45+s0+$0x0] =	vst.idx.msk $0xffff, v35;
	v35 =	vld [tilespmem:s14+$0x190]  }
0x1ef: {  	v45 =	vadd.s32 v13, v34;
	[tilespmem:v47+s0+$0x0] =	vst.idx.msk $0xffff, v43;
	v43 =	vld [tilespmem:s14+$0x150]  }
0x1f0: {  	[tilespmem:v36+s0+$0x0] =	vst.idx.msk $0xffff, v37;
	v36 =	vld [tilespmem:s14+$0x110];
	v37 =	vadd.s32 v17, v34  }
0x1f1: {  	v48 =	vadd.s32 v1, v34;
	v47 =	vld [tilespmem:s14+$0x10];
	[tilespmem:v42+s0+$0x0] =	vst.idx.msk $0xffff, v39  }
0x1f2: {  	v39 =	vadd.s32 v9, v34;
	[tilespmem:v40+s0+$0x0] =	vst.idx.msk $0xffff, v38;
	v38 =	vld [tilespmem:s14+$0x90]  }
0x1f3: {  	v42 =	vadd.s32 v21, v34;
	v40 =	vld [tilespmem:s14+$0x60];
	[tilespmem:v44+s0+$0x0] =	vst.idx.msk $0xffff, v35  }
0x1f4: {  	v44 =	vadd.s32 v26, v34;
	[tilespmem:v45+s0+$0x0] =	vst.idx.msk $0xffff, v46;
	v35 =	vld [tilespmem:s14+$0x1A0]  }
0x1f5: {  	v45 =	vld [tilespmem:s14+$0xE0];
	[tilespmem:v37+s0+$0x0] =	vst.idx.msk $0xffff, v36;
	v37 =	vadd.s32 v29, v34  }
0x1f6: {  	v46 =	vadd.s32 v14, v34;
	[tilespmem:v48+s0+$0x0] =	vst.idx.msk $0xffff, v47;
	v47 =	vld [tilespmem:s14+$0x120]  }
0x1f7: {  	v49 =	vadd.s32 v2, v34;
	v48 =	vld [tilespmem:s14+$0x20];
	[tilespmem:v39+s0+$0x0] =	vst.idx.msk $0xffff, v38  }
0x1f8: {  	v39 =	vadd.s32 v10, v34;
	v38 =	vld [tilespmem:s14+$0xA0];
	[tilespmem:v42+s0+$0x0] =	vst.idx.msk $0xffff, v43  }
0x1f9: {  	v42 =	vadd.s32 v18, v34;
	v43 =	vld [tilespmem:s14+$0x160];
	[tilespmem:v44+s0+$0x0] =	vst.idx.msk $0xffff, v35  }
0x1fa: {  	v44 =	vadd.s32 v6, v34;
	v36 =	vld [tilespmem:s14+$0x1B0];
	[tilespmem:v37+s0+$0x0] =	vst.idx.msk $0xffff, v41  }
0x1fb: {  	v37 =	vadd.s32 v22, v34;
	[tilespmem:v46+s0+$0x0] =	vst.idx.msk $0xffff, v45;
	v45 =	vld [tilespmem:s14+$0x1E0]  }
0x1fc: {  	[tilespmem:v49+s0+$0x0] =	vst.idx.msk $0xffff, v48;
	v48 =	vld [tilespmem:s14+$0xF0];
	v49 =	vadd.s32 v30, v34  }
0x1fd: {  	v50 =	vadd.s32 v15, v34;
	v35 =	vld [tilespmem:s14+$0x30];
	[tilespmem:v39+s0+$0x0] =	vst.idx.msk $0xffff, v38  }
.Ltmp15:
0x1fe: {  	v46 =	vadd.s32 v27, v34;
	v38 =	vld [tilespmem:s14+$0xB0];
	[tilespmem:v42+s0+$0x0] =	vst.idx.msk $0xffff, v47;
	(pc) =	sbr.rel @p2 .LBB2_27-.Ltmp15, $4  }
0x1ff: {  	v41 =	vadd.s32 v11, v34;
	[tilespmem:v44+s0+$0x0] =	vst.idx.msk $0xffff, v40;
	v40 =	vld [tilespmem:s14+$0x130]  }
0x200: {  	v42 =	vadd.s32 v19, v34;
	v39 =	vld [tilespmem:s14+$0x70];
	[tilespmem:v37+s0+$0x0] =	vst.idx.msk $0xffff, v43  }
0x201: {  	v44 =	vadd.s32 v7, v34;
	v37 =	vld [tilespmem:s14+$0x170];
	[tilespmem:v49+s0+$0x0] =	vst.idx.msk $0xffff, v45  }
0x202: {  	v34 =	vadd.s32 $0x8, v34;
	v45 =	vadd.s32 v3, v32;
	[tilespmem:v50+s0+$0x0] =	vst.idx.msk $0xffff, v48;
	v43 =	vld [tilespmem:s14+$0x1F0];
	s14 =	sadd.s32 $0x200, s14  }
0x203: {  	_ =	sdelay $0x3  }
0x204: {  	[tilespmem:v46+s0+$0x0] =	vst.idx.msk $0xffff, v36  }
0x205: {  	v32 =	vadd.s32 v23, v32;
	[tilespmem:v41+s0+$0x0] =	vst.idx.msk $0xffff, v38  }
0x206: {  	[tilespmem:v45+s0+$0x0] =	vst.idx.msk $0xffff, v35  }
0x207: {  	[tilespmem:v42+s0+$0x0] =	vst.idx.msk $0xffff, v40  }
0x208: {  	s5 =	sadd.s32 s9, s18;
	[tilespmem:v44+s0+$0x0] =	vst.idx.msk $0xffff, v39  }
0x209: {  	s5 =	sshrl.u32 s5, $0x3;
	[tilespmem:v33+s0+$0x0] =	vst.idx.msk $0xffff, v43  }
0x20a: {  	s17 =	simm.s32 $0x11F00;
	s14 =	sadd.s32 s2, s5;
	[tilespmem:v32+s0+$0x0] =	vst.idx.msk $0xffff, v37  }
0x20b: {  	[hbm4b:s14+s3] =	stream.linear.scatter [tilespmem:s17], [sflag:$0x9], $0x80, $0x38;
	[tilespmem:$0x16300] =	vst v63  }
0x20c: {  	s18 =	simm.s32 $0x11F88;
	s15 =	sadd.s32 $0x10, s14  }
0x20d: {  	[hbm4b:s15+s3] =	stream.linear.scatter [tilespmem:s18], [sflag:$0x9], $0x80, $0x38;
	[tilespmem:$0x16300] =	vst v63  }
0x20e: {  	s19 =	simm.s32 $0x12010;
	s5 =	simm.s32 $0x440;
	s20 =	sadd.s32 $0x20, s14  }
0x20f: {  	[hbm4b:s20+s3] =	stream.linear.scatter [tilespmem:s19], [sflag:$0x9], $0x80, $0x38;
	[tilespmem:$0x16300] =	vst v63  }
0x210: {  	s17 =	simm.s32 $0x12098;
	s18 =	sadd.s32 $0x30, s14;
	s15 =	simm.s32 $0x2200  }
0x211: {  	[hbm4b:s18+s3] =	stream.linear.scatter [tilespmem:s17], [sflag:$0x9], $0x80, $0x38;
	[tilespmem:$0x16300] =	vst v63  }
0x212: {  	s19 =	simm.s32 $0x12120;
	s20 =	sadd.s32 $0x40, s14;
	s17 =	simm.s32 $0x121A8  }
0x213: {  	[hbm4b:s20+s3] =	stream.linear.scatter [tilespmem:s19], [sflag:$0x9], $0x80, $0x38;
	[tilespmem:$0x16300] =	vst v63  }
0x214: {  	s18 =	sadd.s32 $0x50, s14;
	s19 =	simm.s32 $0x12230;
	s20 =	sadd.s32 $0x60, s14  }
0x215: {  	[hbm4b:s18+s3] =	stream.linear.scatter [tilespmem:s17], [sflag:$0x9], $0x80, $0x38;
	[tilespmem:$0x16300] =	vst v63  }
0x216: {  	s17 =	simm.s32 $0x122B8;
	s18 =	sadd.s32 $0x70, s14;
	s14 =	sadd.s32 $0x1000, s14  }
0x217: {  	[hbm4b:s20+s3] =	stream.linear.scatter [tilespmem:s19], [sflag:$0x9], $0x80, $0x38;
	[tilespmem:$0x16300] =	vst v63  }
.LBB2_29:
0x218: {  	[hbm4b:s18+s3] =	stream.linear.scatter [tilespmem:s17], [sflag:$0x9], $0x80, $0x38;
	[tilespmem:$0x16300] =	vst v63  }
0x219: {  	s17 =	smov.u32 s5;
	s5 =	smov.u32 s15  }
0x21a: {  	s19 =	sadd.s32 $0x1100, s15;
	s5 =	sshra.s32 s5, $0x2;
	s18 =	sadd.s32 $0x11F00, s17  }
0x21b: {  	[hbm4b:s14+s3] =	stream.linear.scatter [tilespmem:s18], [sflag:$0x9], $0x80, $0x38;
	[tilespmem:$0x16300] =	vst v63  }
0x21c: {  	p2 =	sne.s32 s15, $0x7700;
	s15 =	sadd.s32 $0x11F88, s17;
	s18 =	sadd.s32 $0x10, s14  }
0x21d: {  	[hbm4b:s18+s3] =	stream.linear.scatter [tilespmem:s15], [sflag:$0x9], $0x80, $0x38;
	[tilespmem:$0x16300] =	vst v63  }
0x21e: {  	s15 =	sadd.s32 $0x12010, s17;
	s18 =	sadd.s32 $0x20, s14  }
0x21f: {  	[hbm4b:s18+s3] =	stream.linear.scatter [tilespmem:s15], [sflag:$0x9], $0x80, $0x38;
	[tilespmem:$0x16300] =	vst v63  }
0x220: {  	s15 =	sadd.s32 $0x12098, s17;
	s18 =	sadd.s32 $0x30, s14  }
0x221: {  	[hbm4b:s18+s3] =	stream.linear.scatter [tilespmem:s15], [sflag:$0x9], $0x80, $0x38;
	[tilespmem:$0x16300] =	vst v63  }
0x222: {  	s15 =	sadd.s32 $0x12120, s17;
	s18 =	sadd.s32 $0x40, s14  }
0x223: {  	[hbm4b:s18+s3] =	stream.linear.scatter [tilespmem:s15], [sflag:$0x9], $0x80, $0x38;
	[tilespmem:$0x16300] =	vst v63  }
.Ltmp16:
0x224: {  	s15 =	sadd.s32 $0x121A8, s17;
	s18 =	sadd.s32 $0x50, s14;
	(pc) =	sbr.rel @p2 .LBB2_29-.Ltmp16, $4  }
0x225: {  	[hbm4b:s18+s3] =	stream.linear.scatter [tilespmem:s15], [sflag:$0x9], $0x80, $0x38;
	[tilespmem:$0x16300] =	vst v63  }
0x226: {  	s15 =	sadd.s32 $0x12230, s17;
	s18 =	sadd.s32 $0x60, s14;
	s17 =	sadd.s32 $0x122B8, s17  }
0x227: {  	[hbm4b:s18+s3] =	stream.linear.scatter [tilespmem:s15], [sflag:$0x9], $0x80, $0x38;
	[tilespmem:$0x16300] =	vst v63  }
0x228: {  	s18 =	sadd.s32 $0x70, s14;
	s14 =	sadd.s32 $0x1000, s14;
	s15 =	smov.u32 s19  }
0x229: {  	[hbm4b:s18+s3] =	stream.linear.scatter [tilespmem:s17], [sflag:$0x9], $0x80, $0x38;
	[tilespmem:$0x16300] =	vst v63  }
0x22a: {  	s15 =	sadd.s32 $0x11F00, s5  }
0x22b: {  	[hbm4b:s14+s3] =	stream.linear.scatter [tilespmem:s15], [sflag:$0x9], $0x80, $0x38;
	[tilespmem:$0x16300] =	vst v63  }
0x22c: {  	s19 =	sadd.s32 $0x11F88, s5;
	s20 =	sadd.s32 $0x10, s14  }
0x22d: {  	[hbm4b:s20+s3] =	stream.linear.scatter [tilespmem:s19], [sflag:$0x9], $0x80, $0x38;
	[tilespmem:$0x16300] =	vst v63  }
0x22e: {  	s17 =	sadd.s32 $0x12010, s5;
	s18 =	sadd.s32 $0x20, s14  }
0x22f: {  	[hbm4b:s18+s3] =	stream.linear.scatter [tilespmem:s17], [sflag:$0x9], $0x80, $0x38;
	[tilespmem:$0x16300] =	vst v63  }
0x230: {  	s19 =	sadd.s32 $0x12098, s5;
	s20 =	sadd.s32 $0x30, s14  }
0x231: {  	[hbm4b:s20+s3] =	stream.linear.scatter [tilespmem:s19], [sflag:$0x9], $0x80, $0x38;
	[tilespmem:$0x16300] =	vst v63  }
0x232: {  	s17 =	sadd.s32 $0x12120, s5;
	s18 =	sadd.s32 $0x40, s14  }
0x233: {  	[hbm4b:s18+s3] =	stream.linear.scatter [tilespmem:s17], [sflag:$0x9], $0x80, $0x38;
	[tilespmem:$0x16300] =	vst v63  }
0x234: {  	s19 =	sadd.s32 $0x121A8, s5;
	s20 =	sadd.s32 $0x50, s14  }
0x235: {  	[hbm4b:s20+s3] =	stream.linear.scatter [tilespmem:s19], [sflag:$0x9], $0x80, $0x38;
	[tilespmem:$0x16300] =	vst v63  }
.Ltmp17:
0x236: {  	_ = 	snop;
	(pc) =	sbr.rel @p1 .LBB2_32-.Ltmp17, $4  }
0x237: {  	s17 =	sadd.s32 $0x12230, s5;
	s18 =	sadd.s32 $0x60, s14  }
0x238: {  	[hbm4b:s18+s3] =	stream.linear.scatter [tilespmem:s17], [sflag:$0x9], $0x80, $0x38;
	[tilespmem:$0x16300] =	vst v63  }
0x239: {  	s19 =	sadd.s32 $0x122B8, s5;
	s20 =	sadd.s32 $0x70, s14  }
0x23a: {  	[hbm4b:s20+s3] =	stream.linear.scatter [tilespmem:s19], [sflag:$0x9], $0x80, $0x38;
	[tilespmem:$0x16300] =	vst v63  }
.Ltmp18:
0x23b: {  	(pc) =	sbr.rel .LBB2_33-.Ltmp18, $4  }
0x23c: {  	_ = 	snop  }
0x23d: {  	_ =	swait.ge [sflag:s1], $0x2000  }
0x23e: {  	[sflag:s1] =	ssyncset.done $0x0  }
0x23f: {  	[sflag:s1] =	ssyncadd.s32 $0xFFFFE000  }
.LBB2_32:
0x240: {  	s5 =	smul.u32 $0xA00, s10;
	_ =	sdelay $0x1  }
0x241: {  	s5 =	sshra.s32 s5, $0x2  }
.Ltmp19:
0x242: {  	s14 =	simm.s32 $0x7900;
	s5 =	sadd.s32 $0x400, s5;
	(pc) =	sbr.rel @p0 .LBB2_34-.Ltmp19, $4  }
0x243: {  	[tilespmem:s14], [sflag:$0x4] =	stream.indirect.gather [hbm4b:s4+s11], $0x40, s5, s11, $0xb8;
	[tilespmem:$0x16300] =	vst v63  }
0x244: {  	_ =	swait.ge [sflag:s1], $0x2000  }
0x245: {  	[sflag:s1] =	ssyncset.done $0x0  }
0x246: {  	[sflag:s1] =	ssyncadd.s32 $0xFFFFE000  }
.LBB2_33:
0x247: {  	_ =	swait.ge [sflag:s12], $0x2000  }
0x248: {  	[sflag:s12] =	ssyncset.done $0x0  }
0x249: {  	[sflag:s12] =	ssyncadd.s32 $0xFFFFE000  }
.LBB2_34:
0x24a: {  	s14 =	simm.s32 $0x9900  }
0x24b: {  	v33 =	vld [tilespmem:s14+$0xC0]  }
0x24c: {  	v32 =	vimm.s32 $0x0;
	v35 =	vld [tilespmem:s14+$0x180]  }
0x24d: {  	v34 =	vadd.s32 v12, v32;
	v36 =	vld [tilespmem:s14+$0x1C0]  }
0x24e: {  	v37 =	vadd.s32 v4, v32;
	v38 =	vld [tilespmem:s14+$0x40]  }
0x24f: {  	v39 =	vadd.s32 v28, v32;
	v40 =	vld [tilespmem:s14+$0x80]  }
0x250: {  	v41 =	vadd.s32 v24, v32;
	v42 =	vld [tilespmem:s14+$0x140]  }
0x251: {  	v56 =	vld [tilespmem:s14+$0x100];
	v57 =	vadd.s32 v20, v32  }
0x252: {  	v44 =	vadd.s32 v16, v32;
	v46 =	vld [tilespmem:s14+$0x0];
	[tilespmem:v34+s16+$0x0] =	vst.idx.msk $0xffff, v33  }
0x253: {  	v45 =	vadd.s32 v0, v32;
	[tilespmem:v37+s16+$0x0] =	vst.idx.msk $0xffff, v38;
	v43 =	vld [tilespmem:s14+$0xD0]  }
0x254: {  	v58 =	vadd.s32 v8, v32;
	[tilespmem:v39+s16+$0x0] =	vst.idx.msk $0xffff, v36;
	v38 =	vld [tilespmem:s14+$0x50]  }
0x255: {  	v59 =	vadd.s32 v5, v32;
	[tilespmem:v41+s16+$0x0] =	vst.idx.msk $0xffff, v35;
	v35 =	vld [tilespmem:s14+$0x1D0]  }
0x256: {  	v61 =	vadd.s32 v25, v32;
	[tilespmem:v57+s16+$0x0] =	vst.idx.msk $0xffff, v42;
	v60 =	vld [tilespmem:s14+$0x190]  }
0x257: {  	v62 =	vadd.s32 v13, v32;
	[tilespmem:v44+s16+$0x0] =	vst.idx.msk $0xffff, v56;
	v63 =	vld [tilespmem:s14+$0x150]  }
0x258: {  	v49 =	vadd.s32 v17, v32;
	[tilespmem:v45+s16+$0x0] =	vst.idx.msk $0xffff, v46;
	v48 =	vld [tilespmem:s14+$0x110]  }
0x259: {  	v50 =	vadd.s32 v1, v32;
	[tilespmem:v58+s16+$0x0] =	vst.idx.msk $0xffff, v40;
	v45 =	vld [tilespmem:s14+$0x10]  }
0x25a: {  	v52 =	vadd.s32 v9, v32;
	v51 =	vld [tilespmem:s14+$0x90];
	[tilespmem:v59+s16+$0x0] =	vst.idx.msk $0xffff, v38  }
0x25b: {  	v54 =	vadd.s32 v21, v32;
	[tilespmem:v61+s16+$0x0] =	vst.idx.msk $0xffff, v60;
	v53 =	vld [tilespmem:s14+$0x60]  }
0x25c: {  	v56 =	vadd.s32 v29, v32;
	[tilespmem:v62+s16+$0x0] =	vst.idx.msk $0xffff, v43;
	v34 =	vld [tilespmem:s14+$0x1A0]  }
0x25d: {  	v55 =	vadd.s32 v26, v32;
	[tilespmem:v49+s16+$0x0] =	vst.idx.msk $0xffff, v48;
	v41 =	vld [tilespmem:s14+$0xE0]  }
0x25e: {  	v57 =	vadd.s32 v14, v32;
	[tilespmem:v50+s16+$0x0] =	vst.idx.msk $0xffff, v45;
	v44 =	vld [tilespmem:s14+$0x120]  }
0x25f: {  	v58 =	vadd.s32 v2, v32;
	[tilespmem:v52+s16+$0x0] =	vst.idx.msk $0xffff, v51;
	v45 =	vld [tilespmem:s14+$0x20]  }
0x260: {  	v47 =	vadd.s32 v10, v32;
	[tilespmem:v54+s16+$0x0] =	vst.idx.msk $0xffff, v63;
	v37 =	vld [tilespmem:s14+$0xA0]  }
0x261: {  	v59 =	vadd.s32 v18, v32;
	[tilespmem:v56+s16+$0x0] =	vst.idx.msk $0xffff, v35;
	v48 =	vld [tilespmem:s14+$0x160]  }
0x262: {  	v60 =	vadd.s32 v6, v32;
	v49 =	vld [tilespmem:s14+$0x1E0];
	[tilespmem:v55+s16+$0x0] =	vst.idx.msk $0xffff, v34  }
0x263: {  	v61 =	vadd.s32 v22, v32;
	[tilespmem:v57+s16+$0x0] =	vst.idx.msk $0xffff, v41;
	v36 =	vld [tilespmem:s14+$0x1B0]  }
0x264: {  	v62 =	vadd.s32 v30, v32;
	[tilespmem:v58+s16+$0x0] =	vst.idx.msk $0xffff, v45;
	v50 =	vld [tilespmem:s14+$0xF0]  }
0x265: {  	v63 =	vadd.s32 v15, v32;
	[tilespmem:v47+s16+$0x0] =	vst.idx.msk $0xffff, v37;
	v35 =	vld [tilespmem:s14+$0x30]  }
0x266: {  	v46 =	vadd.s32 v27, v32;
	[tilespmem:v59+s16+$0x0] =	vst.idx.msk $0xffff, v44;
	v38 =	vld [tilespmem:s14+$0xB0]  }
0x267: {  	v42 =	vadd.s32 v11, v32;
	[tilespmem:v60+s16+$0x0] =	vst.idx.msk $0xffff, v53;
	v40 =	vld [tilespmem:s14+$0x130]  }
0x268: {  	v43 =	vadd.s32 v19, v32;
	[tilespmem:v61+s16+$0x0] =	vst.idx.msk $0xffff, v48;
	v39 =	vld [tilespmem:s14+$0x70]  }
0x269: {  	[tilespmem:v62+s16+$0x0] =	vst.idx.msk $0xffff, v49;
	v45 =	vadd.s32 v7, v32;
	v37 =	vld [tilespmem:s14+$0x170]  }
0x26a: {  	s5 =	simm.s32 $0x0;
	v33 =	vadd.s32 v31, v32;
	v44 =	vadd.s32 v3, v32;
	v34 =	vadd.s32 $0x8, v32;
	v41 =	vld [tilespmem:s14+$0x1F0];
	s14 =	simm.s32 $0x9B00;
	[tilespmem:v63+s16+$0x0] =	vst.idx.msk $0xffff, v50  }
.LBB2_35:
0x26b: {  	v47 =	vld [tilespmem:s14+$0xC0];
	v48 =	vadd.s32 v31, v34;
	s5 =	sadd.s32 $0x8, s5;
	v49 =	vadd.s32 v23, v32;
	[tilespmem:v46+s16+$0x0] =	vst.idx.msk $0xffff, v36;
	v32 =	vmov v34  }
0x26c: {  	v36 =	vadd.s32 v0, v34;
	v46 =	vadd.s32 v12, v34;
	v50 =	vld [tilespmem:s14+$0x180];
	p0 =	slt.u32 s5, $0x78;
	[tilespmem:v42+s16+$0x0] =	vst.idx.msk $0xffff, v38  }
0x26d: {  	v38 =	vadd.s32 v4, v34;
	v42 =	vld [tilespmem:s14+$0x1C0];
	[tilespmem:v43+s16+$0x0] =	vst.idx.msk $0xffff, v40  }
0x26e: {  	v51 =	vadd.s32 v28, v34;
	v43 =	vadd.s32 v8, v34;
	v40 =	vld [tilespmem:s14+$0x40];
	[tilespmem:v45+s16+$0x0] =	vst.idx.msk $0xffff, v39  }
0x26f: {  	v45 =	vadd.s32 v24, v34;
	v39 =	vld [tilespmem:s14+$0x80];
	[tilespmem:v44+s16+$0x0] =	vst.idx.msk $0xffff, v35  }
0x270: {  	v35 =	vld [tilespmem:s14+$0x140];
	[tilespmem:v33+s16+$0x0] =	vst.idx.msk $0xffff, v41;
	v33 =	vmov v48  }
0x271: {  	v44 =	vadd.s32 v20, v34;
	[tilespmem:v46+s16+$0x0] =	vst.idx.msk $0xffff, v47;
	v41 =	vld [tilespmem:s14+$0x100]  }
0x272: {  	v47 =	vadd.s32 v16, v34;
	v46 =	vld [tilespmem:s14+$0xD0];
	[tilespmem:v49+s16+$0x0] =	vst.idx.msk $0xffff, v37  }
0x273: {  	v37 =	vld [tilespmem:s14+$0x0];
	[tilespmem:v38+s16+$0x0] =	vst.idx.msk $0xffff, v40  }
0x274: {  	v38 =	vld [tilespmem:s14+$0x50];
	[tilespmem:v51+s16+$0x0] =	vst.idx.msk $0xffff, v42  }
0x275: {  	v40 =	vadd.s32 v5, v34;
	[tilespmem:v45+s16+$0x0] =	vst.idx.msk $0xffff, v50;
	v42 =	vld [tilespmem:s14+$0x1D0]  }
0x276: {  	[tilespmem:v44+s16+$0x0] =	vst.idx.msk $0xffff, v35;
	v35 =	vld [tilespmem:s14+$0x190];
	v44 =	vadd.s32 v25, v34  }
0x277: {  	v45 =	vadd.s32 v13, v34;
	[tilespmem:v47+s16+$0x0] =	vst.idx.msk $0xffff, v41;
	v41 =	vld [tilespmem:s14+$0x150]  }
0x278: {  	[tilespmem:v36+s16+$0x0] =	vst.idx.msk $0xffff, v37;
	v36 =	vld [tilespmem:s14+$0x110];
	v37 =	vadd.s32 v17, v34  }
0x279: {  	v48 =	vadd.s32 v1, v34;
	v47 =	vld [tilespmem:s14+$0x10];
	[tilespmem:v43+s16+$0x0] =	vst.idx.msk $0xffff, v39  }
0x27a: {  	v39 =	vadd.s32 v9, v34;
	[tilespmem:v40+s16+$0x0] =	vst.idx.msk $0xffff, v38;
	v38 =	vld [tilespmem:s14+$0x90]  }
0x27b: {  	v43 =	vadd.s32 v21, v34;
	v40 =	vld [tilespmem:s14+$0x60];
	[tilespmem:v44+s16+$0x0] =	vst.idx.msk $0xffff, v35  }
0x27c: {  	v44 =	vadd.s32 v26, v34;
	[tilespmem:v45+s16+$0x0] =	vst.idx.msk $0xffff, v46;
	v35 =	vld [tilespmem:s14+$0x1A0]  }
0x27d: {  	v45 =	vld [tilespmem:s14+$0xE0];
	[tilespmem:v37+s16+$0x0] =	vst.idx.msk $0xffff, v36;
	v37 =	vadd.s32 v29, v34  }
0x27e: {  	v46 =	vadd.s32 v14, v34;
	[tilespmem:v48+s16+$0x0] =	vst.idx.msk $0xffff, v47;
	v47 =	vld [tilespmem:s14+$0x120]  }
0x27f: {  	v49 =	vadd.s32 v2, v34;
	v48 =	vld [tilespmem:s14+$0x20];
	[tilespmem:v39+s16+$0x0] =	vst.idx.msk $0xffff, v38  }
0x280: {  	v39 =	vadd.s32 v10, v34;
	v38 =	vld [tilespmem:s14+$0xA0];
	[tilespmem:v43+s16+$0x0] =	vst.idx.msk $0xffff, v41  }
0x281: {  	v41 =	vadd.s32 v18, v34;
	v50 =	vld [tilespmem:s14+$0x160];
	[tilespmem:v44+s16+$0x0] =	vst.idx.msk $0xffff, v35  }
0x282: {  	v43 =	vadd.s32 v6, v34;
	v36 =	vld [tilespmem:s14+$0x1B0];
	[tilespmem:v37+s16+$0x0] =	vst.idx.msk $0xffff, v42  }
0x283: {  	v37 =	vadd.s32 v22, v34;
	[tilespmem:v46+s16+$0x0] =	vst.idx.msk $0xffff, v45;
	v44 =	vld [tilespmem:s14+$0x1E0]  }
0x284: {  	[tilespmem:v49+s16+$0x0] =	vst.idx.msk $0xffff, v48;
	v48 =	vld [tilespmem:s14+$0xF0];
	v49 =	vadd.s32 v30, v34  }
0x285: {  	v51 =	vadd.s32 v15, v34;
	v35 =	vld [tilespmem:s14+$0x30];
	[tilespmem:v39+s16+$0x0] =	vst.idx.msk $0xffff, v38  }
.Ltmp20:
0x286: {  	v46 =	vadd.s32 v27, v34;
	v38 =	vld [tilespmem:s14+$0xB0];
	[tilespmem:v41+s16+$0x0] =	vst.idx.msk $0xffff, v47;
	(pc) =	sbr.rel @p0 .LBB2_35-.Ltmp20, $4  }
0x287: {  	v42 =	vadd.s32 v11, v34;
	[tilespmem:v43+s16+$0x0] =	vst.idx.msk $0xffff, v40;
	v40 =	vld [tilespmem:s14+$0x130]  }
0x288: {  	v43 =	vadd.s32 v19, v34;
	v39 =	vld [tilespmem:s14+$0x70];
	[tilespmem:v37+s16+$0x0] =	vst.idx.msk $0xffff, v50  }
0x289: {  	v45 =	vadd.s32 v7, v34;
	v37 =	vld [tilespmem:s14+$0x170];
	[tilespmem:v49+s16+$0x0] =	vst.idx.msk $0xffff, v44  }
0x28a: {  	v34 =	vadd.s32 $0x8, v34;
	v44 =	vadd.s32 v3, v32;
	[tilespmem:v51+s16+$0x0] =	vst.idx.msk $0xffff, v48;
	v41 =	vld [tilespmem:s14+$0x1F0];
	s14 =	sadd.s32 $0x200, s14  }
0x28b: {  	_ =	sdelay $0x3  }
0x28c: {  	[tilespmem:v46+s16+$0x0] =	vst.idx.msk $0xffff, v36  }
0x28d: {  	v32 =	vadd.s32 v23, v32;
	[tilespmem:v42+s16+$0x0] =	vst.idx.msk $0xffff, v38  }
0x28e: {  	[tilespmem:v44+s16+$0x0] =	vst.idx.msk $0xffff, v35  }
0x28f: {  	s5 =	sshll.u32 s13, $0x12;
	[tilespmem:v43+s16+$0x0] =	vst.idx.msk $0xffff, v40  }
0x290: {  	s5 =	sor.u32 s6, s5;
	[tilespmem:v45+s16+$0x0] =	vst.idx.msk $0xffff, v39  }
0x291: {  	s5 =	sshrl.u32 s5, $0x3;
	[tilespmem:v33+s16+$0x0] =	vst.idx.msk $0xffff, v41  }
0x292: {  	s14 =	simm.s32 $0x14100;
	s13 =	sadd.s32 s2, s5;
	[tilespmem:v32+s16+$0x0] =	vst.idx.msk $0xffff, v37  }
0x293: {  	[hbm4b:s13+s3] =	stream.linear.scatter [tilespmem:s14], [sflag:$0xA], $0x80, $0x38;
	[tilespmem:$0x16300] =	vst v63  }
0x294: {  	s15 =	simm.s32 $0x14188;
	s14 =	sadd.s32 $0x10, s13  }
0x295: {  	[hbm4b:s14+s3] =	stream.linear.scatter [tilespmem:s15], [sflag:$0xA], $0x80, $0x38;
	[tilespmem:$0x16300] =	vst v63  }
0x296: {  	s17 =	simm.s32 $0x14210;
	s19 =	simm.s32 $0x14298;
	s18 =	sadd.s32 $0x20, s13  }
0x297: {  	[hbm4b:s18+s3] =	stream.linear.scatter [tilespmem:s17], [sflag:$0xA], $0x80, $0x38;
	[tilespmem:$0x16300] =	vst v63  }
0x298: {  	s5 =	simm.s32 $0x440;
	s20 =	sadd.s32 $0x30, s13;
	s14 =	simm.s32 $0x14320  }
0x299: {  	[hbm4b:s20+s3] =	stream.linear.scatter [tilespmem:s19], [sflag:$0xA], $0x80, $0x38;
	[tilespmem:$0x16300] =	vst v63  }
0x29a: {  	s15 =	sadd.s32 $0x40, s13;
	s17 =	simm.s32 $0x143A8;
	s18 =	sadd.s32 $0x50, s13  }
0x29b: {  	[hbm4b:s15+s3] =	stream.linear.scatter [tilespmem:s14], [sflag:$0xA], $0x80, $0x38;
	[tilespmem:$0x16300] =	vst v63  }
0x29c: {  	s19 =	simm.s32 $0x14430;
	s20 =	sadd.s32 $0x60, s13;
	s14 =	simm.s32 $0x2200  }
0x29d: {  	[hbm4b:s18+s3] =	stream.linear.scatter [tilespmem:s17], [sflag:$0xA], $0x80, $0x38;
	[tilespmem:$0x16300] =	vst v63  }
0x29e: {  	s15 =	simm.s32 $0x144B8;
	s17 =	sadd.s32 $0x70, s13;
	s13 =	sadd.s32 $0x1000, s13  }
0x29f: {  	[hbm4b:s20+s3] =	stream.linear.scatter [tilespmem:s19], [sflag:$0xA], $0x80, $0x38;
	[tilespmem:$0x16300] =	vst v63  }
.LBB2_37:
0x2a0: {  	[hbm4b:s17+s3] =	stream.linear.scatter [tilespmem:s15], [sflag:$0xA], $0x80, $0x38;
	[tilespmem:$0x16300] =	vst v63  }
0x2a1: {  	s15 =	smov.u32 s5;
	s5 =	smov.u32 s14  }
0x2a2: {  	s18 =	sadd.s32 $0x1100, s14;
	s5 =	sshra.s32 s5, $0x2;
	s17 =	sadd.s32 $0x14100, s15  }
0x2a3: {  	[hbm4b:s13+s3] =	stream.linear.scatter [tilespmem:s17], [sflag:$0xA], $0x80, $0x38;
	[tilespmem:$0x16300] =	vst v63  }
0x2a4: {  	p0 =	sne.s32 s14, $0x7700;
	s14 =	sadd.s32 $0x14188, s15;
	s17 =	sadd.s32 $0x10, s13  }
0x2a5: {  	[hbm4b:s17+s3] =	stream.linear.scatter [tilespmem:s14], [sflag:$0xA], $0x80, $0x38;
	[tilespmem:$0x16300] =	vst v63  }
0x2a6: {  	s14 =	sadd.s32 $0x14210, s15;
	s17 =	sadd.s32 $0x20, s13  }
0x2a7: {  	[hbm4b:s17+s3] =	stream.linear.scatter [tilespmem:s14], [sflag:$0xA], $0x80, $0x38;
	[tilespmem:$0x16300] =	vst v63  }
0x2a8: {  	s14 =	sadd.s32 $0x14298, s15;
	s17 =	sadd.s32 $0x30, s13  }
0x2a9: {  	[hbm4b:s17+s3] =	stream.linear.scatter [tilespmem:s14], [sflag:$0xA], $0x80, $0x38;
	[tilespmem:$0x16300] =	vst v63  }
0x2aa: {  	s14 =	sadd.s32 $0x14320, s15;
	s17 =	sadd.s32 $0x40, s13  }
0x2ab: {  	[hbm4b:s17+s3] =	stream.linear.scatter [tilespmem:s14], [sflag:$0xA], $0x80, $0x38;
	[tilespmem:$0x16300] =	vst v63  }
.Ltmp21:
0x2ac: {  	s14 =	sadd.s32 $0x143A8, s15;
	s17 =	sadd.s32 $0x50, s13;
	(pc) =	sbr.rel @p0 .LBB2_37-.Ltmp21, $4  }
0x2ad: {  	[hbm4b:s17+s3] =	stream.linear.scatter [tilespmem:s14], [sflag:$0xA], $0x80, $0x38;
	[tilespmem:$0x16300] =	vst v63  }
0x2ae: {  	s14 =	sadd.s32 $0x14430, s15;
	s17 =	sadd.s32 $0x60, s13;
	s15 =	sadd.s32 $0x144B8, s15  }
0x2af: {  	[hbm4b:s17+s3] =	stream.linear.scatter [tilespmem:s14], [sflag:$0xA], $0x80, $0x38;
	[tilespmem:$0x16300] =	vst v63  }
0x2b0: {  	s17 =	sadd.s32 $0x70, s13;
	s13 =	sadd.s32 $0x1000, s13;
	s14 =	smov.u32 s18  }
0x2b1: {  	[hbm4b:s17+s3] =	stream.linear.scatter [tilespmem:s15], [sflag:$0xA], $0x80, $0x38;
	[tilespmem:$0x16300] =	vst v63  }
0x2b2: {  	s14 =	sadd.s32 $0x14100, s5  }
0x2b3: {  	[hbm4b:s13+s3] =	stream.linear.scatter [tilespmem:s14], [sflag:$0xA], $0x80, $0x38;
	[tilespmem:$0x16300] =	vst v63  }
0x2b4: {  	s19 =	sadd.s32 $0x14188, s5;
	s20 =	sadd.s32 $0x10, s13  }
0x2b5: {  	[hbm4b:s20+s3] =	stream.linear.scatter [tilespmem:s19], [sflag:$0xA], $0x80, $0x38;
	[tilespmem:$0x16300] =	vst v63  }
0x2b6: {  	s17 =	sadd.s32 $0x14210, s5;
	s18 =	sadd.s32 $0x20, s13  }
0x2b7: {  	[hbm4b:s18+s3] =	stream.linear.scatter [tilespmem:s17], [sflag:$0xA], $0x80, $0x38;
	[tilespmem:$0x16300] =	vst v63  }
0x2b8: {  	s19 =	sadd.s32 $0x14298, s5;
	s20 =	sadd.s32 $0x30, s13  }
0x2b9: {  	[hbm4b:s20+s3] =	stream.linear.scatter [tilespmem:s19], [sflag:$0xA], $0x80, $0x38;
	[tilespmem:$0x16300] =	vst v63  }
0x2ba: {  	s10 =	sadd.s32 $0x1, s10;
	s17 =	sadd.s32 $0x14320, s5;
	s18 =	sadd.s32 $0x40, s13  }
0x2bb: {  	[hbm4b:s18+s3] =	stream.linear.scatter [tilespmem:s17], [sflag:$0xA], $0x80, $0x38;
	[tilespmem:$0x16300] =	vst v63  }
0x2bc: {  	p0 =	sne.s32 s10, $0xA;
	s19 =	sadd.s32 $0x143A8, s5;
	s20 =	sadd.s32 $0x50, s13  }
0x2bd: {  	[hbm4b:s20+s3] =	stream.linear.scatter [tilespmem:s19], [sflag:$0xA], $0x80, $0x38;
	[tilespmem:$0x16300] =	vst v63  }
.Ltmp22:
0x2be: {  	_ = 	snop;
	(pc) =	sbr.rel @p0 .LBB2_2-.Ltmp22, $4  }
0x2bf: {  	s17 =	sadd.s32 $0x14430, s5;
	s18 =	sadd.s32 $0x60, s13  }
0x2c0: {  	[hbm4b:s18+s3] =	stream.linear.scatter [tilespmem:s17], [sflag:$0xA], $0x80, $0x38;
	[tilespmem:$0x16300] =	vst v63  }
0x2c1: {  	s19 =	sadd.s32 $0x144B8, s5;
	s20 =	sadd.s32 $0x70, s13  }
0x2c2: {  	[hbm4b:s20+s3] =	stream.linear.scatter [tilespmem:s19], [sflag:$0xA], $0x80, $0x38;
	[tilespmem:$0x16300] =	vst v63  }
0x2c3: {  	s5 =	simm.s32 $0x6  }
0x2c4: {  	_ =	swait.ge [sflag:s5], $0x2000  }
0x2c5: {  	[sflag:s5] =	ssyncset.done $0x0  }
0x2c6: {  	[sflag:s5] =	ssyncadd.s32 $0xFFFFE000  }
0x2c7: {  	_ =	swait.ge [sflag:s24], $0x2000  }
0x2c8: {  	[sflag:s24] =	ssyncset.done $0x0  }
0x2c9: {  	[sflag:s24] =	ssyncadd.s32 $0xFFFFE000  }
0x2ca: {  	_ =	swait.ge [sflag:s28], $0x2000  }
0x2cb: {  	[sflag:s28] =	ssyncset.done $0x0  }
0x2cc: {  	[sflag:s28] =	ssyncadd.s32 $0xFFFFE000  }
0x2cd: {  	_ =	swait.ge [sflag:s31], $0x2000  }
0x2ce: {  	[sflag:s31] =	ssyncset.done $0x0  }
0x2cf: {  	[sflag:s31] =	ssyncadd.s32 $0xFFFFE000  }
0x2d0: {  	_ =	swait.ge [sflag:s12], $0x2000  }
0x2d1: {  	s10 =	rddreg [dreg:$0x5]  }
0x2d2: {  	s20 =	rddreg [dreg:$0x4];
	s10 =	sadd.s32 $0x1, s10  }
0x2d3: {  	p0 =	sne.s32 s10, s20  }
.Ltmp23:
0x2d4: {  	_ = 	snop;
	(pc) =	sbr.rel @p0 .LBB2_1-.Ltmp23, $3  }
0x2d5: {  	_ =	sdelay $0x1  }
0x2d6: {  	[sflag:s12] =	ssyncset.done $0x0  }
0x2d7: {  	[sflag:s12] =	ssyncadd.s32 $0xFFFFE000  }
0x2d8: {  	_ =	sfence.sel $0x180000  }
0x2d9: {  	[bflag:$0x0] =	sbarrier.arrive $0xFFFF  }
0x2da: {  	_ =	strace $0x90000047  }
0x2db: {  	s0 =	stileid.u32;
	[bflag:$0x2] =	sbarrier.arrive $0xFFFF  }
0x2dc: {  	p0 =	sne.s32 s0, $0x0;
	s0 =	rddreg [dreg:$0x2]  }
0x2dd: {  	s0 =	sadd.s32 @!p0 $0x100000, s0  }
0x2de: {  	[sflag:s0] =	ssyncadd.tile.s32 @!p0 $0x1;
	_ =	shalt  }
.Lfunc_end2:
_tile_overlayer_lowered:
.L_overlay_start_2:
0x2df: {  	(tag) =	ssettag $0x2  }
0x2e0: {  	s0 =	rddreg [dreg:$0x0];
	s2 =	stileid.u32  }
0x2e1: {  	s1 =	rddreg [dreg:$0x1];
	p0 =	sne.s32 s2, $0x0  }
0x2e2: {  	s3 =	rddreg [dreg:$0x2];
	[bflag:$0x3] =	sbarrier.arrive $0xFFFF;
	s2 =	simm.s32 @!p0 $0x1C0B  }
0x2e3: {  	[timem:s3], [sflag:s2] =	dma.local @!p0 [hbm:s0], s1  }
0x2e4: {  	s0 =	simm.s32 @!p0 $0xB  }
0x2e5: {  	_ =	swait.ge @!p0 [sflag:s0], s1  }
0x2e6: {  	s1 =	ssub.s32 @!p0 $0x0, s1;
	[sflag:s0] =	ssyncset.done @!p0 $0x0  }
0x2e7: {  	[sflag:s0] =	ssyncadd.s32 @!p0 s1  }
0x2e8: {  	[bflag:$0x3] =	sbarrier.arrive $0xFFFF  }
0x2e9: {  	_ =	shalt  }

</sc_bundles>
